<compile_context>
chip_gen: v7x
topology: tpu7x:2x2x1
jax: 0.10.2.dev20260603
libtpu: 0.0.44.dev20260713+nightly
codegen_flags: <defaults>
</compile_context>

<pallas_src>
import functools

import jax
import jax.numpy as jnp
from jax import lax
from jax.experimental import pallas as pl
from jax.experimental.pallas import tpu as pltpu
from jax.experimental.pallas import tpu_sc as plsc

N = 10000
E = 320000
H = 128
G = 16
C = 10

NC = 2
NS = 16
NW = NC * NS
EPW = E // NW
CHUNK = 40
NCHUNKS = EPW // CHUNK
ROWS_PS = 624
TAIL = N - NS * ROWS_PS

_sc_mesh = plsc.VectorSubcoreMesh(core_axis_name="c", subcore_axis_name="s")


RB = 7


@functools.partial(
    pl.kernel,
    out_type=jax.ShapeDtypeStruct((NC, N, H), jnp.float32),
    mesh=_sc_mesh,
    scratch_types=[
        pltpu.VMEM((EPW,), jnp.int32),
        pltpu.VMEM((RB, CHUNK), jnp.int32),
        pltpu.VMEM((RB, CHUNK, H), jnp.float32),
        pltpu.VMEM_SHARED((N, H), jnp.float32),
        pltpu.SemaphoreType.DMA((RB,)),
        pltpu.SemaphoreType.DMA((RB,)),
        pltpu.SemaphoreType.DMA((RB,)),
        pltpu.SemaphoreType.DMA,
    ],
)
def _edge_agg(x_hbm, src_hbm, dst_hbm, init_hbm, out_hbm,
              src_v, dst_v, rows, agg_s, sem_i, sem_g, sem_s, sem0):
    cid = lax.axis_index("c")
    sid = lax.axis_index("s")
    wid = sid * NC + cid
    base = wid * EPW
    r0 = sid * ROWS_PS

    idx_cp1 = pltpu.async_copy(src_hbm.at[pl.ds(base, EPW)], src_v, sem0)

    @pl.when(cid == 0)
    def _():
        pltpu.async_copy(x_hbm.at[pl.ds(r0, ROWS_PS)],
                         agg_s.at[pl.ds(r0, ROWS_PS)], sem0).wait()

        @pl.when(sid == NS - 1)
        def _():
            pltpu.async_copy(x_hbm.at[pl.ds(NS * ROWS_PS, TAIL)],
                             agg_s.at[pl.ds(NS * ROWS_PS, TAIL)], sem0).wait()

    @pl.when(cid != 0)
    def _():
        pltpu.async_copy(init_hbm.at[pl.ds(r0, ROWS_PS)],
                         agg_s.at[pl.ds(r0, ROWS_PS)], sem0).wait()

        @pl.when(sid == NS - 1)
        def _():
            pltpu.async_copy(init_hbm.at[pl.ds(NS * ROWS_PS, TAIL)],
                             agg_s.at[pl.ds(NS * ROWS_PS, TAIL)], sem0).wait()

    idx_cp1.wait()
    plsc.subcore_barrier()

    def gather_desc(c, j):
        return pltpu.make_async_copy(
            x_hbm.at[src_v.at[pl.ds(c * CHUNK, CHUNK)]], rows.at[j],
            sem_g.at[j])

    def dst_desc(c, j):
        return pltpu.make_async_copy(
            dst_hbm.at[pl.ds(base + c * CHUNK, CHUNK)], dst_v.at[j],
            sem_i.at[j])

    def scatter_desc(j):
        return pltpu.make_async_copy(rows.at[j], agg_s.at[dst_v.at[j]],
                                     sem_s.at[j])

    DS = 5
    NR = (NCHUNKS + RB + RB - 1) // RB

    @pl.loop(0, NR)
    def _(r):
        for j in range(RB):
            i = r * RB + j

            @pl.when(jnp.logical_and(i >= RB, i < NCHUNKS + RB))
            def _():
                scatter_desc(j).wait()

            @pl.when(i < NCHUNKS)
            def _():
                gather_desc(i, j).start()
                dst_desc(i, j).start()

            js = (j - DS) % RB

            @pl.when(jnp.logical_and(i >= DS, i < NCHUNKS + DS))
            def _():
                gather_desc(0, js).wait()
                dst_desc(0, js).wait()
                pltpu.async_copy(rows.at[js], agg_s.at[dst_v.at[js]],
                                 sem_s.at[js], add=True)

    plsc.subcore_barrier()

    pltpu.sync_copy(agg_s.at[pl.ds(sid * ROWS_PS, ROWS_PS)],
                    out_hbm.at[cid, pl.ds(sid * ROWS_PS, ROWS_PS)])

    @pl.when(sid == NS - 1)
    def _():
        pltpu.sync_copy(agg_s.at[pl.ds(NS * ROWS_PS, TAIL)],
                        out_hbm.at[cid, pl.ds(NS * ROWS_PS, TAIL)])


def _elu(v):
    return jnp.where(v > 0, v, jnp.exp(jnp.minimum(v, 0.0)) - 1.0)


BLK = 5000


def _mlp1_body(p0_ref, p1_ref, w1_ref, b1_ref, w2_ref, b2_ref, o_ref):
    h = p0_ref[0] + p1_ref[0]
    h = _elu(jnp.dot(h, w1_ref[...], preferred_element_type=jnp.float32)
             + b1_ref[...])
    h = jnp.dot(h, w2_ref[...], preferred_element_type=jnp.float32) + b2_ref[...]
    o_ref[...] = _elu(h)


def _mlp1(parts, w1, b1, w2, b2):
    full = lambda a: pl.BlockSpec(a.shape, lambda i: (0,) * a.ndim)
    return pl.pallas_call(
        _mlp1_body,
        grid=(N // BLK,),
        in_specs=[
            pl.BlockSpec((1, BLK, H), lambda i: (0, i, 0)),
            pl.BlockSpec((1, BLK, H), lambda i: (1, i, 0)),
            full(w1), full(b1), full(w2), full(b2),
        ],
        out_specs=pl.BlockSpec((BLK, H), lambda i: (i, 0)),
        out_shape=jax.ShapeDtypeStruct((N, H), jnp.float32),
    )(parts, parts, w1, b1, w2, b2)


def _mlp2_body(p0_ref, p1_ref, batch_ref,
               w1_ref, b1_ref, w2_ref, b2_ref,
               m1_ref, mb1_ref, m2_ref, mb2_ref, m3_ref, mb3_ref,
               o_ref, g_acc):
    i = pl.program_id(0)

    @pl.when(i == 0)
    def _():
        g_acc[...] = jnp.zeros((G, H), jnp.float32)

    h = p0_ref[0] + p1_ref[0]
    h = _elu(jnp.dot(h, w1_ref[...], preferred_element_type=jnp.float32)
             + b1_ref[...])
    h = jnp.dot(h, w2_ref[...], preferred_element_type=jnp.float32) + b2_ref[...]
    h = _elu(h)

    oneh = (batch_ref[...] ==
            lax.broadcasted_iota(jnp.int32, (1, G), 1)).astype(jnp.float32)
    g_acc[...] += lax.dot_general(oneh, h, (((0,), (0,)), ((), ())),
                                  preferred_element_type=jnp.float32)

    @pl.when(i == pl.num_programs(0) - 1)
    def _():
        g = g_acc[...]
        g = _elu(jnp.dot(g, m1_ref[...], preferred_element_type=jnp.float32)
                 + mb1_ref[...])
        g = _elu(jnp.dot(g, m2_ref[...], preferred_element_type=jnp.float32)
                 + mb2_ref[...])
        o_ref[...] = (jnp.dot(g, m3_ref[...], preferred_element_type=jnp.float32)
                      + mb3_ref[...])


def _mlp2(parts, batch2d, w1, b1, w2, b2, m1, mb1, m2, mb2, m3, mb3):
    full = lambda a: pl.BlockSpec(a.shape, lambda i: (0,) * a.ndim)
    return pl.pallas_call(
        _mlp2_body,
        grid=(N // BLK,),
        in_specs=[
            pl.BlockSpec((1, BLK, H), lambda i: (0, i, 0)),
            pl.BlockSpec((1, BLK, H), lambda i: (1, i, 0)),
            pl.BlockSpec((BLK, 1), lambda i: (i, 0)),
            full(w1), full(b1), full(w2), full(b2),
            full(m1), full(mb1), full(m2), full(mb2), full(m3), full(mb3),
        ],
        out_specs=pl.BlockSpec((G, C), lambda i: (0, 0)),
        out_shape=jax.ShapeDtypeStruct((G, C), jnp.float32),
        scratch_shapes=[pltpu.VMEM((G, H), jnp.float32)],
    )(parts, parts, batch2d, w1, b1, w2, b2,
      m1, mb1, m2, mb2, m3, mb3)


def kernel(x, edge_index, batch, pre_W1, pre_b1, pre_W2, pre_b2,
           post_W1, post_b1, post_W2, post_b2,
           mlp_W1, mlp_b1, mlp_W2, mlp_b2, mlp_W3, mlp_b3):
    src = edge_index[0]
    dst = edge_index[1]
    batch2d = batch[:, None]
    zeros = jnp.zeros((N, H), jnp.float32)

    parts1 = _edge_agg(x, src, dst, zeros)
    h1 = _mlp1(parts1, pre_W1, pre_b1[None, :], pre_W2, pre_b2[None, :])
    parts2 = _edge_agg(h1, src, dst, zeros)
    out = _mlp2(parts2, batch2d,
                post_W1, post_b1[None, :], post_W2, post_b2[None, :],
                mlp_W1, mlp_b1[None, :], mlp_W2, mlp_b2[None, :],
                mlp_W3, mlp_b3[None, :])
    return out

# --- scband reference (transcript-rebuilt; emitter-appended) ---
"""Pipeline reference for scband-graph-classification-model-73383811219614 (READ-ONLY COPY).

The authoritative reference and input builder live on the scoring server;
editing this copy changes nothing except your own understanding.
"""

import jax, jax.numpy as jnp
import numpy as np

N = 10000
E = 320000
DIN = 128
H = 128
C = 10
G = 16


def _glorot(k, shape):
    fan_in, fan_out = shape
    lim = np.sqrt(6.0 / (fan_in + fan_out))
    return jax.random.uniform(k, shape, jnp.float32, -lim, lim)


def setup_inputs(seed: int = 0) -> dict:
    key = jax.random.key(seed)
    ks = jax.random.split(key, 20)
    inp = {}
    inp['x'] = jax.random.normal(ks[0], (N, DIN), dtype=jnp.float32)
    inp['edge_index'] = jax.random.randint(ks[1], (2, E), 0, N, dtype=jnp.int32)
    inp['batch'] = jnp.sort(jax.random.randint(ks[2], (N,), 0, G, dtype=jnp.int32))
    # pre GINConv MLP: [DIN, H, H]
    inp['pre_W1'] = _glorot(ks[3], (DIN, H)); inp['pre_b1'] = jnp.zeros((H,), jnp.float32)
    inp['pre_W2'] = _glorot(ks[4], (H, H));   inp['pre_b2'] = jnp.zeros((H,), jnp.float32)
    # post GINConv MLP: [H, H, H]
    inp['post_W1'] = _glorot(ks[5], (H, H)); inp['post_b1'] = jnp.zeros((H,), jnp.float32)
    inp['post_W2'] = _glorot(ks[6], (H, H)); inp['post_b2'] = jnp.zeros((H,), jnp.float32)
    # readout MLP: [H, H, H//2, C]
    inp['mlp_W1'] = _glorot(ks[7], (H, H));        inp['mlp_b1'] = jnp.zeros((H,), jnp.float32)
    inp['mlp_W2'] = _glorot(ks[8], (H, H // 2));   inp['mlp_b2'] = jnp.zeros((H // 2,), jnp.float32)
    inp['mlp_W3'] = _glorot(ks[9], (H // 2, C));   inp['mlp_b3'] = jnp.zeros((C,), jnp.float32)
    return inp


def _gin_conv(x, src, dst, W1, b1, W2, b2):
    # GINConv, train_eps=False, eps=0: nn((1+eps)*x + sum_{j->i} x_j)
    agg = jnp.zeros_like(x).at[dst].add(x[src])
    h = x + agg
    # PyG MLP([a,b,c]): lin -> act -> lin (BatchNorm is identity at init/eval)
    h = jax.nn.elu(h @ W1 + b1)
    h = h @ W2 + b2
    return h


def reference(x, edge_index, batch, pre_W1, pre_b1, pre_W2, pre_b2,
              post_W1, post_b1, post_W2, post_b2,
              mlp_W1, mlp_b1, mlp_W2, mlp_b2, mlp_W3, mlp_b3):
    src = edge_index[0]
    dst = edge_index[1]
    # pre conv layer + ELU
    h = jax.nn.elu(_gin_conv(x, src, dst, pre_W1, pre_b1, pre_W2, pre_b2))
    # pooler == 'nopool': pass
    # post conv layer + ELU
    h = jax.nn.elu(_gin_conv(h, src, dst, post_W1, post_b1, post_W2, post_b2))
    # global_add_pool
    g = jax.ops.segment_sum(h, batch, num_segments=G)
    # readout MLP (dropout inactive in eval)
    g = jax.nn.elu(g @ mlp_W1 + mlp_b1)
    g = jax.nn.elu(g @ mlp_W2 + mlp_b2)
    out = g @ mlp_W3 + mlp_b3
    return out

if __name__ == "__main__":
    import jax
    _d = setup_inputs()
    print(jax.jit(kernel)(*tuple(_d.values())))

</pallas_src>

<mosaic_0001>
#map = affine_map<(d0, d1) -> (0, 0)>
#map1 = affine_map<(d0, d1) -> (0)>
#map2 = affine_map<(d0, d1) -> (0, 0, 0)>
module attributes {stable_mosaic.version = 14 : i64} {
  func.func @_edge_agg(%arg0: i32, %arg1: i32, %arg2: memref<10000x128xf32, #tpu.memory_space<hbm>>, %arg3: memref<320000xi32, #tpu.memory_space<hbm>>, %arg4: memref<320000xi32, #tpu.memory_space<hbm>>, %arg5: memref<10000x128xf32, #tpu.memory_space<hbm>>, %arg6: memref<2x10000x128xf32, #tpu.memory_space<hbm>>, %arg7: memref<10000xi32, #tpu.memory_space<vmem>>, %arg8: memref<7x40xi32, #tpu.memory_space<vmem>>, %arg9: memref<7x40x128xf32, #tpu.memory_space<vmem>>, %arg10: memref<10000x128xf32, #tpu.memory_space<vmem_shared>>, %arg11: memref<7x!tpu.dma_semaphore, #tpu.memory_space<semaphore_mem>>, %arg12: memref<7x!tpu.dma_semaphore, #tpu.memory_space<semaphore_mem>>, %arg13: memref<7x!tpu.dma_semaphore, #tpu.memory_space<semaphore_mem>>, %arg14: memref<!tpu.dma_semaphore, #tpu.memory_space<semaphore_mem>>) attributes {dimension_semantics = [#tpu.dimension_semantics<core_parallel>, #tpu.dimension_semantics<subcore_parallel>], iteration_bounds = array<i64: 2, 16>, scalar_prefetch = 0 : i64, scratch_operands = 8 : i64, tpu.core_type = #tpu.core_type<sc_vector_subcore>, window_params = [{transform_indices = #map}, {transform_indices = #map1}, {transform_indices = #map1}, {transform_indices = #map}, {transform_indices = #map2}]} {
    %mul3A = arith.constant 2 : i32
    %mul3A_0 = arith.muli %arg1, %mul3A : i32
    %add3A = arith.addi %mul3A_0, %arg0 : i32
    %mul3A_1 = arith.constant 10000 : i32
    %mul3A_2 = arith.muli %add3A, %mul3A_1 : i32
    %mul3A_3 = arith.constant 624 : i32
    %mul3A_4 = arith.muli %arg1, %mul3A_3 : i32
    %dma_start3A = tpu.memref_slice %arg3[%mul3A_2] : memref<320000xi32, #tpu.memory_space<hbm>> -> memref<10000xi32, #tpu.memory_space<hbm>>
    %dma_start3A_5 = tpu.memref_slice %arg3[%mul3A_2] : memref<320000xi32, #tpu.memory_space<hbm>> -> memref<10000xi32, #tpu.memory_space<hbm>>
    tpu.enqueue_dma source(%dma_start3A_5 : memref<10000xi32, #tpu.memory_space<hbm>>) target(%arg7 : memref<10000xi32, #tpu.memory_space<vmem>>) target_semaphore(%arg14 : memref<!tpu.dma_semaphore, #tpu.memory_space<semaphore_mem>>)
    %eq3A = arith.constant 0 : i32
    %eq3A_6 = arith.cmpi eq, %arg0, %eq3A : i32
    %convert_element_type3A = arith.extui %eq3A_6 : i1 to i32
    %cond3A = arith.constant 0 : i32
    %cond3A_7 = arith.cmpi ne, %convert_element_type3A, %cond3A : i32
    scf.if %cond3A_7 {
      %dma_start3A_27 = arith.constant 0 : i32
      %dma_start3A_28 = tpu.memref_slice %arg10[%mul3A_4, %dma_start3A_27] : memref<10000x128xf32, #tpu.memory_space<vmem_shared>> -> memref<624x128xf32, #tpu.memory_space<vmem_shared>>
      %dma_start3A_29 = arith.constant 0 : i32
      %dma_start3A_30 = tpu.memref_slice %arg2[%mul3A_4, %dma_start3A_29] : memref<10000x128xf32, #tpu.memory_space<hbm>> -> memref<624x128xf32, #tpu.memory_space<hbm>>
      tpu.enqueue_dma source(%dma_start3A_30 : memref<624x128xf32, #tpu.memory_space<hbm>>) target(%dma_start3A_28 : memref<624x128xf32, #tpu.memory_space<vmem_shared>>) target_semaphore(%arg14 : memref<!tpu.dma_semaphore, #tpu.memory_space<semaphore_mem>>)
      %dma_wait3A_31 = arith.constant 0 : i32
      %dma_wait3A_32 = tpu.memref_slice %arg10[%mul3A_4, %dma_wait3A_31] : memref<10000x128xf32, #tpu.memory_space<vmem_shared>> -> memref<624x128xf32, #tpu.memory_space<vmem_shared>>
      %dma_wait3A_33 = arith.constant 0 : i32
      %dma_wait3A_34 = tpu.memref_slice %arg2[%mul3A_4, %dma_wait3A_33] : memref<10000x128xf32, #tpu.memory_space<hbm>> -> memref<624x128xf32, #tpu.memory_space<hbm>>
      tpu.wait_dma2 semaphore(%arg14 : memref<!tpu.dma_semaphore, #tpu.memory_space<semaphore_mem>>) src(%dma_wait3A_34 : memref<624x128xf32, #tpu.memory_space<hbm>>) dst(%dma_wait3A_32 : memref<624x128xf32, #tpu.memory_space<vmem_shared>>)
      %eq3A_35 = arith.constant 15 : i32
      %eq3A_36 = arith.cmpi eq, %arg1, %eq3A_35 : i32
      %convert_element_type3A_37 = arith.extui %eq3A_36 : i1 to i32
      %cond3A_38 = arith.constant 0 : i32
      %cond3A_39 = arith.cmpi ne, %convert_element_type3A_37, %cond3A_38 : i32
      scf.if %cond3A_39 {
        %dma_start3A_40 = arith.constant 9984 : i32
        %dma_start3A_41 = arith.constant 0 : i32
        %dma_start3A_42 = tpu.memref_slice %arg10[%dma_start3A_40, %dma_start3A_41] : memref<10000x128xf32, #tpu.memory_space<vmem_shared>> -> memref<16x128xf32, #tpu.memory_space<vmem_shared>>
        %dma_start3A_43 = arith.constant 9984 : i32
        %dma_start3A_44 = arith.constant 0 : i32
        %dma_start3A_45 = tpu.memref_slice %arg2[%dma_start3A_43, %dma_start3A_44] : memref<10000x128xf32, #tpu.memory_space<hbm>> -> memref<16x128xf32, #tpu.memory_space<hbm>>
        tpu.enqueue_dma source(%dma_start3A_45 : memref<16x128xf32, #tpu.memory_space<hbm>>) target(%dma_start3A_42 : memref<16x128xf32, #tpu.memory_space<vmem_shared>>) target_semaphore(%arg14 : memref<!tpu.dma_semaphore, #tpu.memory_space<semaphore_mem>>)
        %dma_wait3A_46 = arith.constant 9984 : i32
        %dma_wait3A_47 = arith.constant 0 : i32
        %dma_wait3A_48 = tpu.memref_slice %arg10[%dma_wait3A_46, %dma_wait3A_47] : memref<10000x128xf32, #tpu.memory_space<vmem_shared>> -> memref<16x128xf32, #tpu.memory_space<vmem_shared>>
        %dma_wait3A_49 = arith.constant 9984 : i32
        %dma_wait3A_50 = arith.constant 0 : i32
        %dma_wait3A_51 = tpu.memref_slice %arg2[%dma_wait3A_49, %dma_wait3A_50] : memref<10000x128xf32, #tpu.memory_space<hbm>> -> memref<16x128xf32, #tpu.memory_space<hbm>>
        tpu.wait_dma2 semaphore(%arg14 : memref<!tpu.dma_semaphore, #tpu.memory_space<semaphore_mem>>) src(%dma_wait3A_51 : memref<16x128xf32, #tpu.memory_space<hbm>>) dst(%dma_wait3A_48 : memref<16x128xf32, #tpu.memory_space<vmem_shared>>)
      } else {
      }
    } else {
    }
    %ne3A = arith.constant 0 : i32
    %ne3A_8 = arith.cmpi ne, %arg0, %ne3A : i32
    %convert_element_type3A_9 = arith.extui %ne3A_8 : i1 to i32
    %cond3A_10 = arith.constant 0 : i32
    %cond3A_11 = arith.cmpi ne, %convert_element_type3A_9, %cond3A_10 : i32
    scf.if %cond3A_11 {
      %dma_start3A_27 = arith.constant 0 : i32
      %dma_start3A_28 = tpu.memref_slice %arg10[%mul3A_4, %dma_start3A_27] : memref<10000x128xf32, #tpu.memory_space<vmem_shared>> -> memref<624x128xf32, #tpu.memory_space<vmem_shared>>
      %dma_start3A_29 = arith.constant 0 : i32
      %dma_start3A_30 = tpu.memref_slice %arg5[%mul3A_4, %dma_start3A_29] : memref<10000x128xf32, #tpu.memory_space<hbm>> -> memref<624x128xf32, #tpu.memory_space<hbm>>
      tpu.enqueue_dma source(%dma_start3A_30 : memref<624x128xf32, #tpu.memory_space<hbm>>) target(%dma_start3A_28 : memref<624x128xf32, #tpu.memory_space<vmem_shared>>) target_semaphore(%arg14 : memref<!tpu.dma_semaphore, #tpu.memory_space<semaphore_mem>>)
      %dma_wait3A_31 = arith.constant 0 : i32
      %dma_wait3A_32 = tpu.memref_slice %arg10[%mul3A_4, %dma_wait3A_31] : memref<10000x128xf32, #tpu.memory_space<vmem_shared>> -> memref<624x128xf32, #tpu.memory_space<vmem_shared>>
      %dma_wait3A_33 = arith.constant 0 : i32
      %dma_wait3A_34 = tpu.memref_slice %arg5[%mul3A_4, %dma_wait3A_33] : memref<10000x128xf32, #tpu.memory_space<hbm>> -> memref<624x128xf32, #tpu.memory_space<hbm>>
      tpu.wait_dma2 semaphore(%arg14 : memref<!tpu.dma_semaphore, #tpu.memory_space<semaphore_mem>>) src(%dma_wait3A_34 : memref<624x128xf32, #tpu.memory_space<hbm>>) dst(%dma_wait3A_32 : memref<624x128xf32, #tpu.memory_space<vmem_shared>>)
      %eq3A_35 = arith.constant 15 : i32
      %eq3A_36 = arith.cmpi eq, %arg1, %eq3A_35 : i32
      %convert_element_type3A_37 = arith.extui %eq3A_36 : i1 to i32
      %cond3A_38 = arith.constant 0 : i32
      %cond3A_39 = arith.cmpi ne, %convert_element_type3A_37, %cond3A_38 : i32
      scf.if %cond3A_39 {
        %dma_start3A_40 = arith.constant 9984 : i32
        %dma_start3A_41 = arith.constant 0 : i32
        %dma_start3A_42 = tpu.memref_slice %arg10[%dma_start3A_40, %dma_start3A_41] : memref<10000x128xf32, #tpu.memory_space<vmem_shared>> -> memref<16x128xf32, #tpu.memory_space<vmem_shared>>
        %dma_start3A_43 = arith.constant 9984 : i32
        %dma_start3A_44 = arith.constant 0 : i32
        %dma_start3A_45 = tpu.memref_slice %arg5[%dma_start3A_43, %dma_start3A_44] : memref<10000x128xf32, #tpu.memory_space<hbm>> -> memref<16x128xf32, #tpu.memory_space<hbm>>
        tpu.enqueue_dma source(%dma_start3A_45 : memref<16x128xf32, #tpu.memory_space<hbm>>) target(%dma_start3A_42 : memref<16x128xf32, #tpu.memory_space<vmem_shared>>) target_semaphore(%arg14 : memref<!tpu.dma_semaphore, #tpu.memory_space<semaphore_mem>>)
        %dma_wait3A_46 = arith.constant 9984 : i32
        %dma_wait3A_47 = arith.constant 0 : i32
        %dma_wait3A_48 = tpu.memref_slice %arg10[%dma_wait3A_46, %dma_wait3A_47] : memref<10000x128xf32, #tpu.memory_space<vmem_shared>> -> memref<16x128xf32, #tpu.memory_space<vmem_shared>>
        %dma_wait3A_49 = arith.constant 9984 : i32
        %dma_wait3A_50 = arith.constant 0 : i32
        %dma_wait3A_51 = tpu.memref_slice %arg5[%dma_wait3A_49, %dma_wait3A_50] : memref<10000x128xf32, #tpu.memory_space<hbm>> -> memref<16x128xf32, #tpu.memory_space<hbm>>
        tpu.wait_dma2 semaphore(%arg14 : memref<!tpu.dma_semaphore, #tpu.memory_space<semaphore_mem>>) src(%dma_wait3A_51 : memref<16x128xf32, #tpu.memory_space<hbm>>) dst(%dma_wait3A_48 : memref<16x128xf32, #tpu.memory_space<vmem_shared>>)
      } else {
      }
    } else {
    }
    %dma_wait3A = tpu.memref_slice %arg3[%mul3A_2] : memref<320000xi32, #tpu.memory_space<hbm>> -> memref<10000xi32, #tpu.memory_space<hbm>>
    %dma_wait3A_12 = tpu.memref_slice %arg3[%mul3A_2] : memref<320000xi32, #tpu.memory_space<hbm>> -> memref<10000xi32, #tpu.memory_space<hbm>>
    tpu.wait_dma2 semaphore(%arg14 : memref<!tpu.dma_semaphore, #tpu.memory_space<semaphore_mem>>) src(%dma_wait3A_12 : memref<10000xi32, #tpu.memory_space<hbm>>) dst(%arg7 : memref<10000xi32, #tpu.memory_space<vmem>>)
    %barrier3A = arith.constant 0 : index
    tpu.barrier barrier_id(%barrier3A)
    %scan3A = arith.constant 0 : i32
    %scan3A_13 = arith.constant 37 : i32
    %scan3A_14 = arith.addi %scan3A, %scan3A_13 : i32
    %scan3A_15 = arith.constant 1 : i32
    scf.for %scan3A_27 = %scan3A to %scan3A_14 step %scan3A_15  : i32 {
      %mul3A_28 = arith.constant 1 : i32
      %mul3A_29 = arith.muli %scan3A_27, %mul3A_28 : i32
      %add3A_30 = arith.constant 0 : i32
      %add3A_31 = arith.addi %add3A_30, %mul3A_29 : i32
      %mul3A_32 = arith.constant 7 : i32
      %mul3A_33 = arith.muli %add3A_31, %mul3A_32 : i32
      %add3A_34 = arith.constant 0 : i32
      %add3A_35 = arith.addi %mul3A_33, %add3A_34 : i32
      %ge3A = arith.constant 7 : i32
      %ge3A_36 = arith.cmpi sge, %add3A_35, %ge3A : i32
      %lt3A = arith.constant 257 : i32
      %lt3A_37 = arith.cmpi slt, %add3A_35, %lt3A : i32
      %and3A = arith.andi %ge3A_36, %lt3A_37 : i1
      %convert_element_type3A_38 = arith.extui %and3A : i1 to i32
      %cond3A_39 = arith.constant 0 : i32
      %cond3A_40 = arith.cmpi ne, %convert_element_type3A_38, %cond3A_39 : i32
      scf.if %cond3A_40 {
        %dma_wait3A_204 = arith.constant 0 : i32
        %dma_wait3A_205 = arith.constant 0 : i32
        %dma_wait3A_206 = arith.constant 0 : i32
        %dma_wait3A_207 = arith.constant 0 : i32
        %dma_wait3A_208 = arith.constant 0 : i32
        %dma_wait3A_209 = tpu.memref_slice %arg9[%dma_wait3A_204, %dma_wait3A_207, %dma_wait3A_208] : memref<7x40x128xf32, #tpu.memory_space<vmem>> -> memref<1x40x128xf32, #tpu.memory_space<vmem>>
        %dma_wait3A_210 = tpu.memref_squeeze %dma_wait3A_209 : memref<1x40x128xf32, #tpu.memory_space<vmem>> -> memref<40x128xf32, #tpu.memory_space<vmem>>
        %dma_wait3A_211 = arith.constant 0 : i32
        %dma_wait3A_212 = tpu.memref_slice %arg8[%dma_wait3A_205, %dma_wait3A_211] : memref<7x40xi32, #tpu.memory_space<vmem>> -> memref<1x40xi32, #tpu.memory_space<vmem>>
        %dma_wait3A_213 = tpu.memref_squeeze %dma_wait3A_212 : memref<1x40xi32, #tpu.memory_space<vmem>> -> memref<40xi32, #tpu.memory_space<vmem>>
        %dma_wait3A_214 = arith.constant 0 : i32
        %dma_wait3A_215 = arith.constant 0 : i32
        %dma_wait3A_216 = tpu.memref_slice %arg10[%dma_wait3A_214, %dma_wait3A_215] : memref<10000x128xf32, #tpu.memory_space<vmem_shared>> -> memref<10000x128xf32, #tpu.memory_space<vmem_shared>>
        %dma_wait3A_217 = tpu.memref_slice %arg13[%dma_wait3A_206] : memref<7x!tpu.dma_semaphore, #tpu.memory_space<semaphore_mem>> -> memref<1x!tpu.dma_semaphore, #tpu.memory_space<semaphore_mem>>
        %dma_wait3A_218 = tpu.memref_squeeze %dma_wait3A_217 : memref<1x!tpu.dma_semaphore, #tpu.memory_space<semaphore_mem>> -> memref<!tpu.dma_semaphore, #tpu.memory_space<semaphore_mem>>
        tpu.wait_indirect_dma semaphore(%dma_wait3A_218 : memref<!tpu.dma_semaphore, #tpu.memory_space<semaphore_mem>>) src(%dma_wait3A_210 : memref<40x128xf32, #tpu.memory_space<vmem>>) dst(%dma_wait3A_216 : memref<10000x128xf32, #tpu.memory_space<vmem_shared>>)
      } else {
      }
      %lt3A_41 = arith.constant 250 : i32
      %lt3A_42 = arith.cmpi slt, %add3A_35, %lt3A_41 : i32
      %convert_element_type3A_43 = arith.extui %lt3A_42 : i1 to i32
      %cond3A_44 = arith.constant 0 : i32
      %cond3A_45 = arith.cmpi ne, %convert_element_type3A_43, %cond3A_44 : i32
      scf.if %cond3A_45 {
        %mul3A_204 = arith.constant 40 : i32
        %mul3A_205 = arith.muli %add3A_35, %mul3A_204 : i32
        %dma_start3A_206 = arith.constant 0 : i32
        %dma_start3A_207 = arith.constant 0 : i32
        %dma_start3A_208 = arith.constant 0 : i32
        %dma_start3A_209 = arith.constant 0 : i32
        %dma_start3A_210 = tpu.memref_slice %arg9[%dma_start3A_206, %dma_start3A_208, %dma_start3A_209] : memref<7x40x128xf32, #tpu.memory_space<vmem>> -> memref<1x40x128xf32, #tpu.memory_space<vmem>>
        %dma_start3A_211 = tpu.memref_squeeze %dma_start3A_210 : memref<1x40x128xf32, #tpu.memory_space<vmem>> -> memref<40x128xf32, #tpu.memory_space<vmem>>
        %dma_start3A_212 = tpu.memref_slice %arg7[%mul3A_205] : memref<10000xi32, #tpu.memory_space<vmem>> -> memref<40xi32, #tpu.memory_space<vmem>>
        %dma_start3A_213 = arith.constant 0 : i32
        %dma_start3A_214 = arith.constant 0 : i32
        %dma_start3A_215 = tpu.memref_slice %arg2[%dma_start3A_213, %dma_start3A_214] : memref<10000x128xf32, #tpu.memory_space<hbm>> -> memref<10000x128xf32, #tpu.memory_space<hbm>>
        %dma_start3A_216 = tpu.memref_slice %arg12[%dma_start3A_207] : memref<7x!tpu.dma_semaphore, #tpu.memory_space<semaphore_mem>> -> memref<1x!tpu.dma_semaphore, #tpu.memory_space<semaphore_mem>>
        %dma_start3A_217 = tpu.memref_squeeze %dma_start3A_216 : memref<1x!tpu.dma_semaphore, #tpu.memory_space<semaphore_mem>> -> memref<!tpu.dma_semaphore, #tpu.memory_space<semaphore_mem>>
        tpu.enqueue_indirect_dma source(%dma_start3A_215 : memref<10000x128xf32, #tpu.memory_space<hbm>>) target(%dma_start3A_211 : memref<40x128xf32, #tpu.memory_space<vmem>>) offsets(%dma_start3A_212 : memref<40xi32, #tpu.memory_space<vmem>>) semaphore(%dma_start3A_217 : memref<!tpu.dma_semaphore, #tpu.memory_space<semaphore_mem>>)
        %mul3A_218 = arith.constant 40 : i32
        %mul3A_219 = arith.muli %add3A_35, %mul3A_218 : i32
        %add3A_220 = arith.addi %mul3A_2, %mul3A_219 : i32
        %dma_start3A_221 = arith.constant 0 : i32
        %dma_start3A_222 = arith.constant 0 : i32
        %dma_start3A_223 = arith.constant 0 : i32
        %dma_start3A_224 = tpu.memref_slice %arg8[%dma_start3A_221, %dma_start3A_223] : memref<7x40xi32, #tpu.memory_space<vmem>> -> memref<1x40xi32, #tpu.memory_space<vmem>>
        %dma_start3A_225 = tpu.memref_squeeze %dma_start3A_224 : memref<1x40xi32, #tpu.memory_space<vmem>> -> memref<40xi32, #tpu.memory_space<vmem>>
        %dma_start3A_226 = tpu.memref_slice %arg4[%add3A_220] : memref<320000xi32, #tpu.memory_space<hbm>> -> memref<40xi32, #tpu.memory_space<hbm>>
        %dma_start3A_227 = tpu.memref_slice %arg11[%dma_start3A_222] : memref<7x!tpu.dma_semaphore, #tpu.memory_space<semaphore_mem>> -> memref<1x!tpu.dma_semaphore, #tpu.memory_space<semaphore_mem>>
        %dma_start3A_228 = tpu.memref_squeeze %dma_start3A_227 : memref<1x!tpu.dma_semaphore, #tpu.memory_space<semaphore_mem>> -> memref<!tpu.dma_semaphore, #tpu.memory_space<semaphore_mem>>
        %dma_start3A_229 = arith.constant 0 : i32
        %dma_start3A_230 = tpu.memref_slice %arg8[%dma_start3A_221, %dma_start3A_229] : memref<7x40xi32, #tpu.memory_space<vmem>> -> memref<1x40xi32, #tpu.memory_space<vmem>>
        %dma_start3A_231 = tpu.memref_squeeze %dma_start3A_230 : memref<1x40xi32, #tpu.memory_space<vmem>> -> memref<40xi32, #tpu.memory_space<vmem>>
        %dma_start3A_232 = tpu.memref_slice %arg4[%add3A_220] : memref<320000xi32, #tpu.memory_space<hbm>> -> memref<40xi32, #tpu.memory_space<hbm>>
        tpu.enqueue_dma source(%dma_start3A_232 : memref<40xi32, #tpu.memory_space<hbm>>) target(%dma_start3A_231 : memref<40xi32, #tpu.memory_space<vmem>>) target_semaphore(%dma_start3A_228 : memref<!tpu.dma_semaphore, #tpu.memory_space<semaphore_mem>>)
      } else {
      }
      %ge3A_46 = arith.constant 5 : i32
      %ge3A_47 = arith.cmpi sge, %add3A_35, %ge3A_46 : i32
      %lt3A_48 = arith.constant 255 : i32
      %lt3A_49 = arith.cmpi slt, %add3A_35, %lt3A_48 : i32
      %and3A_50 = arith.andi %ge3A_47, %lt3A_49 : i1
      %convert_element_type3A_51 = arith.extui %and3A_50 : i1 to i32
      %cond3A_52 = arith.constant 0 : i32
      %cond3A_53 = arith.cmpi ne, %convert_element_type3A_51, %cond3A_52 : i32
      scf.if %cond3A_53 {
        %dma_wait3A_204 = arith.constant 2 : i32
        %dma_wait3A_205 = arith.constant 2 : i32
        %dma_wait3A_206 = arith.constant 0 : i32
        %dma_wait3A_207 = arith.constant 0 : i32
        %dma_wait3A_208 = tpu.memref_slice %arg9[%dma_wait3A_204, %dma_wait3A_206, %dma_wait3A_207] : memref<7x40x128xf32, #tpu.memory_space<vmem>> -> memref<1x40x128xf32, #tpu.memory_space<vmem>>
        %dma_wait3A_209 = tpu.memref_squeeze %dma_wait3A_208 : memref<1x40x128xf32, #tpu.memory_space<vmem>> -> memref<40x128xf32, #tpu.memory_space<vmem>>
        %dma_wait3A_210 = arith.constant 0 : i32
        %dma_wait3A_211 = tpu.memref_slice %arg7[%dma_wait3A_210] : memref<10000xi32, #tpu.memory_space<vmem>> -> memref<40xi32, #tpu.memory_space<vmem>>
        %dma_wait3A_212 = arith.constant 0 : i32
        %dma_wait3A_213 = arith.constant 0 : i32
        %dma_wait3A_214 = tpu.memref_slice %arg2[%dma_wait3A_212, %dma_wait3A_213] : memref<10000x128xf32, #tpu.memory_space<hbm>> -> memref<10000x128xf32, #tpu.memory_space<hbm>>
        %dma_wait3A_215 = tpu.memref_slice %arg12[%dma_wait3A_205] : memref<7x!tpu.dma_semaphore, #tpu.memory_space<semaphore_mem>> -> memref<1x!tpu.dma_semaphore, #tpu.memory_space<semaphore_mem>>
        %dma_wait3A_216 = tpu.memref_squeeze %dma_wait3A_215 : memref<1x!tpu.dma_semaphore, #tpu.memory_space<semaphore_mem>> -> memref<!tpu.dma_semaphore, #tpu.memory_space<semaphore_mem>>
        tpu.wait_indirect_dma semaphore(%dma_wait3A_216 : memref<!tpu.dma_semaphore, #tpu.memory_space<semaphore_mem>>) src(%dma_wait3A_214 : memref<10000x128xf32, #tpu.memory_space<hbm>>) dst(%dma_wait3A_209 : memref<40x128xf32, #tpu.memory_space<vmem>>)
        %add3A_217 = arith.constant 0 : i32
        %add3A_218 = arith.addi %mul3A_2, %add3A_217 : i32
        %dma_wait3A_219 = arith.constant 2 : i32
        %dma_wait3A_220 = arith.constant 2 : i32
        %dma_wait3A_221 = arith.constant 0 : i32
        %dma_wait3A_222 = tpu.memref_slice %arg8[%dma_wait3A_219, %dma_wait3A_221] : memref<7x40xi32, #tpu.memory_space<vmem>> -> memref<1x40xi32, #tpu.memory_space<vmem>>
        %dma_wait3A_223 = tpu.memref_squeeze %dma_wait3A_222 : memref<1x40xi32, #tpu.memory_space<vmem>> -> memref<40xi32, #tpu.memory_space<vmem>>
        %dma_wait3A_224 = tpu.memref_slice %arg4[%add3A_218] : memref<320000xi32, #tpu.memory_space<hbm>> -> memref<40xi32, #tpu.memory_space<hbm>>
        %dma_wait3A_225 = tpu.memref_slice %arg11[%dma_wait3A_220] : memref<7x!tpu.dma_semaphore, #tpu.memory_space<semaphore_mem>> -> memref<1x!tpu.dma_semaphore, #tpu.memory_space<semaphore_mem>>
        %dma_wait3A_226 = tpu.memref_squeeze %dma_wait3A_225 : memref<1x!tpu.dma_semaphore, #tpu.memory_space<semaphore_mem>> -> memref<!tpu.dma_semaphore, #tpu.memory_space<semaphore_mem>>
        %dma_wait3A_227 = arith.constant 0 : i32
        %dma_wait3A_228 = tpu.memref_slice %arg8[%dma_wait3A_219, %dma_wait3A_227] : memref<7x40xi32, #tpu.memory_space<vmem>> -> memref<1x40xi32, #tpu.memory_space<vmem>>
        %dma_wait3A_229 = tpu.memref_squeeze %dma_wait3A_228 : memref<1x40xi32, #tpu.memory_space<vmem>> -> memref<40xi32, #tpu.memory_space<vmem>>
        %dma_wait3A_230 = tpu.memref_slice %arg4[%add3A_218] : memref<320000xi32, #tpu.memory_space<hbm>> -> memref<40xi32, #tpu.memory_space<hbm>>
        tpu.wait_dma2 semaphore(%dma_wait3A_226 : memref<!tpu.dma_semaphore, #tpu.memory_space<semaphore_mem>>) src(%dma_wait3A_230 : memref<40xi32, #tpu.memory_space<hbm>>) dst(%dma_wait3A_229 : memref<40xi32, #tpu.memory_space<vmem>>)
        %dma_start3A_231 = arith.constant 2 : i32
        %dma_start3A_232 = arith.constant 2 : i32
        %dma_start3A_233 = arith.constant 2 : i32
        %dma_start3A_234 = arith.constant 0 : i32
        %dma_start3A_235 = arith.constant 0 : i32
        %dma_start3A_236 = tpu.memref_slice %arg9[%dma_start3A_231, %dma_start3A_234, %dma_start3A_235] : memref<7x40x128xf32, #tpu.memory_space<vmem>> -> memref<1x40x128xf32, #tpu.memory_space<vmem>>
        %dma_start3A_237 = tpu.memref_squeeze %dma_start3A_236 : memref<1x40x128xf32, #tpu.memory_space<vmem>> -> memref<40x128xf32, #tpu.memory_space<vmem>>
        %dma_start3A_238 = arith.constant 0 : i32
        %dma_start3A_239 = tpu.memref_slice %arg8[%dma_start3A_232, %dma_start3A_238] : memref<7x40xi32, #tpu.memory_space<vmem>> -> memref<1x40xi32, #tpu.memory_space<vmem>>
        %dma_start3A_240 = tpu.memref_squeeze %dma_start3A_239 : memref<1x40xi32, #tpu.memory_space<vmem>> -> memref<40xi32, #tpu.memory_space<vmem>>
        %dma_start3A_241 = arith.constant 0 : i32
        %dma_start3A_242 = arith.constant 0 : i32
        %dma_start3A_243 = tpu.memref_slice %arg10[%dma_start3A_241, %dma_start3A_242] : memref<10000x128xf32, #tpu.memory_space<vmem_shared>> -> memref<10000x128xf32, #tpu.memory_space<vmem_shared>>
        %dma_start3A_244 = tpu.memref_slice %arg13[%dma_start3A_233] : memref<7x!tpu.dma_semaphore, #tpu.memory_space<semaphore_mem>> -> memref<1x!tpu.dma_semaphore, #tpu.memory_space<semaphore_mem>>
        %dma_start3A_245 = tpu.memref_squeeze %dma_start3A_244 : memref<1x!tpu.dma_semaphore, #tpu.memory_space<semaphore_mem>> -> memref<!tpu.dma_semaphore, #tpu.memory_space<semaphore_mem>>
        tpu.enqueue_indirect_dma source(%dma_start3A_237 : memref<40x128xf32, #tpu.memory_space<vmem>>) target(%dma_start3A_243 : memref<10000x128xf32, #tpu.memory_space<vmem_shared>>) offsets(%dma_start3A_240 : memref<40xi32, #tpu.memory_space<vmem>>) semaphore(%dma_start3A_245 : memref<!tpu.dma_semaphore, #tpu.memory_space<semaphore_mem>>) {add = true}
      } else {
      }
      %mul3A_54 = arith.constant 7 : i32
      %mul3A_55 = arith.muli %add3A_31, %mul3A_54 : i32
      %add3A_56 = arith.constant 1 : i32
      %add3A_57 = arith.addi %mul3A_55, %add3A_56 : i32
      %ge3A_58 = arith.constant 7 : i32
      %ge3A_59 = arith.cmpi sge, %add3A_57, %ge3A_58 : i32
      %lt3A_60 = arith.constant 257 : i32
      %lt3A_61 = arith.cmpi slt, %add3A_57, %lt3A_60 : i32
      %and3A_62 = arith.andi %ge3A_59, %lt3A_61 : i1
      %convert_element_type3A_63 = arith.extui %and3A_62 : i1 to i32
      %cond3A_64 = arith.constant 0 : i32
      %cond3A_65 = arith.cmpi ne, %convert_element_type3A_63, %cond3A_64 : i32
      scf.if %cond3A_65 {
        %dma_wait3A_204 = arith.constant 1 : i32
        %dma_wait3A_205 = arith.constant 1 : i32
        %dma_wait3A_206 = arith.constant 1 : i32
        %dma_wait3A_207 = arith.constant 0 : i32
        %dma_wait3A_208 = arith.constant 0 : i32
        %dma_wait3A_209 = tpu.memref_slice %arg9[%dma_wait3A_204, %dma_wait3A_207, %dma_wait3A_208] : memref<7x40x128xf32, #tpu.memory_space<vmem>> -> memref<1x40x128xf32, #tpu.memory_space<vmem>>
        %dma_wait3A_210 = tpu.memref_squeeze %dma_wait3A_209 : memref<1x40x128xf32, #tpu.memory_space<vmem>> -> memref<40x128xf32, #tpu.memory_space<vmem>>
        %dma_wait3A_211 = arith.constant 0 : i32
        %dma_wait3A_212 = tpu.memref_slice %arg8[%dma_wait3A_205, %dma_wait3A_211] : memref<7x40xi32, #tpu.memory_space<vmem>> -> memref<1x40xi32, #tpu.memory_space<vmem>>
        %dma_wait3A_213 = tpu.memref_squeeze %dma_wait3A_212 : memref<1x40xi32, #tpu.memory_space<vmem>> -> memref<40xi32, #tpu.memory_space<vmem>>
        %dma_wait3A_214 = arith.constant 0 : i32
        %dma_wait3A_215 = arith.constant 0 : i32
        %dma_wait3A_216 = tpu.memref_slice %arg10[%dma_wait3A_214, %dma_wait3A_215] : memref<10000x128xf32, #tpu.memory_space<vmem_shared>> -> memref<10000x128xf32, #tpu.memory_space<vmem_shared>>
        %dma_wait3A_217 = tpu.memref_slice %arg13[%dma_wait3A_206] : memref<7x!tpu.dma_semaphore, #tpu.memory_space<semaphore_mem>> -> memref<1x!tpu.dma_semaphore, #tpu.memory_space<semaphore_mem>>
        %dma_wait3A_218 = tpu.memref_squeeze %dma_wait3A_217 : memref<1x!tpu.dma_semaphore, #tpu.memory_space<semaphore_mem>> -> memref<!tpu.dma_semaphore, #tpu.memory_space<semaphore_mem>>
        tpu.wait_indirect_dma semaphore(%dma_wait3A_218 : memref<!tpu.dma_semaphore, #tpu.memory_space<semaphore_mem>>) src(%dma_wait3A_210 : memref<40x128xf32, #tpu.memory_space<vmem>>) dst(%dma_wait3A_216 : memref<10000x128xf32, #tpu.memory_space<vmem_shared>>)
      } else {
      }
      %lt3A_66 = arith.constant 250 : i32
      %lt3A_67 = arith.cmpi slt, %add3A_57, %lt3A_66 : i32
      %convert_element_type3A_68 = arith.extui %lt3A_67 : i1 to i32
      %cond3A_69 = arith.constant 0 : i32
      %cond3A_70 = arith.cmpi ne, %convert_element_type3A_68, %cond3A_69 : i32
      scf.if %cond3A_70 {
        %mul3A_204 = arith.constant 40 : i32
        %mul3A_205 = arith.muli %add3A_57, %mul3A_204 : i32
        %dma_start3A_206 = arith.constant 1 : i32
        %dma_start3A_207 = arith.constant 1 : i32
        %dma_start3A_208 = arith.constant 0 : i32
        %dma_start3A_209 = arith.constant 0 : i32
        %dma_start3A_210 = tpu.memref_slice %arg9[%dma_start3A_206, %dma_start3A_208, %dma_start3A_209] : memref<7x40x128xf32, #tpu.memory_space<vmem>> -> memref<1x40x128xf32, #tpu.memory_space<vmem>>
        %dma_start3A_211 = tpu.memref_squeeze %dma_start3A_210 : memref<1x40x128xf32, #tpu.memory_space<vmem>> -> memref<40x128xf32, #tpu.memory_space<vmem>>
        %dma_start3A_212 = tpu.memref_slice %arg7[%mul3A_205] : memref<10000xi32, #tpu.memory_space<vmem>> -> memref<40xi32, #tpu.memory_space<vmem>>
        %dma_start3A_213 = arith.constant 0 : i32
        %dma_start3A_214 = arith.constant 0 : i32
        %dma_start3A_215 = tpu.memref_slice %arg2[%dma_start3A_213, %dma_start3A_214] : memref<10000x128xf32, #tpu.memory_space<hbm>> -> memref<10000x128xf32, #tpu.memory_space<hbm>>
        %dma_start3A_216 = tpu.memref_slice %arg12[%dma_start3A_207] : memref<7x!tpu.dma_semaphore, #tpu.memory_space<semaphore_mem>> -> memref<1x!tpu.dma_semaphore, #tpu.memory_space<semaphore_mem>>
        %dma_start3A_217 = tpu.memref_squeeze %dma_start3A_216 : memref<1x!tpu.dma_semaphore, #tpu.memory_space<semaphore_mem>> -> memref<!tpu.dma_semaphore, #tpu.memory_space<semaphore_mem>>
        tpu.enqueue_indirect_dma source(%dma_start3A_215 : memref<10000x128xf32, #tpu.memory_space<hbm>>) target(%dma_start3A_211 : memref<40x128xf32, #tpu.memory_space<vmem>>) offsets(%dma_start3A_212 : memref<40xi32, #tpu.memory_space<vmem>>) semaphore(%dma_start3A_217 : memref<!tpu.dma_semaphore, #tpu.memory_space<semaphore_mem>>)
        %mul3A_218 = arith.constant 40 : i32
        %mul3A_219 = arith.muli %add3A_57, %mul3A_218 : i32
        %add3A_220 = arith.addi %mul3A_2, %mul3A_219 : i32
        %dma_start3A_221 = arith.constant 1 : i32
        %dma_start3A_222 = arith.constant 1 : i32
        %dma_start3A_223 = arith.constant 0 : i32
        %dma_start3A_224 = tpu.memref_slice %arg8[%dma_start3A_221, %dma_start3A_223] : memref<7x40xi32, #tpu.memory_space<vmem>> -> memref<1x40xi32, #tpu.memory_space<vmem>>
        %dma_start3A_225 = tpu.memref_squeeze %dma_start3A_224 : memref<1x40xi32, #tpu.memory_space<vmem>> -> memref<40xi32, #tpu.memory_space<vmem>>
        %dma_start3A_226 = tpu.memref_slice %arg4[%add3A_220] : memref<320000xi32, #tpu.memory_space<hbm>> -> memref<40xi32, #tpu.memory_space<hbm>>
        %dma_start3A_227 = tpu.memref_slice %arg11[%dma_start3A_222] : memref<7x!tpu.dma_semaphore, #tpu.memory_space<semaphore_mem>> -> memref<1x!tpu.dma_semaphore, #tpu.memory_space<semaphore_mem>>
        %dma_start3A_228 = tpu.memref_squeeze %dma_start3A_227 : memref<1x!tpu.dma_semaphore, #tpu.memory_space<semaphore_mem>> -> memref<!tpu.dma_semaphore, #tpu.memory_space<semaphore_mem>>
        %dma_start3A_229 = arith.constant 0 : i32
        %dma_start3A_230 = tpu.memref_slice %arg8[%dma_start3A_221, %dma_start3A_229] : memref<7x40xi32, #tpu.memory_space<vmem>> -> memref<1x40xi32, #tpu.memory_space<vmem>>
        %dma_start3A_231 = tpu.memref_squeeze %dma_start3A_230 : memref<1x40xi32, #tpu.memory_space<vmem>> -> memref<40xi32, #tpu.memory_space<vmem>>
        %dma_start3A_232 = tpu.memref_slice %arg4[%add3A_220] : memref<320000xi32, #tpu.memory_space<hbm>> -> memref<40xi32, #tpu.memory_space<hbm>>
        tpu.enqueue_dma source(%dma_start3A_232 : memref<40xi32, #tpu.memory_space<hbm>>) target(%dma_start3A_231 : memref<40xi32, #tpu.memory_space<vmem>>) target_semaphore(%dma_start3A_228 : memref<!tpu.dma_semaphore, #tpu.memory_space<semaphore_mem>>)
      } else {
      }
      %ge3A_71 = arith.constant 5 : i32
      %ge3A_72 = arith.cmpi sge, %add3A_57, %ge3A_71 : i32
      %lt3A_73 = arith.constant 255 : i32
      %lt3A_74 = arith.cmpi slt, %add3A_57, %lt3A_73 : i32
      %and3A_75 = arith.andi %ge3A_72, %lt3A_74 : i1
      %convert_element_type3A_76 = arith.extui %and3A_75 : i1 to i32
      %cond3A_77 = arith.constant 0 : i32
      %cond3A_78 = arith.cmpi ne, %convert_element_type3A_76, %cond3A_77 : i32
      scf.if %cond3A_78 {
        %dma_wait3A_204 = arith.constant 3 : i32
        %dma_wait3A_205 = arith.constant 3 : i32
        %dma_wait3A_206 = arith.constant 0 : i32
        %dma_wait3A_207 = arith.constant 0 : i32
        %dma_wait3A_208 = tpu.memref_slice %arg9[%dma_wait3A_204, %dma_wait3A_206, %dma_wait3A_207] : memref<7x40x128xf32, #tpu.memory_space<vmem>> -> memref<1x40x128xf32, #tpu.memory_space<vmem>>
        %dma_wait3A_209 = tpu.memref_squeeze %dma_wait3A_208 : memref<1x40x128xf32, #tpu.memory_space<vmem>> -> memref<40x128xf32, #tpu.memory_space<vmem>>
        %dma_wait3A_210 = arith.constant 0 : i32
        %dma_wait3A_211 = tpu.memref_slice %arg7[%dma_wait3A_210] : memref<10000xi32, #tpu.memory_space<vmem>> -> memref<40xi32, #tpu.memory_space<vmem>>
        %dma_wait3A_212 = arith.constant 0 : i32
        %dma_wait3A_213 = arith.constant 0 : i32
        %dma_wait3A_214 = tpu.memref_slice %arg2[%dma_wait3A_212, %dma_wait3A_213] : memref<10000x128xf32, #tpu.memory_space<hbm>> -> memref<10000x128xf32, #tpu.memory_space<hbm>>
        %dma_wait3A_215 = tpu.memref_slice %arg12[%dma_wait3A_205] : memref<7x!tpu.dma_semaphore, #tpu.memory_space<semaphore_mem>> -> memref<1x!tpu.dma_semaphore, #tpu.memory_space<semaphore_mem>>
        %dma_wait3A_216 = tpu.memref_squeeze %dma_wait3A_215 : memref<1x!tpu.dma_semaphore, #tpu.memory_space<semaphore_mem>> -> memref<!tpu.dma_semaphore, #tpu.memory_space<semaphore_mem>>
        tpu.wait_indirect_dma semaphore(%dma_wait3A_216 : memref<!tpu.dma_semaphore, #tpu.memory_space<semaphore_mem>>) src(%dma_wait3A_214 : memref<10000x128xf32, #tpu.memory_space<hbm>>) dst(%dma_wait3A_209 : memref<40x128xf32, #tpu.memory_space<vmem>>)
        %add3A_217 = arith.constant 0 : i32
        %add3A_218 = arith.addi %mul3A_2, %add3A_217 : i32
        %dma_wait3A_219 = arith.constant 3 : i32
        %dma_wait3A_220 = arith.constant 3 : i32
        %dma_wait3A_221 = arith.constant 0 : i32
        %dma_wait3A_222 = tpu.memref_slice %arg8[%dma_wait3A_219, %dma_wait3A_221] : memref<7x40xi32, #tpu.memory_space<vmem>> -> memref<1x40xi32, #tpu.memory_space<vmem>>
        %dma_wait3A_223 = tpu.memref_squeeze %dma_wait3A_222 : memref<1x40xi32, #tpu.memory_space<vmem>> -> memref<40xi32, #tpu.memory_space<vmem>>
        %dma_wait3A_224 = tpu.memref_slice %arg4[%add3A_218] : memref<320000xi32, #tpu.memory_space<hbm>> -> memref<40xi32, #tpu.memory_space<hbm>>
        %dma_wait3A_225 = tpu.memref_slice %arg11[%dma_wait3A_220] : memref<7x!tpu.dma_semaphore, #tpu.memory_space<semaphore_mem>> -> memref<1x!tpu.dma_semaphore, #tpu.memory_space<semaphore_mem>>
        %dma_wait3A_226 = tpu.memref_squeeze %dma_wait3A_225 : memref<1x!tpu.dma_semaphore, #tpu.memory_space<semaphore_mem>> -> memref<!tpu.dma_semaphore, #tpu.memory_space<semaphore_mem>>
        %dma_wait3A_227 = arith.constant 0 : i32
        %dma_wait3A_228 = tpu.memref_slice %arg8[%dma_wait3A_219, %dma_wait3A_227] : memref<7x40xi32, #tpu.memory_space<vmem>> -> memref<1x40xi32, #tpu.memory_space<vmem>>
        %dma_wait3A_229 = tpu.memref_squeeze %dma_wait3A_228 : memref<1x40xi32, #tpu.memory_space<vmem>> -> memref<40xi32, #tpu.memory_space<vmem>>
        %dma_wait3A_230 = tpu.memref_slice %arg4[%add3A_218] : memref<320000xi32, #tpu.memory_space<hbm>> -> memref<40xi32, #tpu.memory_space<hbm>>
        tpu.wait_dma2 semaphore(%dma_wait3A_226 : memref<!tpu.dma_semaphore, #tpu.memory_space<semaphore_mem>>) src(%dma_wait3A_230 : memref<40xi32, #tpu.memory_space<hbm>>) dst(%dma_wait3A_229 : memref<40xi32, #tpu.memory_space<vmem>>)
        %dma_start3A_231 = arith.constant 3 : i32
        %dma_start3A_232 = arith.constant 3 : i32
        %dma_start3A_233 = arith.constant 3 : i32
        %dma_start3A_234 = arith.constant 0 : i32
        %dma_start3A_235 = arith.constant 0 : i32
        %dma_start3A_236 = tpu.memref_slice %arg9[%dma_start3A_231, %dma_start3A_234, %dma_start3A_235] : memref<7x40x128xf32, #tpu.memory_space<vmem>> -> memref<1x40x128xf32, #tpu.memory_space<vmem>>
        %dma_start3A_237 = tpu.memref_squeeze %dma_start3A_236 : memref<1x40x128xf32, #tpu.memory_space<vmem>> -> memref<40x128xf32, #tpu.memory_space<vmem>>
        %dma_start3A_238 = arith.constant 0 : i32
        %dma_start3A_239 = tpu.memref_slice %arg8[%dma_start3A_232, %dma_start3A_238] : memref<7x40xi32, #tpu.memory_space<vmem>> -> memref<1x40xi32, #tpu.memory_space<vmem>>
        %dma_start3A_240 = tpu.memref_squeeze %dma_start3A_239 : memref<1x40xi32, #tpu.memory_space<vmem>> -> memref<40xi32, #tpu.memory_space<vmem>>
        %dma_start3A_241 = arith.constant 0 : i32
        %dma_start3A_242 = arith.constant 0 : i32
        %dma_start3A_243 = tpu.memref_slice %arg10[%dma_start3A_241, %dma_start3A_242] : memref<10000x128xf32, #tpu.memory_space<vmem_shared>> -> memref<10000x128xf32, #tpu.memory_space<vmem_shared>>
        %dma_start3A_244 = tpu.memref_slice %arg13[%dma_start3A_233] : memref<7x!tpu.dma_semaphore, #tpu.memory_space<semaphore_mem>> -> memref<1x!tpu.dma_semaphore, #tpu.memory_space<semaphore_mem>>
        %dma_start3A_245 = tpu.memref_squeeze %dma_start3A_244 : memref<1x!tpu.dma_semaphore, #tpu.memory_space<semaphore_mem>> -> memref<!tpu.dma_semaphore, #tpu.memory_space<semaphore_mem>>
        tpu.enqueue_indirect_dma source(%dma_start3A_237 : memref<40x128xf32, #tpu.memory_space<vmem>>) target(%dma_start3A_243 : memref<10000x128xf32, #tpu.memory_space<vmem_shared>>) offsets(%dma_start3A_240 : memref<40xi32, #tpu.memory_space<vmem>>) semaphore(%dma_start3A_245 : memref<!tpu.dma_semaphore, #tpu.memory_space<semaphore_mem>>) {add = true}
      } else {
      }
      %mul3A_79 = arith.constant 7 : i32
      %mul3A_80 = arith.muli %add3A_31, %mul3A_79 : i32
      %add3A_81 = arith.constant 2 : i32
      %add3A_82 = arith.addi %mul3A_80, %add3A_81 : i32
      %ge3A_83 = arith.constant 7 : i32
      %ge3A_84 = arith.cmpi sge, %add3A_82, %ge3A_83 : i32
      %lt3A_85 = arith.constant 257 : i32
      %lt3A_86 = arith.cmpi slt, %add3A_82, %lt3A_85 : i32
      %and3A_87 = arith.andi %ge3A_84, %lt3A_86 : i1
      %convert_element_type3A_88 = arith.extui %and3A_87 : i1 to i32
      %cond3A_89 = arith.constant 0 : i32
      %cond3A_90 = arith.cmpi ne, %convert_element_type3A_88, %cond3A_89 : i32
      scf.if %cond3A_90 {
        %dma_wait3A_204 = arith.constant 2 : i32
        %dma_wait3A_205 = arith.constant 2 : i32
        %dma_wait3A_206 = arith.constant 2 : i32
        %dma_wait3A_207 = arith.constant 0 : i32
        %dma_wait3A_208 = arith.constant 0 : i32
        %dma_wait3A_209 = tpu.memref_slice %arg9[%dma_wait3A_204, %dma_wait3A_207, %dma_wait3A_208] : memref<7x40x128xf32, #tpu.memory_space<vmem>> -> memref<1x40x128xf32, #tpu.memory_space<vmem>>
        %dma_wait3A_210 = tpu.memref_squeeze %dma_wait3A_209 : memref<1x40x128xf32, #tpu.memory_space<vmem>> -> memref<40x128xf32, #tpu.memory_space<vmem>>
        %dma_wait3A_211 = arith.constant 0 : i32
        %dma_wait3A_212 = tpu.memref_slice %arg8[%dma_wait3A_205, %dma_wait3A_211] : memref<7x40xi32, #tpu.memory_space<vmem>> -> memref<1x40xi32, #tpu.memory_space<vmem>>
        %dma_wait3A_213 = tpu.memref_squeeze %dma_wait3A_212 : memref<1x40xi32, #tpu.memory_space<vmem>> -> memref<40xi32, #tpu.memory_space<vmem>>
        %dma_wait3A_214 = arith.constant 0 : i32
        %dma_wait3A_215 = arith.constant 0 : i32
        %dma_wait3A_216 = tpu.memref_slice %arg10[%dma_wait3A_214, %dma_wait3A_215] : memref<10000x128xf32, #tpu.memory_space<vmem_shared>> -> memref<10000x128xf32, #tpu.memory_space<vmem_shared>>
        %dma_wait3A_217 = tpu.memref_slice %arg13[%dma_wait3A_206] : memref<7x!tpu.dma_semaphore, #tpu.memory_space<semaphore_mem>> -> memref<1x!tpu.dma_semaphore, #tpu.memory_space<semaphore_mem>>
        %dma_wait3A_218 = tpu.memref_squeeze %dma_wait3A_217 : memref<1x!tpu.dma_semaphore, #tpu.memory_space<semaphore_mem>> -> memref<!tpu.dma_semaphore, #tpu.memory_space<semaphore_mem>>
        tpu.wait_indirect_dma semaphore(%dma_wait3A_218 : memref<!tpu.dma_semaphore, #tpu.memory_space<semaphore_mem>>) src(%dma_wait3A_210 : memref<40x128xf32, #tpu.memory_space<vmem>>) dst(%dma_wait3A_216 : memref<10000x128xf32, #tpu.memory_space<vmem_shared>>)
      } else {
      }
      %lt3A_91 = arith.constant 250 : i32
      %lt3A_92 = arith.cmpi slt, %add3A_82, %lt3A_91 : i32
      %convert_element_type3A_93 = arith.extui %lt3A_92 : i1 to i32
      %cond3A_94 = arith.constant 0 : i32
      %cond3A_95 = arith.cmpi ne, %convert_element_type3A_93, %cond3A_94 : i32
      scf.if %cond3A_95 {
        %mul3A_204 = arith.constant 40 : i32
        %mul3A_205 = arith.muli %add3A_82, %mul3A_204 : i32
        %dma_start3A_206 = arith.constant 2 : i32
        %dma_start3A_207 = arith.constant 2 : i32
        %dma_start3A_208 = arith.constant 0 : i32
        %dma_start3A_209 = arith.constant 0 : i32
        %dma_start3A_210 = tpu.memref_slice %arg9[%dma_start3A_206, %dma_start3A_208, %dma_start3A_209] : memref<7x40x128xf32, #tpu.memory_space<vmem>> -> memref<1x40x128xf32, #tpu.memory_space<vmem>>
        %dma_start3A_211 = tpu.memref_squeeze %dma_start3A_210 : memref<1x40x128xf32, #tpu.memory_space<vmem>> -> memref<40x128xf32, #tpu.memory_space<vmem>>
        %dma_start3A_212 = tpu.memref_slice %arg7[%mul3A_205] : memref<10000xi32, #tpu.memory_space<vmem>> -> memref<40xi32, #tpu.memory_space<vmem>>
        %dma_start3A_213 = arith.constant 0 : i32
        %dma_start3A_214 = arith.constant 0 : i32
        %dma_start3A_215 = tpu.memref_slice %arg2[%dma_start3A_213, %dma_start3A_214] : memref<10000x128xf32, #tpu.memory_space<hbm>> -> memref<10000x128xf32, #tpu.memory_space<hbm>>
        %dma_start3A_216 = tpu.memref_slice %arg12[%dma_start3A_207] : memref<7x!tpu.dma_semaphore, #tpu.memory_space<semaphore_mem>> -> memref<1x!tpu.dma_semaphore, #tpu.memory_space<semaphore_mem>>
        %dma_start3A_217 = tpu.memref_squeeze %dma_start3A_216 : memref<1x!tpu.dma_semaphore, #tpu.memory_space<semaphore_mem>> -> memref<!tpu.dma_semaphore, #tpu.memory_space<semaphore_mem>>
        tpu.enqueue_indirect_dma source(%dma_start3A_215 : memref<10000x128xf32, #tpu.memory_space<hbm>>) target(%dma_start3A_211 : memref<40x128xf32, #tpu.memory_space<vmem>>) offsets(%dma_start3A_212 : memref<40xi32, #tpu.memory_space<vmem>>) semaphore(%dma_start3A_217 : memref<!tpu.dma_semaphore, #tpu.memory_space<semaphore_mem>>)
        %mul3A_218 = arith.constant 40 : i32
        %mul3A_219 = arith.muli %add3A_82, %mul3A_218 : i32
        %add3A_220 = arith.addi %mul3A_2, %mul3A_219 : i32
        %dma_start3A_221 = arith.constant 2 : i32
        %dma_start3A_222 = arith.constant 2 : i32
        %dma_start3A_223 = arith.constant 0 : i32
        %dma_start3A_224 = tpu.memref_slice %arg8[%dma_start3A_221, %dma_start3A_223] : memref<7x40xi32, #tpu.memory_space<vmem>> -> memref<1x40xi32, #tpu.memory_space<vmem>>
        %dma_start3A_225 = tpu.memref_squeeze %dma_start3A_224 : memref<1x40xi32, #tpu.memory_space<vmem>> -> memref<40xi32, #tpu.memory_space<vmem>>
        %dma_start3A_226 = tpu.memref_slice %arg4[%add3A_220] : memref<320000xi32, #tpu.memory_space<hbm>> -> memref<40xi32, #tpu.memory_space<hbm>>
        %dma_start3A_227 = tpu.memref_slice %arg11[%dma_start3A_222] : memref<7x!tpu.dma_semaphore, #tpu.memory_space<semaphore_mem>> -> memref<1x!tpu.dma_semaphore, #tpu.memory_space<semaphore_mem>>
        %dma_start3A_228 = tpu.memref_squeeze %dma_start3A_227 : memref<1x!tpu.dma_semaphore, #tpu.memory_space<semaphore_mem>> -> memref<!tpu.dma_semaphore, #tpu.memory_space<semaphore_mem>>
        %dma_start3A_229 = arith.constant 0 : i32
        %dma_start3A_230 = tpu.memref_slice %arg8[%dma_start3A_221, %dma_start3A_229] : memref<7x40xi32, #tpu.memory_space<vmem>> -> memref<1x40xi32, #tpu.memory_space<vmem>>
        %dma_start3A_231 = tpu.memref_squeeze %dma_start3A_230 : memref<1x40xi32, #tpu.memory_space<vmem>> -> memref<40xi32, #tpu.memory_space<vmem>>
        %dma_start3A_232 = tpu.memref_slice %arg4[%add3A_220] : memref<320000xi32, #tpu.memory_space<hbm>> -> memref<40xi32, #tpu.memory_space<hbm>>
        tpu.enqueue_dma source(%dma_start3A_232 : memref<40xi32, #tpu.memory_space<hbm>>) target(%dma_start3A_231 : memref<40xi32, #tpu.memory_space<vmem>>) target_semaphore(%dma_start3A_228 : memref<!tpu.dma_semaphore, #tpu.memory_space<semaphore_mem>>)
      } else {
      }
      %ge3A_96 = arith.constant 5 : i32
      %ge3A_97 = arith.cmpi sge, %add3A_82, %ge3A_96 : i32
      %lt3A_98 = arith.constant 255 : i32
      %lt3A_99 = arith.cmpi slt, %add3A_82, %lt3A_98 : i32
      %and3A_100 = arith.andi %ge3A_97, %lt3A_99 : i1
      %convert_element_type3A_101 = arith.extui %and3A_100 : i1 to i32
      %cond3A_102 = arith.constant 0 : i32
      %cond3A_103 = arith.cmpi ne, %convert_element_type3A_101, %cond3A_102 : i32
      scf.if %cond3A_103 {
        %dma_wait3A_204 = arith.constant 4 : i32
        %dma_wait3A_205 = arith.constant 4 : i32
        %dma_wait3A_206 = arith.constant 0 : i32
        %dma_wait3A_207 = arith.constant 0 : i32
        %dma_wait3A_208 = tpu.memref_slice %arg9[%dma_wait3A_204, %dma_wait3A_206, %dma_wait3A_207] : memref<7x40x128xf32, #tpu.memory_space<vmem>> -> memref<1x40x128xf32, #tpu.memory_space<vmem>>
        %dma_wait3A_209 = tpu.memref_squeeze %dma_wait3A_208 : memref<1x40x128xf32, #tpu.memory_space<vmem>> -> memref<40x128xf32, #tpu.memory_space<vmem>>
        %dma_wait3A_210 = arith.constant 0 : i32
        %dma_wait3A_211 = tpu.memref_slice %arg7[%dma_wait3A_210] : memref<10000xi32, #tpu.memory_space<vmem>> -> memref<40xi32, #tpu.memory_space<vmem>>
        %dma_wait3A_212 = arith.constant 0 : i32
        %dma_wait3A_213 = arith.constant 0 : i32
        %dma_wait3A_214 = tpu.memref_slice %arg2[%dma_wait3A_212, %dma_wait3A_213] : memref<10000x128xf32, #tpu.memory_space<hbm>> -> memref<10000x128xf32, #tpu.memory_space<hbm>>
        %dma_wait3A_215 = tpu.memref_slice %arg12[%dma_wait3A_205] : memref<7x!tpu.dma_semaphore, #tpu.memory_space<semaphore_mem>> -> memref<1x!tpu.dma_semaphore, #tpu.memory_space<semaphore_mem>>
        %dma_wait3A_216 = tpu.memref_squeeze %dma_wait3A_215 : memref<1x!tpu.dma_semaphore, #tpu.memory_space<semaphore_mem>> -> memref<!tpu.dma_semaphore, #tpu.memory_space<semaphore_mem>>
        tpu.wait_indirect_dma semaphore(%dma_wait3A_216 : memref<!tpu.dma_semaphore, #tpu.memory_space<semaphore_mem>>) src(%dma_wait3A_214 : memref<10000x128xf32, #tpu.memory_space<hbm>>) dst(%dma_wait3A_209 : memref<40x128xf32, #tpu.memory_space<vmem>>)
        %add3A_217 = arith.constant 0 : i32
        %add3A_218 = arith.addi %mul3A_2, %add3A_217 : i32
        %dma_wait3A_219 = arith.constant 4 : i32
        %dma_wait3A_220 = arith.constant 4 : i32
        %dma_wait3A_221 = arith.constant 0 : i32
        %dma_wait3A_222 = tpu.memref_slice %arg8[%dma_wait3A_219, %dma_wait3A_221] : memref<7x40xi32, #tpu.memory_space<vmem>> -> memref<1x40xi32, #tpu.memory_space<vmem>>
        %dma_wait3A_223 = tpu.memref_squeeze %dma_wait3A_222 : memref<1x40xi32, #tpu.memory_space<vmem>> -> memref<40xi32, #tpu.memory_space<vmem>>
        %dma_wait3A_224 = tpu.memref_slice %arg4[%add3A_218] : memref<320000xi32, #tpu.memory_space<hbm>> -> memref<40xi32, #tpu.memory_space<hbm>>
        %dma_wait3A_225 = tpu.memref_slice %arg11[%dma_wait3A_220] : memref<7x!tpu.dma_semaphore, #tpu.memory_space<semaphore_mem>> -> memref<1x!tpu.dma_semaphore, #tpu.memory_space<semaphore_mem>>
        %dma_wait3A_226 = tpu.memref_squeeze %dma_wait3A_225 : memref<1x!tpu.dma_semaphore, #tpu.memory_space<semaphore_mem>> -> memref<!tpu.dma_semaphore, #tpu.memory_space<semaphore_mem>>
        %dma_wait3A_227 = arith.constant 0 : i32
        %dma_wait3A_228 = tpu.memref_slice %arg8[%dma_wait3A_219, %dma_wait3A_227] : memref<7x40xi32, #tpu.memory_space<vmem>> -> memref<1x40xi32, #tpu.memory_space<vmem>>
        %dma_wait3A_229 = tpu.memref_squeeze %dma_wait3A_228 : memref<1x40xi32, #tpu.memory_space<vmem>> -> memref<40xi32, #tpu.memory_space<vmem>>
        %dma_wait3A_230 = tpu.memref_slice %arg4[%add3A_218] : memref<320000xi32, #tpu.memory_space<hbm>> -> memref<40xi32, #tpu.memory_space<hbm>>
        tpu.wait_dma2 semaphore(%dma_wait3A_226 : memref<!tpu.dma_semaphore, #tpu.memory_space<semaphore_mem>>) src(%dma_wait3A_230 : memref<40xi32, #tpu.memory_space<hbm>>) dst(%dma_wait3A_229 : memref<40xi32, #tpu.memory_space<vmem>>)
        %dma_start3A_231 = arith.constant 4 : i32
        %dma_start3A_232 = arith.constant 4 : i32
        %dma_start3A_233 = arith.constant 4 : i32
        %dma_start3A_234 = arith.constant 0 : i32
        %dma_start3A_235 = arith.constant 0 : i32
        %dma_start3A_236 = tpu.memref_slice %arg9[%dma_start3A_231, %dma_start3A_234, %dma_start3A_235] : memref<7x40x128xf32, #tpu.memory_space<vmem>> -> memref<1x40x128xf32, #tpu.memory_space<vmem>>
        %dma_start3A_237 = tpu.memref_squeeze %dma_start3A_236 : memref<1x40x128xf32, #tpu.memory_space<vmem>> -> memref<40x128xf32, #tpu.memory_space<vmem>>
        %dma_start3A_238 = arith.constant 0 : i32
        %dma_start3A_239 = tpu.memref_slice %arg8[%dma_start3A_232, %dma_start3A_238] : memref<7x40xi32, #tpu.memory_space<vmem>> -> memref<1x40xi32, #tpu.memory_space<vmem>>
        %dma_start3A_240 = tpu.memref_squeeze %dma_start3A_239 : memref<1x40xi32, #tpu.memory_space<vmem>> -> memref<40xi32, #tpu.memory_space<vmem>>
        %dma_start3A_241 = arith.constant 0 : i32
        %dma_start3A_242 = arith.constant 0 : i32
        %dma_start3A_243 = tpu.memref_slice %arg10[%dma_start3A_241, %dma_start3A_242] : memref<10000x128xf32, #tpu.memory_space<vmem_shared>> -> memref<10000x128xf32, #tpu.memory_space<vmem_shared>>
        %dma_start3A_244 = tpu.memref_slice %arg13[%dma_start3A_233] : memref<7x!tpu.dma_semaphore, #tpu.memory_space<semaphore_mem>> -> memref<1x!tpu.dma_semaphore, #tpu.memory_space<semaphore_mem>>
        %dma_start3A_245 = tpu.memref_squeeze %dma_start3A_244 : memref<1x!tpu.dma_semaphore, #tpu.memory_space<semaphore_mem>> -> memref<!tpu.dma_semaphore, #tpu.memory_space<semaphore_mem>>
        tpu.enqueue_indirect_dma source(%dma_start3A_237 : memref<40x128xf32, #tpu.memory_space<vmem>>) target(%dma_start3A_243 : memref<10000x128xf32, #tpu.memory_space<vmem_shared>>) offsets(%dma_start3A_240 : memref<40xi32, #tpu.memory_space<vmem>>) semaphore(%dma_start3A_245 : memref<!tpu.dma_semaphore, #tpu.memory_space<semaphore_mem>>) {add = true}
      } else {
      }
      %mul3A_104 = arith.constant 7 : i32
      %mul3A_105 = arith.muli %add3A_31, %mul3A_104 : i32
      %add3A_106 = arith.constant 3 : i32
      %add3A_107 = arith.addi %mul3A_105, %add3A_106 : i32
      %ge3A_108 = arith.constant 7 : i32
      %ge3A_109 = arith.cmpi sge, %add3A_107, %ge3A_108 : i32
      %lt3A_110 = arith.constant 257 : i32
      %lt3A_111 = arith.cmpi slt, %add3A_107, %lt3A_110 : i32
      %and3A_112 = arith.andi %ge3A_109, %lt3A_111 : i1
      %convert_element_type3A_113 = arith.extui %and3A_112 : i1 to i32
      %cond3A_114 = arith.constant 0 : i32
      %cond3A_115 = arith.cmpi ne, %convert_element_type3A_113, %cond3A_114 : i32
      scf.if %cond3A_115 {
        %dma_wait3A_204 = arith.constant 3 : i32
        %dma_wait3A_205 = arith.constant 3 : i32
        %dma_wait3A_206 = arith.constant 3 : i32
        %dma_wait3A_207 = arith.constant 0 : i32
        %dma_wait3A_208 = arith.constant 0 : i32
        %dma_wait3A_209 = tpu.memref_slice %arg9[%dma_wait3A_204, %dma_wait3A_207, %dma_wait3A_208] : memref<7x40x128xf32, #tpu.memory_space<vmem>> -> memref<1x40x128xf32, #tpu.memory_space<vmem>>
        %dma_wait3A_210 = tpu.memref_squeeze %dma_wait3A_209 : memref<1x40x128xf32, #tpu.memory_space<vmem>> -> memref<40x128xf32, #tpu.memory_space<vmem>>
        %dma_wait3A_211 = arith.constant 0 : i32
        %dma_wait3A_212 = tpu.memref_slice %arg8[%dma_wait3A_205, %dma_wait3A_211] : memref<7x40xi32, #tpu.memory_space<vmem>> -> memref<1x40xi32, #tpu.memory_space<vmem>>
        %dma_wait3A_213 = tpu.memref_squeeze %dma_wait3A_212 : memref<1x40xi32, #tpu.memory_space<vmem>> -> memref<40xi32, #tpu.memory_space<vmem>>
        %dma_wait3A_214 = arith.constant 0 : i32
        %dma_wait3A_215 = arith.constant 0 : i32
        %dma_wait3A_216 = tpu.memref_slice %arg10[%dma_wait3A_214, %dma_wait3A_215] : memref<10000x128xf32, #tpu.memory_space<vmem_shared>> -> memref<10000x128xf32, #tpu.memory_space<vmem_shared>>
        %dma_wait3A_217 = tpu.memref_slice %arg13[%dma_wait3A_206] : memref<7x!tpu.dma_semaphore, #tpu.memory_space<semaphore_mem>> -> memref<1x!tpu.dma_semaphore, #tpu.memory_space<semaphore_mem>>
        %dma_wait3A_218 = tpu.memref_squeeze %dma_wait3A_217 : memref<1x!tpu.dma_semaphore, #tpu.memory_space<semaphore_mem>> -> memref<!tpu.dma_semaphore, #tpu.memory_space<semaphore_mem>>
        tpu.wait_indirect_dma semaphore(%dma_wait3A_218 : memref<!tpu.dma_semaphore, #tpu.memory_space<semaphore_mem>>) src(%dma_wait3A_210 : memref<40x128xf32, #tpu.memory_space<vmem>>) dst(%dma_wait3A_216 : memref<10000x128xf32, #tpu.memory_space<vmem_shared>>)
      } else {
      }
      %lt3A_116 = arith.constant 250 : i32
      %lt3A_117 = arith.cmpi slt, %add3A_107, %lt3A_116 : i32
      %convert_element_type3A_118 = arith.extui %lt3A_117 : i1 to i32
      %cond3A_119 = arith.constant 0 : i32
      %cond3A_120 = arith.cmpi ne, %convert_element_type3A_118, %cond3A_119 : i32
      scf.if %cond3A_120 {
        %mul3A_204 = arith.constant 40 : i32
        %mul3A_205 = arith.muli %add3A_107, %mul3A_204 : i32
        %dma_start3A_206 = arith.constant 3 : i32
        %dma_start3A_207 = arith.constant 3 : i32
        %dma_start3A_208 = arith.constant 0 : i32
        %dma_start3A_209 = arith.constant 0 : i32
        %dma_start3A_210 = tpu.memref_slice %arg9[%dma_start3A_206, %dma_start3A_208, %dma_start3A_209] : memref<7x40x128xf32, #tpu.memory_space<vmem>> -> memref<1x40x128xf32, #tpu.memory_space<vmem>>
        %dma_start3A_211 = tpu.memref_squeeze %dma_start3A_210 : memref<1x40x128xf32, #tpu.memory_space<vmem>> -> memref<40x128xf32, #tpu.memory_space<vmem>>
        %dma_start3A_212 = tpu.memref_slice %arg7[%mul3A_205] : memref<10000xi32, #tpu.memory_space<vmem>> -> memref<40xi32, #tpu.memory_space<vmem>>
        %dma_start3A_213 = arith.constant 0 : i32
        %dma_start3A_214 = arith.constant 0 : i32
        %dma_start3A_215 = tpu.memref_slice %arg2[%dma_start3A_213, %dma_start3A_214] : memref<10000x128xf32, #tpu.memory_space<hbm>> -> memref<10000x128xf32, #tpu.memory_space<hbm>>
        %dma_start3A_216 = tpu.memref_slice %arg12[%dma_start3A_207] : memref<7x!tpu.dma_semaphore, #tpu.memory_space<semaphore_mem>> -> memref<1x!tpu.dma_semaphore, #tpu.memory_space<semaphore_mem>>
        %dma_start3A_217 = tpu.memref_squeeze %dma_start3A_216 : memref<1x!tpu.dma_semaphore, #tpu.memory_space<semaphore_mem>> -> memref<!tpu.dma_semaphore, #tpu.memory_space<semaphore_mem>>
        tpu.enqueue_indirect_dma source(%dma_start3A_215 : memref<10000x128xf32, #tpu.memory_space<hbm>>) target(%dma_start3A_211 : memref<40x128xf32, #tpu.memory_space<vmem>>) offsets(%dma_start3A_212 : memref<40xi32, #tpu.memory_space<vmem>>) semaphore(%dma_start3A_217 : memref<!tpu.dma_semaphore, #tpu.memory_space<semaphore_mem>>)
        %mul3A_218 = arith.constant 40 : i32
        %mul3A_219 = arith.muli %add3A_107, %mul3A_218 : i32
        %add3A_220 = arith.addi %mul3A_2, %mul3A_219 : i32
        %dma_start3A_221 = arith.constant 3 : i32
        %dma_start3A_222 = arith.constant 3 : i32
        %dma_start3A_223 = arith.constant 0 : i32
        %dma_start3A_224 = tpu.memref_slice %arg8[%dma_start3A_221, %dma_start3A_223] : memref<7x40xi32, #tpu.memory_space<vmem>> -> memref<1x40xi32, #tpu.memory_space<vmem>>
        %dma_start3A_225 = tpu.memref_squeeze %dma_start3A_224 : memref<1x40xi32, #tpu.memory_space<vmem>> -> memref<40xi32, #tpu.memory_space<vmem>>
        %dma_start3A_226 = tpu.memref_slice %arg4[%add3A_220] : memref<320000xi32, #tpu.memory_space<hbm>> -> memref<40xi32, #tpu.memory_space<hbm>>
        %dma_start3A_227 = tpu.memref_slice %arg11[%dma_start3A_222] : memref<7x!tpu.dma_semaphore, #tpu.memory_space<semaphore_mem>> -> memref<1x!tpu.dma_semaphore, #tpu.memory_space<semaphore_mem>>
        %dma_start3A_228 = tpu.memref_squeeze %dma_start3A_227 : memref<1x!tpu.dma_semaphore, #tpu.memory_space<semaphore_mem>> -> memref<!tpu.dma_semaphore, #tpu.memory_space<semaphore_mem>>
        %dma_start3A_229 = arith.constant 0 : i32
        %dma_start3A_230 = tpu.memref_slice %arg8[%dma_start3A_221, %dma_start3A_229] : memref<7x40xi32, #tpu.memory_space<vmem>> -> memref<1x40xi32, #tpu.memory_space<vmem>>
        %dma_start3A_231 = tpu.memref_squeeze %dma_start3A_230 : memref<1x40xi32, #tpu.memory_space<vmem>> -> memref<40xi32, #tpu.memory_space<vmem>>
        %dma_start3A_232 = tpu.memref_slice %arg4[%add3A_220] : memref<320000xi32, #tpu.memory_space<hbm>> -> memref<40xi32, #tpu.memory_space<hbm>>
        tpu.enqueue_dma source(%dma_start3A_232 : memref<40xi32, #tpu.memory_space<hbm>>) target(%dma_start3A_231 : memref<40xi32, #tpu.memory_space<vmem>>) target_semaphore(%dma_start3A_228 : memref<!tpu.dma_semaphore, #tpu.memory_space<semaphore_mem>>)
      } else {
      }
      %ge3A_121 = arith.constant 5 : i32
      %ge3A_122 = arith.cmpi sge, %add3A_107, %ge3A_121 : i32
      %lt3A_123 = arith.constant 255 : i32
      %lt3A_124 = arith.cmpi slt, %add3A_107, %lt3A_123 : i32
      %and3A_125 = arith.andi %ge3A_122, %lt3A_124 : i1
      %convert_element_type3A_126 = arith.extui %and3A_125 : i1 to i32
      %cond3A_127 = arith.constant 0 : i32
      %cond3A_128 = arith.cmpi ne, %convert_element_type3A_126, %cond3A_127 : i32
      scf.if %cond3A_128 {
        %dma_wait3A_204 = arith.constant 5 : i32
        %dma_wait3A_205 = arith.constant 5 : i32
        %dma_wait3A_206 = arith.constant 0 : i32
        %dma_wait3A_207 = arith.constant 0 : i32
        %dma_wait3A_208 = tpu.memref_slice %arg9[%dma_wait3A_204, %dma_wait3A_206, %dma_wait3A_207] : memref<7x40x128xf32, #tpu.memory_space<vmem>> -> memref<1x40x128xf32, #tpu.memory_space<vmem>>
        %dma_wait3A_209 = tpu.memref_squeeze %dma_wait3A_208 : memref<1x40x128xf32, #tpu.memory_space<vmem>> -> memref<40x128xf32, #tpu.memory_space<vmem>>
        %dma_wait3A_210 = arith.constant 0 : i32
        %dma_wait3A_211 = tpu.memref_slice %arg7[%dma_wait3A_210] : memref<10000xi32, #tpu.memory_space<vmem>> -> memref<40xi32, #tpu.memory_space<vmem>>
        %dma_wait3A_212 = arith.constant 0 : i32
        %dma_wait3A_213 = arith.constant 0 : i32
        %dma_wait3A_214 = tpu.memref_slice %arg2[%dma_wait3A_212, %dma_wait3A_213] : memref<10000x128xf32, #tpu.memory_space<hbm>> -> memref<10000x128xf32, #tpu.memory_space<hbm>>
        %dma_wait3A_215 = tpu.memref_slice %arg12[%dma_wait3A_205] : memref<7x!tpu.dma_semaphore, #tpu.memory_space<semaphore_mem>> -> memref<1x!tpu.dma_semaphore, #tpu.memory_space<semaphore_mem>>
        %dma_wait3A_216 = tpu.memref_squeeze %dma_wait3A_215 : memref<1x!tpu.dma_semaphore, #tpu.memory_space<semaphore_mem>> -> memref<!tpu.dma_semaphore, #tpu.memory_space<semaphore_mem>>
        tpu.wait_indirect_dma semaphore(%dma_wait3A_216 : memref<!tpu.dma_semaphore, #tpu.memory_space<semaphore_mem>>) src(%dma_wait3A_214 : memref<10000x128xf32, #tpu.memory_space<hbm>>) dst(%dma_wait3A_209 : memref<40x128xf32, #tpu.memory_space<vmem>>)
        %add3A_217 = arith.constant 0 : i32
        %add3A_218 = arith.addi %mul3A_2, %add3A_217 : i32
        %dma_wait3A_219 = arith.constant 5 : i32
        %dma_wait3A_220 = arith.constant 5 : i32
        %dma_wait3A_221 = arith.constant 0 : i32
        %dma_wait3A_222 = tpu.memref_slice %arg8[%dma_wait3A_219, %dma_wait3A_221] : memref<7x40xi32, #tpu.memory_space<vmem>> -> memref<1x40xi32, #tpu.memory_space<vmem>>
        %dma_wait3A_223 = tpu.memref_squeeze %dma_wait3A_222 : memref<1x40xi32, #tpu.memory_space<vmem>> -> memref<40xi32, #tpu.memory_space<vmem>>
        %dma_wait3A_224 = tpu.memref_slice %arg4[%add3A_218] : memref<320000xi32, #tpu.memory_space<hbm>> -> memref<40xi32, #tpu.memory_space<hbm>>
        %dma_wait3A_225 = tpu.memref_slice %arg11[%dma_wait3A_220] : memref<7x!tpu.dma_semaphore, #tpu.memory_space<semaphore_mem>> -> memref<1x!tpu.dma_semaphore, #tpu.memory_space<semaphore_mem>>
        %dma_wait3A_226 = tpu.memref_squeeze %dma_wait3A_225 : memref<1x!tpu.dma_semaphore, #tpu.memory_space<semaphore_mem>> -> memref<!tpu.dma_semaphore, #tpu.memory_space<semaphore_mem>>
        %dma_wait3A_227 = arith.constant 0 : i32
        %dma_wait3A_228 = tpu.memref_slice %arg8[%dma_wait3A_219, %dma_wait3A_227] : memref<7x40xi32, #tpu.memory_space<vmem>> -> memref<1x40xi32, #tpu.memory_space<vmem>>
        %dma_wait3A_229 = tpu.memref_squeeze %dma_wait3A_228 : memref<1x40xi32, #tpu.memory_space<vmem>> -> memref<40xi32, #tpu.memory_space<vmem>>
        %dma_wait3A_230 = tpu.memref_slice %arg4[%add3A_218] : memref<320000xi32, #tpu.memory_space<hbm>> -> memref<40xi32, #tpu.memory_space<hbm>>
        tpu.wait_dma2 semaphore(%dma_wait3A_226 : memref<!tpu.dma_semaphore, #tpu.memory_space<semaphore_mem>>) src(%dma_wait3A_230 : memref<40xi32, #tpu.memory_space<hbm>>) dst(%dma_wait3A_229 : memref<40xi32, #tpu.memory_space<vmem>>)
        %dma_start3A_231 = arith.constant 5 : i32
        %dma_start3A_232 = arith.constant 5 : i32
        %dma_start3A_233 = arith.constant 5 : i32
        %dma_start3A_234 = arith.constant 0 : i32
        %dma_start3A_235 = arith.constant 0 : i32
        %dma_start3A_236 = tpu.memref_slice %arg9[%dma_start3A_231, %dma_start3A_234, %dma_start3A_235] : memref<7x40x128xf32, #tpu.memory_space<vmem>> -> memref<1x40x128xf32, #tpu.memory_space<vmem>>
        %dma_start3A_237 = tpu.memref_squeeze %dma_start3A_236 : memref<1x40x128xf32, #tpu.memory_space<vmem>> -> memref<40x128xf32, #tpu.memory_space<vmem>>
        %dma_start3A_238 = arith.constant 0 : i32
        %dma_start3A_239 = tpu.memref_slice %arg8[%dma_start3A_232, %dma_start3A_238] : memref<7x40xi32, #tpu.memory_space<vmem>> -> memref<1x40xi32, #tpu.memory_space<vmem>>
        %dma_start3A_240 = tpu.memref_squeeze %dma_start3A_239 : memref<1x40xi32, #tpu.memory_space<vmem>> -> memref<40xi32, #tpu.memory_space<vmem>>
        %dma_start3A_241 = arith.constant 0 : i32
        %dma_start3A_242 = arith.constant 0 : i32
        %dma_start3A_243 = tpu.memref_slice %arg10[%dma_start3A_241, %dma_start3A_242] : memref<10000x128xf32, #tpu.memory_space<vmem_shared>> -> memref<10000x128xf32, #tpu.memory_space<vmem_shared>>
        %dma_start3A_244 = tpu.memref_slice %arg13[%dma_start3A_233] : memref<7x!tpu.dma_semaphore, #tpu.memory_space<semaphore_mem>> -> memref<1x!tpu.dma_semaphore, #tpu.memory_space<semaphore_mem>>
        %dma_start3A_245 = tpu.memref_squeeze %dma_start3A_244 : memref<1x!tpu.dma_semaphore, #tpu.memory_space<semaphore_mem>> -> memref<!tpu.dma_semaphore, #tpu.memory_space<semaphore_mem>>
        tpu.enqueue_indirect_dma source(%dma_start3A_237 : memref<40x128xf32, #tpu.memory_space<vmem>>) target(%dma_start3A_243 : memref<10000x128xf32, #tpu.memory_space<vmem_shared>>) offsets(%dma_start3A_240 : memref<40xi32, #tpu.memory_space<vmem>>) semaphore(%dma_start3A_245 : memref<!tpu.dma_semaphore, #tpu.memory_space<semaphore_mem>>) {add = true}
      } else {
      }
      %mul3A_129 = arith.constant 7 : i32
      %mul3A_130 = arith.muli %add3A_31, %mul3A_129 : i32
      %add3A_131 = arith.constant 4 : i32
      %add3A_132 = arith.addi %mul3A_130, %add3A_131 : i32
      %ge3A_133 = arith.constant 7 : i32
      %ge3A_134 = arith.cmpi sge, %add3A_132, %ge3A_133 : i32
      %lt3A_135 = arith.constant 257 : i32
      %lt3A_136 = arith.cmpi slt, %add3A_132, %lt3A_135 : i32
      %and3A_137 = arith.andi %ge3A_134, %lt3A_136 : i1
      %convert_element_type3A_138 = arith.extui %and3A_137 : i1 to i32
      %cond3A_139 = arith.constant 0 : i32
      %cond3A_140 = arith.cmpi ne, %convert_element_type3A_138, %cond3A_139 : i32
      scf.if %cond3A_140 {
        %dma_wait3A_204 = arith.constant 4 : i32
        %dma_wait3A_205 = arith.constant 4 : i32
        %dma_wait3A_206 = arith.constant 4 : i32
        %dma_wait3A_207 = arith.constant 0 : i32
        %dma_wait3A_208 = arith.constant 0 : i32
        %dma_wait3A_209 = tpu.memref_slice %arg9[%dma_wait3A_204, %dma_wait3A_207, %dma_wait3A_208] : memref<7x40x128xf32, #tpu.memory_space<vmem>> -> memref<1x40x128xf32, #tpu.memory_space<vmem>>
        %dma_wait3A_210 = tpu.memref_squeeze %dma_wait3A_209 : memref<1x40x128xf32, #tpu.memory_space<vmem>> -> memref<40x128xf32, #tpu.memory_space<vmem>>
        %dma_wait3A_211 = arith.constant 0 : i32
        %dma_wait3A_212 = tpu.memref_slice %arg8[%dma_wait3A_205, %dma_wait3A_211] : memref<7x40xi32, #tpu.memory_space<vmem>> -> memref<1x40xi32, #tpu.memory_space<vmem>>
        %dma_wait3A_213 = tpu.memref_squeeze %dma_wait3A_212 : memref<1x40xi32, #tpu.memory_space<vmem>> -> memref<40xi32, #tpu.memory_space<vmem>>
        %dma_wait3A_214 = arith.constant 0 : i32
        %dma_wait3A_215 = arith.constant 0 : i32
        %dma_wait3A_216 = tpu.memref_slice %arg10[%dma_wait3A_214, %dma_wait3A_215] : memref<10000x128xf32, #tpu.memory_space<vmem_shared>> -> memref<10000x128xf32, #tpu.memory_space<vmem_shared>>
        %dma_wait3A_217 = tpu.memref_slice %arg13[%dma_wait3A_206] : memref<7x!tpu.dma_semaphore, #tpu.memory_space<semaphore_mem>> -> memref<1x!tpu.dma_semaphore, #tpu.memory_space<semaphore_mem>>
        %dma_wait3A_218 = tpu.memref_squeeze %dma_wait3A_217 : memref<1x!tpu.dma_semaphore, #tpu.memory_space<semaphore_mem>> -> memref<!tpu.dma_semaphore, #tpu.memory_space<semaphore_mem>>
        tpu.wait_indirect_dma semaphore(%dma_wait3A_218 : memref<!tpu.dma_semaphore, #tpu.memory_space<semaphore_mem>>) src(%dma_wait3A_210 : memref<40x128xf32, #tpu.memory_space<vmem>>) dst(%dma_wait3A_216 : memref<10000x128xf32, #tpu.memory_space<vmem_shared>>)
      } else {
      }
      %lt3A_141 = arith.constant 250 : i32
      %lt3A_142 = arith.cmpi slt, %add3A_132, %lt3A_141 : i32
      %convert_element_type3A_143 = arith.extui %lt3A_142 : i1 to i32
      %cond3A_144 = arith.constant 0 : i32
      %cond3A_145 = arith.cmpi ne, %convert_element_type3A_143, %cond3A_144 : i32
      scf.if %cond3A_145 {
        %mul3A_204 = arith.constant 40 : i32
        %mul3A_205 = arith.muli %add3A_132, %mul3A_204 : i32
        %dma_start3A_206 = arith.constant 4 : i32
        %dma_start3A_207 = arith.constant 4 : i32
        %dma_start3A_208 = arith.constant 0 : i32
        %dma_start3A_209 = arith.constant 0 : i32
        %dma_start3A_210 = tpu.memref_slice %arg9[%dma_start3A_206, %dma_start3A_208, %dma_start3A_209] : memref<7x40x128xf32, #tpu.memory_space<vmem>> -> memref<1x40x128xf32, #tpu.memory_space<vmem>>
        %dma_start3A_211 = tpu.memref_squeeze %dma_start3A_210 : memref<1x40x128xf32, #tpu.memory_space<vmem>> -> memref<40x128xf32, #tpu.memory_space<vmem>>
        %dma_start3A_212 = tpu.memref_slice %arg7[%mul3A_205] : memref<10000xi32, #tpu.memory_space<vmem>> -> memref<40xi32, #tpu.memory_space<vmem>>
        %dma_start3A_213 = arith.constant 0 : i32
        %dma_start3A_214 = arith.constant 0 : i32
        %dma_start3A_215 = tpu.memref_slice %arg2[%dma_start3A_213, %dma_start3A_214] : memref<10000x128xf32, #tpu.memory_space<hbm>> -> memref<10000x128xf32, #tpu.memory_space<hbm>>
        %dma_start3A_216 = tpu.memref_slice %arg12[%dma_start3A_207] : memref<7x!tpu.dma_semaphore, #tpu.memory_space<semaphore_mem>> -> memref<1x!tpu.dma_semaphore, #tpu.memory_space<semaphore_mem>>
        %dma_start3A_217 = tpu.memref_squeeze %dma_start3A_216 : memref<1x!tpu.dma_semaphore, #tpu.memory_space<semaphore_mem>> -> memref<!tpu.dma_semaphore, #tpu.memory_space<semaphore_mem>>
        tpu.enqueue_indirect_dma source(%dma_start3A_215 : memref<10000x128xf32, #tpu.memory_space<hbm>>) target(%dma_start3A_211 : memref<40x128xf32, #tpu.memory_space<vmem>>) offsets(%dma_start3A_212 : memref<40xi32, #tpu.memory_space<vmem>>) semaphore(%dma_start3A_217 : memref<!tpu.dma_semaphore, #tpu.memory_space<semaphore_mem>>)
        %mul3A_218 = arith.constant 40 : i32
        %mul3A_219 = arith.muli %add3A_132, %mul3A_218 : i32
        %add3A_220 = arith.addi %mul3A_2, %mul3A_219 : i32
        %dma_start3A_221 = arith.constant 4 : i32
        %dma_start3A_222 = arith.constant 4 : i32
        %dma_start3A_223 = arith.constant 0 : i32
        %dma_start3A_224 = tpu.memref_slice %arg8[%dma_start3A_221, %dma_start3A_223] : memref<7x40xi32, #tpu.memory_space<vmem>> -> memref<1x40xi32, #tpu.memory_space<vmem>>
        %dma_start3A_225 = tpu.memref_squeeze %dma_start3A_224 : memref<1x40xi32, #tpu.memory_space<vmem>> -> memref<40xi32, #tpu.memory_space<vmem>>
        %dma_start3A_226 = tpu.memref_slice %arg4[%add3A_220] : memref<320000xi32, #tpu.memory_space<hbm>> -> memref<40xi32, #tpu.memory_space<hbm>>
        %dma_start3A_227 = tpu.memref_slice %arg11[%dma_start3A_222] : memref<7x!tpu.dma_semaphore, #tpu.memory_space<semaphore_mem>> -> memref<1x!tpu.dma_semaphore, #tpu.memory_space<semaphore_mem>>
        %dma_start3A_228 = tpu.memref_squeeze %dma_start3A_227 : memref<1x!tpu.dma_semaphore, #tpu.memory_space<semaphore_mem>> -> memref<!tpu.dma_semaphore, #tpu.memory_space<semaphore_mem>>
        %dma_start3A_229 = arith.constant 0 : i32
        %dma_start3A_230 = tpu.memref_slice %arg8[%dma_start3A_221, %dma_start3A_229] : memref<7x40xi32, #tpu.memory_space<vmem>> -> memref<1x40xi32, #tpu.memory_space<vmem>>
        %dma_start3A_231 = tpu.memref_squeeze %dma_start3A_230 : memref<1x40xi32, #tpu.memory_space<vmem>> -> memref<40xi32, #tpu.memory_space<vmem>>
        %dma_start3A_232 = tpu.memref_slice %arg4[%add3A_220] : memref<320000xi32, #tpu.memory_space<hbm>> -> memref<40xi32, #tpu.memory_space<hbm>>
        tpu.enqueue_dma source(%dma_start3A_232 : memref<40xi32, #tpu.memory_space<hbm>>) target(%dma_start3A_231 : memref<40xi32, #tpu.memory_space<vmem>>) target_semaphore(%dma_start3A_228 : memref<!tpu.dma_semaphore, #tpu.memory_space<semaphore_mem>>)
      } else {
      }
      %ge3A_146 = arith.constant 5 : i32
      %ge3A_147 = arith.cmpi sge, %add3A_132, %ge3A_146 : i32
      %lt3A_148 = arith.constant 255 : i32
      %lt3A_149 = arith.cmpi slt, %add3A_132, %lt3A_148 : i32
      %and3A_150 = arith.andi %ge3A_147, %lt3A_149 : i1
      %convert_element_type3A_151 = arith.extui %and3A_150 : i1 to i32
      %cond3A_152 = arith.constant 0 : i32
      %cond3A_153 = arith.cmpi ne, %convert_element_type3A_151, %cond3A_152 : i32
      scf.if %cond3A_153 {
        %dma_wait3A_204 = arith.constant 6 : i32
        %dma_wait3A_205 = arith.constant 6 : i32
        %dma_wait3A_206 = arith.constant 0 : i32
        %dma_wait3A_207 = arith.constant 0 : i32
        %dma_wait3A_208 = tpu.memref_slice %arg9[%dma_wait3A_204, %dma_wait3A_206, %dma_wait3A_207] : memref<7x40x128xf32, #tpu.memory_space<vmem>> -> memref<1x40x128xf32, #tpu.memory_space<vmem>>
        %dma_wait3A_209 = tpu.memref_squeeze %dma_wait3A_208 : memref<1x40x128xf32, #tpu.memory_space<vmem>> -> memref<40x128xf32, #tpu.memory_space<vmem>>
        %dma_wait3A_210 = arith.constant 0 : i32
        %dma_wait3A_211 = tpu.memref_slice %arg7[%dma_wait3A_210] : memref<10000xi32, #tpu.memory_space<vmem>> -> memref<40xi32, #tpu.memory_space<vmem>>
        %dma_wait3A_212 = arith.constant 0 : i32
        %dma_wait3A_213 = arith.constant 0 : i32
        %dma_wait3A_214 = tpu.memref_slice %arg2[%dma_wait3A_212, %dma_wait3A_213] : memref<10000x128xf32, #tpu.memory_space<hbm>> -> memref<10000x128xf32, #tpu.memory_space<hbm>>
        %dma_wait3A_215 = tpu.memref_slice %arg12[%dma_wait3A_205] : memref<7x!tpu.dma_semaphore, #tpu.memory_space<semaphore_mem>> -> memref<1x!tpu.dma_semaphore, #tpu.memory_space<semaphore_mem>>
        %dma_wait3A_216 = tpu.memref_squeeze %dma_wait3A_215 : memref<1x!tpu.dma_semaphore, #tpu.memory_space<semaphore_mem>> -> memref<!tpu.dma_semaphore, #tpu.memory_space<semaphore_mem>>
        tpu.wait_indirect_dma semaphore(%dma_wait3A_216 : memref<!tpu.dma_semaphore, #tpu.memory_space<semaphore_mem>>) src(%dma_wait3A_214 : memref<10000x128xf32, #tpu.memory_space<hbm>>) dst(%dma_wait3A_209 : memref<40x128xf32, #tpu.memory_space<vmem>>)
        %add3A_217 = arith.constant 0 : i32
        %add3A_218 = arith.addi %mul3A_2, %add3A_217 : i32
        %dma_wait3A_219 = arith.constant 6 : i32
        %dma_wait3A_220 = arith.constant 6 : i32
        %dma_wait3A_221 = arith.constant 0 : i32
        %dma_wait3A_222 = tpu.memref_slice %arg8[%dma_wait3A_219, %dma_wait3A_221] : memref<7x40xi32, #tpu.memory_space<vmem>> -> memref<1x40xi32, #tpu.memory_space<vmem>>
        %dma_wait3A_223 = tpu.memref_squeeze %dma_wait3A_222 : memref<1x40xi32, #tpu.memory_space<vmem>> -> memref<40xi32, #tpu.memory_space<vmem>>
        %dma_wait3A_224 = tpu.memref_slice %arg4[%add3A_218] : memref<320000xi32, #tpu.memory_space<hbm>> -> memref<40xi32, #tpu.memory_space<hbm>>
        %dma_wait3A_225 = tpu.memref_slice %arg11[%dma_wait3A_220] : memref<7x!tpu.dma_semaphore, #tpu.memory_space<semaphore_mem>> -> memref<1x!tpu.dma_semaphore, #tpu.memory_space<semaphore_mem>>
        %dma_wait3A_226 = tpu.memref_squeeze %dma_wait3A_225 : memref<1x!tpu.dma_semaphore, #tpu.memory_space<semaphore_mem>> -> memref<!tpu.dma_semaphore, #tpu.memory_space<semaphore_mem>>
        %dma_wait3A_227 = arith.constant 0 : i32
        %dma_wait3A_228 = tpu.memref_slice %arg8[%dma_wait3A_219, %dma_wait3A_227] : memref<7x40xi32, #tpu.memory_space<vmem>> -> memref<1x40xi32, #tpu.memory_space<vmem>>
        %dma_wait3A_229 = tpu.memref_squeeze %dma_wait3A_228 : memref<1x40xi32, #tpu.memory_space<vmem>> -> memref<40xi32, #tpu.memory_space<vmem>>
        %dma_wait3A_230 = tpu.memref_slice %arg4[%add3A_218] : memref<320000xi32, #tpu.memory_space<hbm>> -> memref<40xi32, #tpu.memory_space<hbm>>
        tpu.wait_dma2 semaphore(%dma_wait3A_226 : memref<!tpu.dma_semaphore, #tpu.memory_space<semaphore_mem>>) src(%dma_wait3A_230 : memref<40xi32, #tpu.memory_space<hbm>>) dst(%dma_wait3A_229 : memref<40xi32, #tpu.memory_space<vmem>>)
        %dma_start3A_231 = arith.constant 6 : i32
        %dma_start3A_232 = arith.constant 6 : i32
        %dma_start3A_233 = arith.constant 6 : i32
        %dma_start3A_234 = arith.constant 0 : i32
        %dma_start3A_235 = arith.constant 0 : i32
        %dma_start3A_236 = tpu.memref_slice %arg9[%dma_start3A_231, %dma_start3A_234, %dma_start3A_235] : memref<7x40x128xf32, #tpu.memory_space<vmem>> -> memref<1x40x128xf32, #tpu.memory_space<vmem>>
        %dma_start3A_237 = tpu.memref_squeeze %dma_start3A_236 : memref<1x40x128xf32, #tpu.memory_space<vmem>> -> memref<40x128xf32, #tpu.memory_space<vmem>>
        %dma_start3A_238 = arith.constant 0 : i32
        %dma_start3A_239 = tpu.memref_slice %arg8[%dma_start3A_232, %dma_start3A_238] : memref<7x40xi32, #tpu.memory_space<vmem>> -> memref<1x40xi32, #tpu.memory_space<vmem>>
        %dma_start3A_240 = tpu.memref_squeeze %dma_start3A_239 : memref<1x40xi32, #tpu.memory_space<vmem>> -> memref<40xi32, #tpu.memory_space<vmem>>
        %dma_start3A_241 = arith.constant 0 : i32
        %dma_start3A_242 = arith.constant 0 : i32
        %dma_start3A_243 = tpu.memref_slice %arg10[%dma_start3A_241, %dma_start3A_242] : memref<10000x128xf32, #tpu.memory_space<vmem_shared>> -> memref<10000x128xf32, #tpu.memory_space<vmem_shared>>
        %dma_start3A_244 = tpu.memref_slice %arg13[%dma_start3A_233] : memref<7x!tpu.dma_semaphore, #tpu.memory_space<semaphore_mem>> -> memref<1x!tpu.dma_semaphore, #tpu.memory_space<semaphore_mem>>
        %dma_start3A_245 = tpu.memref_squeeze %dma_start3A_244 : memref<1x!tpu.dma_semaphore, #tpu.memory_space<semaphore_mem>> -> memref<!tpu.dma_semaphore, #tpu.memory_space<semaphore_mem>>
        tpu.enqueue_indirect_dma source(%dma_start3A_237 : memref<40x128xf32, #tpu.memory_space<vmem>>) target(%dma_start3A_243 : memref<10000x128xf32, #tpu.memory_space<vmem_shared>>) offsets(%dma_start3A_240 : memref<40xi32, #tpu.memory_space<vmem>>) semaphore(%dma_start3A_245 : memref<!tpu.dma_semaphore, #tpu.memory_space<semaphore_mem>>) {add = true}
      } else {
      }
      %mul3A_154 = arith.constant 7 : i32
      %mul3A_155 = arith.muli %add3A_31, %mul3A_154 : i32
      %add3A_156 = arith.constant 5 : i32
      %add3A_157 = arith.addi %mul3A_155, %add3A_156 : i32
      %ge3A_158 = arith.constant 7 : i32
      %ge3A_159 = arith.cmpi sge, %add3A_157, %ge3A_158 : i32
      %lt3A_160 = arith.constant 257 : i32
      %lt3A_161 = arith.cmpi slt, %add3A_157, %lt3A_160 : i32
      %and3A_162 = arith.andi %ge3A_159, %lt3A_161 : i1
      %convert_element_type3A_163 = arith.extui %and3A_162 : i1 to i32
      %cond3A_164 = arith.constant 0 : i32
      %cond3A_165 = arith.cmpi ne, %convert_element_type3A_163, %cond3A_164 : i32
      scf.if %cond3A_165 {
        %dma_wait3A_204 = arith.constant 5 : i32
        %dma_wait3A_205 = arith.constant 5 : i32
        %dma_wait3A_206 = arith.constant 5 : i32
        %dma_wait3A_207 = arith.constant 0 : i32
        %dma_wait3A_208 = arith.constant 0 : i32
        %dma_wait3A_209 = tpu.memref_slice %arg9[%dma_wait3A_204, %dma_wait3A_207, %dma_wait3A_208] : memref<7x40x128xf32, #tpu.memory_space<vmem>> -> memref<1x40x128xf32, #tpu.memory_space<vmem>>
        %dma_wait3A_210 = tpu.memref_squeeze %dma_wait3A_209 : memref<1x40x128xf32, #tpu.memory_space<vmem>> -> memref<40x128xf32, #tpu.memory_space<vmem>>
        %dma_wait3A_211 = arith.constant 0 : i32
        %dma_wait3A_212 = tpu.memref_slice %arg8[%dma_wait3A_205, %dma_wait3A_211] : memref<7x40xi32, #tpu.memory_space<vmem>> -> memref<1x40xi32, #tpu.memory_space<vmem>>
        %dma_wait3A_213 = tpu.memref_squeeze %dma_wait3A_212 : memref<1x40xi32, #tpu.memory_space<vmem>> -> memref<40xi32, #tpu.memory_space<vmem>>
        %dma_wait3A_214 = arith.constant 0 : i32
        %dma_wait3A_215 = arith.constant 0 : i32
        %dma_wait3A_216 = tpu.memref_slice %arg10[%dma_wait3A_214, %dma_wait3A_215] : memref<10000x128xf32, #tpu.memory_space<vmem_shared>> -> memref<10000x128xf32, #tpu.memory_space<vmem_shared>>
        %dma_wait3A_217 = tpu.memref_slice %arg13[%dma_wait3A_206] : memref<7x!tpu.dma_semaphore, #tpu.memory_space<semaphore_mem>> -> memref<1x!tpu.dma_semaphore, #tpu.memory_space<semaphore_mem>>
        %dma_wait3A_218 = tpu.memref_squeeze %dma_wait3A_217 : memref<1x!tpu.dma_semaphore, #tpu.memory_space<semaphore_mem>> -> memref<!tpu.dma_semaphore, #tpu.memory_space<semaphore_mem>>
        tpu.wait_indirect_dma semaphore(%dma_wait3A_218 : memref<!tpu.dma_semaphore, #tpu.memory_space<semaphore_mem>>) src(%dma_wait3A_210 : memref<40x128xf32, #tpu.memory_space<vmem>>) dst(%dma_wait3A_216 : memref<10000x128xf32, #tpu.memory_space<vmem_shared>>)
      } else {
      }
      %lt3A_166 = arith.constant 250 : i32
      %lt3A_167 = arith.cmpi slt, %add3A_157, %lt3A_166 : i32
      %convert_element_type3A_168 = arith.extui %lt3A_167 : i1 to i32
      %cond3A_169 = arith.constant 0 : i32
      %cond3A_170 = arith.cmpi ne, %convert_element_type3A_168, %cond3A_169 : i32
      scf.if %cond3A_170 {
        %mul3A_204 = arith.constant 40 : i32
        %mul3A_205 = arith.muli %add3A_157, %mul3A_204 : i32
        %dma_start3A_206 = arith.constant 5 : i32
        %dma_start3A_207 = arith.constant 5 : i32
        %dma_start3A_208 = arith.constant 0 : i32
        %dma_start3A_209 = arith.constant 0 : i32
        %dma_start3A_210 = tpu.memref_slice %arg9[%dma_start3A_206, %dma_start3A_208, %dma_start3A_209] : memref<7x40x128xf32, #tpu.memory_space<vmem>> -> memref<1x40x128xf32, #tpu.memory_space<vmem>>
        %dma_start3A_211 = tpu.memref_squeeze %dma_start3A_210 : memref<1x40x128xf32, #tpu.memory_space<vmem>> -> memref<40x128xf32, #tpu.memory_space<vmem>>
        %dma_start3A_212 = tpu.memref_slice %arg7[%mul3A_205] : memref<10000xi32, #tpu.memory_space<vmem>> -> memref<40xi32, #tpu.memory_space<vmem>>
        %dma_start3A_213 = arith.constant 0 : i32
        %dma_start3A_214 = arith.constant 0 : i32
        %dma_start3A_215 = tpu.memref_slice %arg2[%dma_start3A_213, %dma_start3A_214] : memref<10000x128xf32, #tpu.memory_space<hbm>> -> memref<10000x128xf32, #tpu.memory_space<hbm>>
        %dma_start3A_216 = tpu.memref_slice %arg12[%dma_start3A_207] : memref<7x!tpu.dma_semaphore, #tpu.memory_space<semaphore_mem>> -> memref<1x!tpu.dma_semaphore, #tpu.memory_space<semaphore_mem>>
        %dma_start3A_217 = tpu.memref_squeeze %dma_start3A_216 : memref<1x!tpu.dma_semaphore, #tpu.memory_space<semaphore_mem>> -> memref<!tpu.dma_semaphore, #tpu.memory_space<semaphore_mem>>
        tpu.enqueue_indirect_dma source(%dma_start3A_215 : memref<10000x128xf32, #tpu.memory_space<hbm>>) target(%dma_start3A_211 : memref<40x128xf32, #tpu.memory_space<vmem>>) offsets(%dma_start3A_212 : memref<40xi32, #tpu.memory_space<vmem>>) semaphore(%dma_start3A_217 : memref<!tpu.dma_semaphore, #tpu.memory_space<semaphore_mem>>)
        %mul3A_218 = arith.constant 40 : i32
        %mul3A_219 = arith.muli %add3A_157, %mul3A_218 : i32
        %add3A_220 = arith.addi %mul3A_2, %mul3A_219 : i32
        %dma_start3A_221 = arith.constant 5 : i32
        %dma_start3A_222 = arith.constant 5 : i32
        %dma_start3A_223 = arith.constant 0 : i32
        %dma_start3A_224 = tpu.memref_slice %arg8[%dma_start3A_221, %dma_start3A_223] : memref<7x40xi32, #tpu.memory_space<vmem>> -> memref<1x40xi32, #tpu.memory_space<vmem>>
        %dma_start3A_225 = tpu.memref_squeeze %dma_start3A_224 : memref<1x40xi32, #tpu.memory_space<vmem>> -> memref<40xi32, #tpu.memory_space<vmem>>
        %dma_start3A_226 = tpu.memref_slice %arg4[%add3A_220] : memref<320000xi32, #tpu.memory_space<hbm>> -> memref<40xi32, #tpu.memory_space<hbm>>
        %dma_start3A_227 = tpu.memref_slice %arg11[%dma_start3A_222] : memref<7x!tpu.dma_semaphore, #tpu.memory_space<semaphore_mem>> -> memref<1x!tpu.dma_semaphore, #tpu.memory_space<semaphore_mem>>
        %dma_start3A_228 = tpu.memref_squeeze %dma_start3A_227 : memref<1x!tpu.dma_semaphore, #tpu.memory_space<semaphore_mem>> -> memref<!tpu.dma_semaphore, #tpu.memory_space<semaphore_mem>>
        %dma_start3A_229 = arith.constant 0 : i32
        %dma_start3A_230 = tpu.memref_slice %arg8[%dma_start3A_221, %dma_start3A_229] : memref<7x40xi32, #tpu.memory_space<vmem>> -> memref<1x40xi32, #tpu.memory_space<vmem>>
        %dma_start3A_231 = tpu.memref_squeeze %dma_start3A_230 : memref<1x40xi32, #tpu.memory_space<vmem>> -> memref<40xi32, #tpu.memory_space<vmem>>
        %dma_start3A_232 = tpu.memref_slice %arg4[%add3A_220] : memref<320000xi32, #tpu.memory_space<hbm>> -> memref<40xi32, #tpu.memory_space<hbm>>
        tpu.enqueue_dma source(%dma_start3A_232 : memref<40xi32, #tpu.memory_space<hbm>>) target(%dma_start3A_231 : memref<40xi32, #tpu.memory_space<vmem>>) target_semaphore(%dma_start3A_228 : memref<!tpu.dma_semaphore, #tpu.memory_space<semaphore_mem>>)
      } else {
      }
      %ge3A_171 = arith.constant 5 : i32
      %ge3A_172 = arith.cmpi sge, %add3A_157, %ge3A_171 : i32
      %lt3A_173 = arith.constant 255 : i32
      %lt3A_174 = arith.cmpi slt, %add3A_157, %lt3A_173 : i32
      %and3A_175 = arith.andi %ge3A_172, %lt3A_174 : i1
      %convert_element_type3A_176 = arith.extui %and3A_175 : i1 to i32
      %cond3A_177 = arith.constant 0 : i32
      %cond3A_178 = arith.cmpi ne, %convert_element_type3A_176, %cond3A_177 : i32
      scf.if %cond3A_178 {
        %dma_wait3A_204 = arith.constant 0 : i32
        %dma_wait3A_205 = arith.constant 0 : i32
        %dma_wait3A_206 = arith.constant 0 : i32
        %dma_wait3A_207 = arith.constant 0 : i32
        %dma_wait3A_208 = tpu.memref_slice %arg9[%dma_wait3A_204, %dma_wait3A_206, %dma_wait3A_207] : memref<7x40x128xf32, #tpu.memory_space<vmem>> -> memref<1x40x128xf32, #tpu.memory_space<vmem>>
        %dma_wait3A_209 = tpu.memref_squeeze %dma_wait3A_208 : memref<1x40x128xf32, #tpu.memory_space<vmem>> -> memref<40x128xf32, #tpu.memory_space<vmem>>
        %dma_wait3A_210 = arith.constant 0 : i32
        %dma_wait3A_211 = tpu.memref_slice %arg7[%dma_wait3A_210] : memref<10000xi32, #tpu.memory_space<vmem>> -> memref<40xi32, #tpu.memory_space<vmem>>
        %dma_wait3A_212 = arith.constant 0 : i32
        %dma_wait3A_213 = arith.constant 0 : i32
        %dma_wait3A_214 = tpu.memref_slice %arg2[%dma_wait3A_212, %dma_wait3A_213] : memref<10000x128xf32, #tpu.memory_space<hbm>> -> memref<10000x128xf32, #tpu.memory_space<hbm>>
        %dma_wait3A_215 = tpu.memref_slice %arg12[%dma_wait3A_205] : memref<7x!tpu.dma_semaphore, #tpu.memory_space<semaphore_mem>> -> memref<1x!tpu.dma_semaphore, #tpu.memory_space<semaphore_mem>>
        %dma_wait3A_216 = tpu.memref_squeeze %dma_wait3A_215 : memref<1x!tpu.dma_semaphore, #tpu.memory_space<semaphore_mem>> -> memref<!tpu.dma_semaphore, #tpu.memory_space<semaphore_mem>>
        tpu.wait_indirect_dma semaphore(%dma_wait3A_216 : memref<!tpu.dma_semaphore, #tpu.memory_space<semaphore_mem>>) src(%dma_wait3A_214 : memref<10000x128xf32, #tpu.memory_space<hbm>>) dst(%dma_wait3A_209 : memref<40x128xf32, #tpu.memory_space<vmem>>)
        %add3A_217 = arith.constant 0 : i32
        %add3A_218 = arith.addi %mul3A_2, %add3A_217 : i32
        %dma_wait3A_219 = arith.constant 0 : i32
        %dma_wait3A_220 = arith.constant 0 : i32
        %dma_wait3A_221 = arith.constant 0 : i32
        %dma_wait3A_222 = tpu.memref_slice %arg8[%dma_wait3A_219, %dma_wait3A_221] : memref<7x40xi32, #tpu.memory_space<vmem>> -> memref<1x40xi32, #tpu.memory_space<vmem>>
        %dma_wait3A_223 = tpu.memref_squeeze %dma_wait3A_222 : memref<1x40xi32, #tpu.memory_space<vmem>> -> memref<40xi32, #tpu.memory_space<vmem>>
        %dma_wait3A_224 = tpu.memref_slice %arg4[%add3A_218] : memref<320000xi32, #tpu.memory_space<hbm>> -> memref<40xi32, #tpu.memory_space<hbm>>
        %dma_wait3A_225 = tpu.memref_slice %arg11[%dma_wait3A_220] : memref<7x!tpu.dma_semaphore, #tpu.memory_space<semaphore_mem>> -> memref<1x!tpu.dma_semaphore, #tpu.memory_space<semaphore_mem>>
        %dma_wait3A_226 = tpu.memref_squeeze %dma_wait3A_225 : memref<1x!tpu.dma_semaphore, #tpu.memory_space<semaphore_mem>> -> memref<!tpu.dma_semaphore, #tpu.memory_space<semaphore_mem>>
        %dma_wait3A_227 = arith.constant 0 : i32
        %dma_wait3A_228 = tpu.memref_slice %arg8[%dma_wait3A_219, %dma_wait3A_227] : memref<7x40xi32, #tpu.memory_space<vmem>> -> memref<1x40xi32, #tpu.memory_space<vmem>>
        %dma_wait3A_229 = tpu.memref_squeeze %dma_wait3A_228 : memref<1x40xi32, #tpu.memory_space<vmem>> -> memref<40xi32, #tpu.memory_space<vmem>>
        %dma_wait3A_230 = tpu.memref_slice %arg4[%add3A_218] : memref<320000xi32, #tpu.memory_space<hbm>> -> memref<40xi32, #tpu.memory_space<hbm>>
        tpu.wait_dma2 semaphore(%dma_wait3A_226 : memref<!tpu.dma_semaphore, #tpu.memory_space<semaphore_mem>>) src(%dma_wait3A_230 : memref<40xi32, #tpu.memory_space<hbm>>) dst(%dma_wait3A_229 : memref<40xi32, #tpu.memory_space<vmem>>)
        %dma_start3A_231 = arith.constant 0 : i32
        %dma_start3A_232 = arith.constant 0 : i32
        %dma_start3A_233 = arith.constant 0 : i32
        %dma_start3A_234 = arith.constant 0 : i32
        %dma_start3A_235 = arith.constant 0 : i32
        %dma_start3A_236 = tpu.memref_slice %arg9[%dma_start3A_231, %dma_start3A_234, %dma_start3A_235] : memref<7x40x128xf32, #tpu.memory_space<vmem>> -> memref<1x40x128xf32, #tpu.memory_space<vmem>>
        %dma_start3A_237 = tpu.memref_squeeze %dma_start3A_236 : memref<1x40x128xf32, #tpu.memory_space<vmem>> -> memref<40x128xf32, #tpu.memory_space<vmem>>
        %dma_start3A_238 = arith.constant 0 : i32
        %dma_start3A_239 = tpu.memref_slice %arg8[%dma_start3A_232, %dma_start3A_238] : memref<7x40xi32, #tpu.memory_space<vmem>> -> memref<1x40xi32, #tpu.memory_space<vmem>>
        %dma_start3A_240 = tpu.memref_squeeze %dma_start3A_239 : memref<1x40xi32, #tpu.memory_space<vmem>> -> memref<40xi32, #tpu.memory_space<vmem>>
        %dma_start3A_241 = arith.constant 0 : i32
        %dma_start3A_242 = arith.constant 0 : i32
        %dma_start3A_243 = tpu.memref_slice %arg10[%dma_start3A_241, %dma_start3A_242] : memref<10000x128xf32, #tpu.memory_space<vmem_shared>> -> memref<10000x128xf32, #tpu.memory_space<vmem_shared>>
        %dma_start3A_244 = tpu.memref_slice %arg13[%dma_start3A_233] : memref<7x!tpu.dma_semaphore, #tpu.memory_space<semaphore_mem>> -> memref<1x!tpu.dma_semaphore, #tpu.memory_space<semaphore_mem>>
        %dma_start3A_245 = tpu.memref_squeeze %dma_start3A_244 : memref<1x!tpu.dma_semaphore, #tpu.memory_space<semaphore_mem>> -> memref<!tpu.dma_semaphore, #tpu.memory_space<semaphore_mem>>
        tpu.enqueue_indirect_dma source(%dma_start3A_237 : memref<40x128xf32, #tpu.memory_space<vmem>>) target(%dma_start3A_243 : memref<10000x128xf32, #tpu.memory_space<vmem_shared>>) offsets(%dma_start3A_240 : memref<40xi32, #tpu.memory_space<vmem>>) semaphore(%dma_start3A_245 : memref<!tpu.dma_semaphore, #tpu.memory_space<semaphore_mem>>) {add = true}
      } else {
      }
      %mul3A_179 = arith.constant 7 : i32
      %mul3A_180 = arith.muli %add3A_31, %mul3A_179 : i32
      %add3A_181 = arith.constant 6 : i32
      %add3A_182 = arith.addi %mul3A_180, %add3A_181 : i32
      %ge3A_183 = arith.constant 7 : i32
      %ge3A_184 = arith.cmpi sge, %add3A_182, %ge3A_183 : i32
      %lt3A_185 = arith.constant 257 : i32
      %lt3A_186 = arith.cmpi slt, %add3A_182, %lt3A_185 : i32
      %and3A_187 = arith.andi %ge3A_184, %lt3A_186 : i1
      %convert_element_type3A_188 = arith.extui %and3A_187 : i1 to i32
      %cond3A_189 = arith.constant 0 : i32
      %cond3A_190 = arith.cmpi ne, %convert_element_type3A_188, %cond3A_189 : i32
      scf.if %cond3A_190 {
        %dma_wait3A_204 = arith.constant 6 : i32
        %dma_wait3A_205 = arith.constant 6 : i32
        %dma_wait3A_206 = arith.constant 6 : i32
        %dma_wait3A_207 = arith.constant 0 : i32
        %dma_wait3A_208 = arith.constant 0 : i32
        %dma_wait3A_209 = tpu.memref_slice %arg9[%dma_wait3A_204, %dma_wait3A_207, %dma_wait3A_208] : memref<7x40x128xf32, #tpu.memory_space<vmem>> -> memref<1x40x128xf32, #tpu.memory_space<vmem>>
        %dma_wait3A_210 = tpu.memref_squeeze %dma_wait3A_209 : memref<1x40x128xf32, #tpu.memory_space<vmem>> -> memref<40x128xf32, #tpu.memory_space<vmem>>
        %dma_wait3A_211 = arith.constant 0 : i32
        %dma_wait3A_212 = tpu.memref_slice %arg8[%dma_wait3A_205, %dma_wait3A_211] : memref<7x40xi32, #tpu.memory_space<vmem>> -> memref<1x40xi32, #tpu.memory_space<vmem>>
        %dma_wait3A_213 = tpu.memref_squeeze %dma_wait3A_212 : memref<1x40xi32, #tpu.memory_space<vmem>> -> memref<40xi32, #tpu.memory_space<vmem>>
        %dma_wait3A_214 = arith.constant 0 : i32
        %dma_wait3A_215 = arith.constant 0 : i32
        %dma_wait3A_216 = tpu.memref_slice %arg10[%dma_wait3A_214, %dma_wait3A_215] : memref<10000x128xf32, #tpu.memory_space<vmem_shared>> -> memref<10000x128xf32, #tpu.memory_space<vmem_shared>>
        %dma_wait3A_217 = tpu.memref_slice %arg13[%dma_wait3A_206] : memref<7x!tpu.dma_semaphore, #tpu.memory_space<semaphore_mem>> -> memref<1x!tpu.dma_semaphore, #tpu.memory_space<semaphore_mem>>
        %dma_wait3A_218 = tpu.memref_squeeze %dma_wait3A_217 : memref<1x!tpu.dma_semaphore, #tpu.memory_space<semaphore_mem>> -> memref<!tpu.dma_semaphore, #tpu.memory_space<semaphore_mem>>
        tpu.wait_indirect_dma semaphore(%dma_wait3A_218 : memref<!tpu.dma_semaphore, #tpu.memory_space<semaphore_mem>>) src(%dma_wait3A_210 : memref<40x128xf32, #tpu.memory_space<vmem>>) dst(%dma_wait3A_216 : memref<10000x128xf32, #tpu.memory_space<vmem_shared>>)
      } else {
      }
      %lt3A_191 = arith.constant 250 : i32
      %lt3A_192 = arith.cmpi slt, %add3A_182, %lt3A_191 : i32
      %convert_element_type3A_193 = arith.extui %lt3A_192 : i1 to i32
      %cond3A_194 = arith.constant 0 : i32
      %cond3A_195 = arith.cmpi ne, %convert_element_type3A_193, %cond3A_194 : i32
      scf.if %cond3A_195 {
        %mul3A_204 = arith.constant 40 : i32
        %mul3A_205 = arith.muli %add3A_182, %mul3A_204 : i32
        %dma_start3A_206 = arith.constant 6 : i32
        %dma_start3A_207 = arith.constant 6 : i32
        %dma_start3A_208 = arith.constant 0 : i32
        %dma_start3A_209 = arith.constant 0 : i32
        %dma_start3A_210 = tpu.memref_slice %arg9[%dma_start3A_206, %dma_start3A_208, %dma_start3A_209] : memref<7x40x128xf32, #tpu.memory_space<vmem>> -> memref<1x40x128xf32, #tpu.memory_space<vmem>>
        %dma_start3A_211 = tpu.memref_squeeze %dma_start3A_210 : memref<1x40x128xf32, #tpu.memory_space<vmem>> -> memref<40x128xf32, #tpu.memory_space<vmem>>
        %dma_start3A_212 = tpu.memref_slice %arg7[%mul3A_205] : memref<10000xi32, #tpu.memory_space<vmem>> -> memref<40xi32, #tpu.memory_space<vmem>>
        %dma_start3A_213 = arith.constant 0 : i32
        %dma_start3A_214 = arith.constant 0 : i32
        %dma_start3A_215 = tpu.memref_slice %arg2[%dma_start3A_213, %dma_start3A_214] : memref<10000x128xf32, #tpu.memory_space<hbm>> -> memref<10000x128xf32, #tpu.memory_space<hbm>>
        %dma_start3A_216 = tpu.memref_slice %arg12[%dma_start3A_207] : memref<7x!tpu.dma_semaphore, #tpu.memory_space<semaphore_mem>> -> memref<1x!tpu.dma_semaphore, #tpu.memory_space<semaphore_mem>>
        %dma_start3A_217 = tpu.memref_squeeze %dma_start3A_216 : memref<1x!tpu.dma_semaphore, #tpu.memory_space<semaphore_mem>> -> memref<!tpu.dma_semaphore, #tpu.memory_space<semaphore_mem>>
        tpu.enqueue_indirect_dma source(%dma_start3A_215 : memref<10000x128xf32, #tpu.memory_space<hbm>>) target(%dma_start3A_211 : memref<40x128xf32, #tpu.memory_space<vmem>>) offsets(%dma_start3A_212 : memref<40xi32, #tpu.memory_space<vmem>>) semaphore(%dma_start3A_217 : memref<!tpu.dma_semaphore, #tpu.memory_space<semaphore_mem>>)
        %mul3A_218 = arith.constant 40 : i32
        %mul3A_219 = arith.muli %add3A_182, %mul3A_218 : i32
        %add3A_220 = arith.addi %mul3A_2, %mul3A_219 : i32
        %dma_start3A_221 = arith.constant 6 : i32
        %dma_start3A_222 = arith.constant 6 : i32
        %dma_start3A_223 = arith.constant 0 : i32
        %dma_start3A_224 = tpu.memref_slice %arg8[%dma_start3A_221, %dma_start3A_223] : memref<7x40xi32, #tpu.memory_space<vmem>> -> memref<1x40xi32, #tpu.memory_space<vmem>>
        %dma_start3A_225 = tpu.memref_squeeze %dma_start3A_224 : memref<1x40xi32, #tpu.memory_space<vmem>> -> memref<40xi32, #tpu.memory_space<vmem>>
        %dma_start3A_226 = tpu.memref_slice %arg4[%add3A_220] : memref<320000xi32, #tpu.memory_space<hbm>> -> memref<40xi32, #tpu.memory_space<hbm>>
        %dma_start3A_227 = tpu.memref_slice %arg11[%dma_start3A_222] : memref<7x!tpu.dma_semaphore, #tpu.memory_space<semaphore_mem>> -> memref<1x!tpu.dma_semaphore, #tpu.memory_space<semaphore_mem>>
        %dma_start3A_228 = tpu.memref_squeeze %dma_start3A_227 : memref<1x!tpu.dma_semaphore, #tpu.memory_space<semaphore_mem>> -> memref<!tpu.dma_semaphore, #tpu.memory_space<semaphore_mem>>
        %dma_start3A_229 = arith.constant 0 : i32
        %dma_start3A_230 = tpu.memref_slice %arg8[%dma_start3A_221, %dma_start3A_229] : memref<7x40xi32, #tpu.memory_space<vmem>> -> memref<1x40xi32, #tpu.memory_space<vmem>>
        %dma_start3A_231 = tpu.memref_squeeze %dma_start3A_230 : memref<1x40xi32, #tpu.memory_space<vmem>> -> memref<40xi32, #tpu.memory_space<vmem>>
        %dma_start3A_232 = tpu.memref_slice %arg4[%add3A_220] : memref<320000xi32, #tpu.memory_space<hbm>> -> memref<40xi32, #tpu.memory_space<hbm>>
        tpu.enqueue_dma source(%dma_start3A_232 : memref<40xi32, #tpu.memory_space<hbm>>) target(%dma_start3A_231 : memref<40xi32, #tpu.memory_space<vmem>>) target_semaphore(%dma_start3A_228 : memref<!tpu.dma_semaphore, #tpu.memory_space<semaphore_mem>>)
      } else {
      }
      %ge3A_196 = arith.constant 5 : i32
      %ge3A_197 = arith.cmpi sge, %add3A_182, %ge3A_196 : i32
      %lt3A_198 = arith.constant 255 : i32
      %lt3A_199 = arith.cmpi slt, %add3A_182, %lt3A_198 : i32
      %and3A_200 = arith.andi %ge3A_197, %lt3A_199 : i1
      %convert_element_type3A_201 = arith.extui %and3A_200 : i1 to i32
      %cond3A_202 = arith.constant 0 : i32
      %cond3A_203 = arith.cmpi ne, %convert_element_type3A_201, %cond3A_202 : i32
      scf.if %cond3A_203 {
        %dma_wait3A_204 = arith.constant 1 : i32
        %dma_wait3A_205 = arith.constant 1 : i32
        %dma_wait3A_206 = arith.constant 0 : i32
        %dma_wait3A_207 = arith.constant 0 : i32
        %dma_wait3A_208 = tpu.memref_slice %arg9[%dma_wait3A_204, %dma_wait3A_206, %dma_wait3A_207] : memref<7x40x128xf32, #tpu.memory_space<vmem>> -> memref<1x40x128xf32, #tpu.memory_space<vmem>>
        %dma_wait3A_209 = tpu.memref_squeeze %dma_wait3A_208 : memref<1x40x128xf32, #tpu.memory_space<vmem>> -> memref<40x128xf32, #tpu.memory_space<vmem>>
        %dma_wait3A_210 = arith.constant 0 : i32
        %dma_wait3A_211 = tpu.memref_slice %arg7[%dma_wait3A_210] : memref<10000xi32, #tpu.memory_space<vmem>> -> memref<40xi32, #tpu.memory_space<vmem>>
        %dma_wait3A_212 = arith.constant 0 : i32
        %dma_wait3A_213 = arith.constant 0 : i32
        %dma_wait3A_214 = tpu.memref_slice %arg2[%dma_wait3A_212, %dma_wait3A_213] : memref<10000x128xf32, #tpu.memory_space<hbm>> -> memref<10000x128xf32, #tpu.memory_space<hbm>>
        %dma_wait3A_215 = tpu.memref_slice %arg12[%dma_wait3A_205] : memref<7x!tpu.dma_semaphore, #tpu.memory_space<semaphore_mem>> -> memref<1x!tpu.dma_semaphore, #tpu.memory_space<semaphore_mem>>
        %dma_wait3A_216 = tpu.memref_squeeze %dma_wait3A_215 : memref<1x!tpu.dma_semaphore, #tpu.memory_space<semaphore_mem>> -> memref<!tpu.dma_semaphore, #tpu.memory_space<semaphore_mem>>
        tpu.wait_indirect_dma semaphore(%dma_wait3A_216 : memref<!tpu.dma_semaphore, #tpu.memory_space<semaphore_mem>>) src(%dma_wait3A_214 : memref<10000x128xf32, #tpu.memory_space<hbm>>) dst(%dma_wait3A_209 : memref<40x128xf32, #tpu.memory_space<vmem>>)
        %add3A_217 = arith.constant 0 : i32
        %add3A_218 = arith.addi %mul3A_2, %add3A_217 : i32
        %dma_wait3A_219 = arith.constant 1 : i32
        %dma_wait3A_220 = arith.constant 1 : i32
        %dma_wait3A_221 = arith.constant 0 : i32
        %dma_wait3A_222 = tpu.memref_slice %arg8[%dma_wait3A_219, %dma_wait3A_221] : memref<7x40xi32, #tpu.memory_space<vmem>> -> memref<1x40xi32, #tpu.memory_space<vmem>>
        %dma_wait3A_223 = tpu.memref_squeeze %dma_wait3A_222 : memref<1x40xi32, #tpu.memory_space<vmem>> -> memref<40xi32, #tpu.memory_space<vmem>>
        %dma_wait3A_224 = tpu.memref_slice %arg4[%add3A_218] : memref<320000xi32, #tpu.memory_space<hbm>> -> memref<40xi32, #tpu.memory_space<hbm>>
        %dma_wait3A_225 = tpu.memref_slice %arg11[%dma_wait3A_220] : memref<7x!tpu.dma_semaphore, #tpu.memory_space<semaphore_mem>> -> memref<1x!tpu.dma_semaphore, #tpu.memory_space<semaphore_mem>>
        %dma_wait3A_226 = tpu.memref_squeeze %dma_wait3A_225 : memref<1x!tpu.dma_semaphore, #tpu.memory_space<semaphore_mem>> -> memref<!tpu.dma_semaphore, #tpu.memory_space<semaphore_mem>>
        %dma_wait3A_227 = arith.constant 0 : i32
        %dma_wait3A_228 = tpu.memref_slice %arg8[%dma_wait3A_219, %dma_wait3A_227] : memref<7x40xi32, #tpu.memory_space<vmem>> -> memref<1x40xi32, #tpu.memory_space<vmem>>
        %dma_wait3A_229 = tpu.memref_squeeze %dma_wait3A_228 : memref<1x40xi32, #tpu.memory_space<vmem>> -> memref<40xi32, #tpu.memory_space<vmem>>
        %dma_wait3A_230 = tpu.memref_slice %arg4[%add3A_218] : memref<320000xi32, #tpu.memory_space<hbm>> -> memref<40xi32, #tpu.memory_space<hbm>>
        tpu.wait_dma2 semaphore(%dma_wait3A_226 : memref<!tpu.dma_semaphore, #tpu.memory_space<semaphore_mem>>) src(%dma_wait3A_230 : memref<40xi32, #tpu.memory_space<hbm>>) dst(%dma_wait3A_229 : memref<40xi32, #tpu.memory_space<vmem>>)
        %dma_start3A_231 = arith.constant 1 : i32
        %dma_start3A_232 = arith.constant 1 : i32
        %dma_start3A_233 = arith.constant 1 : i32
        %dma_start3A_234 = arith.constant 0 : i32
        %dma_start3A_235 = arith.constant 0 : i32
        %dma_start3A_236 = tpu.memref_slice %arg9[%dma_start3A_231, %dma_start3A_234, %dma_start3A_235] : memref<7x40x128xf32, #tpu.memory_space<vmem>> -> memref<1x40x128xf32, #tpu.memory_space<vmem>>
        %dma_start3A_237 = tpu.memref_squeeze %dma_start3A_236 : memref<1x40x128xf32, #tpu.memory_space<vmem>> -> memref<40x128xf32, #tpu.memory_space<vmem>>
        %dma_start3A_238 = arith.constant 0 : i32
        %dma_start3A_239 = tpu.memref_slice %arg8[%dma_start3A_232, %dma_start3A_238] : memref<7x40xi32, #tpu.memory_space<vmem>> -> memref<1x40xi32, #tpu.memory_space<vmem>>
        %dma_start3A_240 = tpu.memref_squeeze %dma_start3A_239 : memref<1x40xi32, #tpu.memory_space<vmem>> -> memref<40xi32, #tpu.memory_space<vmem>>
        %dma_start3A_241 = arith.constant 0 : i32
        %dma_start3A_242 = arith.constant 0 : i32
        %dma_start3A_243 = tpu.memref_slice %arg10[%dma_start3A_241, %dma_start3A_242] : memref<10000x128xf32, #tpu.memory_space<vmem_shared>> -> memref<10000x128xf32, #tpu.memory_space<vmem_shared>>
        %dma_start3A_244 = tpu.memref_slice %arg13[%dma_start3A_233] : memref<7x!tpu.dma_semaphore, #tpu.memory_space<semaphore_mem>> -> memref<1x!tpu.dma_semaphore, #tpu.memory_space<semaphore_mem>>
        %dma_start3A_245 = tpu.memref_squeeze %dma_start3A_244 : memref<1x!tpu.dma_semaphore, #tpu.memory_space<semaphore_mem>> -> memref<!tpu.dma_semaphore, #tpu.memory_space<semaphore_mem>>
        tpu.enqueue_indirect_dma source(%dma_start3A_237 : memref<40x128xf32, #tpu.memory_space<vmem>>) target(%dma_start3A_243 : memref<10000x128xf32, #tpu.memory_space<vmem_shared>>) offsets(%dma_start3A_240 : memref<40xi32, #tpu.memory_space<vmem>>) semaphore(%dma_start3A_245 : memref<!tpu.dma_semaphore, #tpu.memory_space<semaphore_mem>>) {add = true}
      } else {
      }
    }
    %scan3A_16 = arith.constant 37 : i32
    %barrier3A_17 = arith.constant 0 : index
    tpu.barrier barrier_id(%barrier3A_17)
    %mul3A_18 = arith.constant 624 : i32
    %mul3A_19 = arith.muli %arg1, %mul3A_18 : i32
    %mul3A_20 = arith.constant 624 : i32
    %mul3A_21 = arith.muli %arg1, %mul3A_20 : i32
    "tpu.region"() ({
      %run_scoped3A = tpu.sem_alloc : memref<!tpu.dma_semaphore, #tpu.memory_space<semaphore_mem>>
      %dma_start3A_27 = arith.constant 0 : i32
      %dma_start3A_28 = tpu.memref_slice %arg6[%arg0, %mul3A_21, %dma_start3A_27] : memref<2x10000x128xf32, #tpu.memory_space<hbm>> -> memref<1x624x128xf32, #tpu.memory_space<hbm>>
      %dma_start3A_29 = tpu.memref_squeeze %dma_start3A_28 : memref<1x624x128xf32, #tpu.memory_space<hbm>> -> memref<624x128xf32, #tpu.memory_space<hbm>>
      %dma_start3A_30 = arith.constant 0 : i32
      %dma_start3A_31 = tpu.memref_slice %arg10[%mul3A_19, %dma_start3A_30] : memref<10000x128xf32, #tpu.memory_space<vmem_shared>> -> memref<624x128xf32, #tpu.memory_space<vmem_shared>>
      tpu.enqueue_dma source(%dma_start3A_31 : memref<624x128xf32, #tpu.memory_space<vmem_shared>>) target(%dma_start3A_29 : memref<624x128xf32, #tpu.memory_space<hbm>>) target_semaphore(%run_scoped3A : memref<!tpu.dma_semaphore, #tpu.memory_space<semaphore_mem>>)
      %dma_wait3A_32 = arith.constant 0 : i32
      %dma_wait3A_33 = tpu.memref_slice %arg6[%arg0, %mul3A_21, %dma_wait3A_32] : memref<2x10000x128xf32, #tpu.memory_space<hbm>> -> memref<1x624x128xf32, #tpu.memory_space<hbm>>
      %dma_wait3A_34 = tpu.memref_squeeze %dma_wait3A_33 : memref<1x624x128xf32, #tpu.memory_space<hbm>> -> memref<624x128xf32, #tpu.memory_space<hbm>>
      %dma_wait3A_35 = arith.constant 0 : i32
      %dma_wait3A_36 = tpu.memref_slice %arg10[%mul3A_19, %dma_wait3A_35] : memref<10000x128xf32, #tpu.memory_space<vmem_shared>> -> memref<624x128xf32, #tpu.memory_space<vmem_shared>>
      tpu.wait_dma2 semaphore(%run_scoped3A : memref<!tpu.dma_semaphore, #tpu.memory_space<semaphore_mem>>) src(%dma_wait3A_36 : memref<624x128xf32, #tpu.memory_space<vmem_shared>>) dst(%dma_wait3A_34 : memref<624x128xf32, #tpu.memory_space<hbm>>)
      tpu.yield
    }) : () -> ()
    %eq3A_22 = arith.constant 15 : i32
    %eq3A_23 = arith.cmpi eq, %arg1, %eq3A_22 : i32
    %convert_element_type3A_24 = arith.extui %eq3A_23 : i1 to i32
    %cond3A_25 = arith.constant 0 : i32
    %cond3A_26 = arith.cmpi ne, %convert_element_type3A_24, %cond3A_25 : i32
    scf.if %cond3A_26 {
      "tpu.region"() ({
        %run_scoped3A = tpu.sem_alloc : memref<!tpu.dma_semaphore, #tpu.memory_space<semaphore_mem>>
        %dma_start3A_27 = arith.constant 9984 : i32
        %dma_start3A_28 = arith.constant 0 : i32
        %dma_start3A_29 = tpu.memref_slice %arg6[%arg0, %dma_start3A_27, %dma_start3A_28] : memref<2x10000x128xf32, #tpu.memory_space<hbm>> -> memref<1x16x128xf32, #tpu.memory_space<hbm>>
        %dma_start3A_30 = tpu.memref_squeeze %dma_start3A_29 : memref<1x16x128xf32, #tpu.memory_space<hbm>> -> memref<16x128xf32, #tpu.memory_space<hbm>>
        %dma_start3A_31 = arith.constant 9984 : i32
        %dma_start3A_32 = arith.constant 0 : i32
        %dma_start3A_33 = tpu.memref_slice %arg10[%dma_start3A_31, %dma_start3A_32] : memref<10000x128xf32, #tpu.memory_space<vmem_shared>> -> memref<16x128xf32, #tpu.memory_space<vmem_shared>>
        tpu.enqueue_dma source(%dma_start3A_33 : memref<16x128xf32, #tpu.memory_space<vmem_shared>>) target(%dma_start3A_30 : memref<16x128xf32, #tpu.memory_space<hbm>>) target_semaphore(%run_scoped3A : memref<!tpu.dma_semaphore, #tpu.memory_space<semaphore_mem>>)
        %dma_wait3A_34 = arith.constant 9984 : i32
        %dma_wait3A_35 = arith.constant 0 : i32
        %dma_wait3A_36 = tpu.memref_slice %arg6[%arg0, %dma_wait3A_34, %dma_wait3A_35] : memref<2x10000x128xf32, #tpu.memory_space<hbm>> -> memref<1x16x128xf32, #tpu.memory_space<hbm>>
        %dma_wait3A_37 = tpu.memref_squeeze %dma_wait3A_36 : memref<1x16x128xf32, #tpu.memory_space<hbm>> -> memref<16x128xf32, #tpu.memory_space<hbm>>
        %dma_wait3A_38 = arith.constant 9984 : i32
        %dma_wait3A_39 = arith.constant 0 : i32
        %dma_wait3A_40 = tpu.memref_slice %arg10[%dma_wait3A_38, %dma_wait3A_39] : memref<10000x128xf32, #tpu.memory_space<vmem_shared>> -> memref<16x128xf32, #tpu.memory_space<vmem_shared>>
        tpu.wait_dma2 semaphore(%run_scoped3A : memref<!tpu.dma_semaphore, #tpu.memory_space<semaphore_mem>>) src(%dma_wait3A_40 : memref<16x128xf32, #tpu.memory_space<vmem_shared>>) dst(%dma_wait3A_37 : memref<16x128xf32, #tpu.memory_space<hbm>>)
        tpu.yield
      }) : () -> ()
    } else {
    }
    return
  }
}

#map = affine_map<(d0, d1) -> (0, 0)>
#map1 = affine_map<(d0, d1) -> (0)>
#map2 = affine_map<(d0, d1) -> (0, 0, 0)>
module attributes {stable_mosaic.version = 14 : i64} {
  func.func @_edge_agg(%arg0: i32, %arg1: i32, %arg2: memref<10000x128xf32, #tpu.memory_space<hbm>>, %arg3: memref<320000xi32, #tpu.memory_space<hbm>>, %arg4: memref<320000xi32, #tpu.memory_space<hbm>>, %arg5: memref<10000x128xf32, #tpu.memory_space<hbm>>, %arg6: memref<2x10000x128xf32, #tpu.memory_space<hbm>>, %arg7: memref<10000xi32, #tpu.memory_space<vmem>>, %arg8: memref<7x40xi32, #tpu.memory_space<vmem>>, %arg9: memref<7x40x128xf32, #tpu.memory_space<vmem>>, %arg10: memref<10000x128xf32, #tpu.memory_space<vmem_shared>>, %arg11: memref<7x!tpu.dma_semaphore, #tpu.memory_space<semaphore_mem>>, %arg12: memref<7x!tpu.dma_semaphore, #tpu.memory_space<semaphore_mem>>, %arg13: memref<7x!tpu.dma_semaphore, #tpu.memory_space<semaphore_mem>>, %arg14: memref<!tpu.dma_semaphore, #tpu.memory_space<semaphore_mem>>) attributes {dimension_semantics = [#tpu.dimension_semantics<core_parallel>, #tpu.dimension_semantics<subcore_parallel>], iteration_bounds = array<i64: 2, 16>, scalar_prefetch = 0 : i64, scratch_operands = 8 : i64, tpu.core_type = #tpu.core_type<sc_vector_subcore>, window_params = [{transform_indices = #map}, {transform_indices = #map1}, {transform_indices = #map1}, {transform_indices = #map}, {transform_indices = #map2}]} {
    %mul3A = arith.constant 2 : i32
    %mul3A_0 = arith.muli %arg1, %mul3A : i32
    %add3A = arith.addi %mul3A_0, %arg0 : i32
    %mul3A_1 = arith.constant 10000 : i32
    %mul3A_2 = arith.muli %add3A, %mul3A_1 : i32
    %mul3A_3 = arith.constant 624 : i32
    %mul3A_4 = arith.muli %arg1, %mul3A_3 : i32
    %dma_start3A = tpu.memref_slice %arg3[%mul3A_2] : memref<320000xi32, #tpu.memory_space<hbm>> -> memref<10000xi32, #tpu.memory_space<hbm>>
    %dma_start3A_5 = tpu.memref_slice %arg3[%mul3A_2] : memref<320000xi32, #tpu.memory_space<hbm>> -> memref<10000xi32, #tpu.memory_space<hbm>>
    tpu.enqueue_dma source(%dma_start3A_5 : memref<10000xi32, #tpu.memory_space<hbm>>) target(%arg7 : memref<10000xi32, #tpu.memory_space<vmem>>) target_semaphore(%arg14 : memref<!tpu.dma_semaphore, #tpu.memory_space<semaphore_mem>>)
    %eq3A = arith.constant 0 : i32
    %eq3A_6 = arith.cmpi eq, %arg0, %eq3A : i32
    %convert_element_type3A = arith.extui %eq3A_6 : i1 to i32
    %cond3A = arith.constant 0 : i32
    %cond3A_7 = arith.cmpi ne, %convert_element_type3A, %cond3A : i32
    scf.if %cond3A_7 {
      %dma_start3A_27 = arith.constant 0 : i32
      %dma_start3A_28 = tpu.memref_slice %arg10[%mul3A_4, %dma_start3A_27] : memref<10000x128xf32, #tpu.memory_space<vmem_shared>> -> memref<624x128xf32, #tpu.memory_space<vmem_shared>>
      %dma_start3A_29 = arith.constant 0 : i32
      %dma_start3A_30 = tpu.memref_slice %arg2[%mul3A_4, %dma_start3A_29] : memref<10000x128xf32, #tpu.memory_space<hbm>> -> memref<624x128xf32, #tpu.memory_space<hbm>>
      tpu.enqueue_dma source(%dma_start3A_30 : memref<624x128xf32, #tpu.memory_space<hbm>>) target(%dma_start3A_28 : memref<624x128xf32, #tpu.memory_space<vmem_shared>>) target_semaphore(%arg14 : memref<!tpu.dma_semaphore, #tpu.memory_space<semaphore_mem>>)
      %dma_wait3A_31 = arith.constant 0 : i32
      %dma_wait3A_32 = tpu.memref_slice %arg10[%mul3A_4, %dma_wait3A_31] : memref<10000x128xf32, #tpu.memory_space<vmem_shared>> -> memref<624x128xf32, #tpu.memory_space<vmem_shared>>
      %dma_wait3A_33 = arith.constant 0 : i32
      %dma_wait3A_34 = tpu.memref_slice %arg2[%mul3A_4, %dma_wait3A_33] : memref<10000x128xf32, #tpu.memory_space<hbm>> -> memref<624x128xf32, #tpu.memory_space<hbm>>
      tpu.wait_dma2 semaphore(%arg14 : memref<!tpu.dma_semaphore, #tpu.memory_space<semaphore_mem>>) src(%dma_wait3A_34 : memref<624x128xf32, #tpu.memory_space<hbm>>) dst(%dma_wait3A_32 : memref<624x128xf32, #tpu.memory_space<vmem_shared>>)
      %eq3A_35 = arith.constant 15 : i32
      %eq3A_36 = arith.cmpi eq, %arg1, %eq3A_35 : i32
      %convert_element_type3A_37 = arith.extui %eq3A_36 : i1 to i32
      %cond3A_38 = arith.constant 0 : i32
      %cond3A_39 = arith.cmpi ne, %convert_element_type3A_37, %cond3A_38 : i32
      scf.if %cond3A_39 {
        %dma_start3A_40 = arith.constant 9984 : i32
        %dma_start3A_41 = arith.constant 0 : i32
        %dma_start3A_42 = tpu.memref_slice %arg10[%dma_start3A_40, %dma_start3A_41] : memref<10000x128xf32, #tpu.memory_space<vmem_shared>> -> memref<16x128xf32, #tpu.memory_space<vmem_shared>>
        %dma_start3A_43 = arith.constant 9984 : i32
        %dma_start3A_44 = arith.constant 0 : i32
        %dma_start3A_45 = tpu.memref_slice %arg2[%dma_start3A_43, %dma_start3A_44] : memref<10000x128xf32, #tpu.memory_space<hbm>> -> memref<16x128xf32, #tpu.memory_space<hbm>>
        tpu.enqueue_dma source(%dma_start3A_45 : memref<16x128xf32, #tpu.memory_space<hbm>>) target(%dma_start3A_42 : memref<16x128xf32, #tpu.memory_space<vmem_shared>>) target_semaphore(%arg14 : memref<!tpu.dma_semaphore, #tpu.memory_space<semaphore_mem>>)
        %dma_wait3A_46 = arith.constant 9984 : i32
        %dma_wait3A_47 = arith.constant 0 : i32
        %dma_wait3A_48 = tpu.memref_slice %arg10[%dma_wait3A_46, %dma_wait3A_47] : memref<10000x128xf32, #tpu.memory_space<vmem_shared>> -> memref<16x128xf32, #tpu.memory_space<vmem_shared>>
        %dma_wait3A_49 = arith.constant 9984 : i32
        %dma_wait3A_50 = arith.constant 0 : i32
        %dma_wait3A_51 = tpu.memref_slice %arg2[%dma_wait3A_49, %dma_wait3A_50] : memref<10000x128xf32, #tpu.memory_space<hbm>> -> memref<16x128xf32, #tpu.memory_space<hbm>>
        tpu.wait_dma2 semaphore(%arg14 : memref<!tpu.dma_semaphore, #tpu.memory_space<semaphore_mem>>) src(%dma_wait3A_51 : memref<16x128xf32, #tpu.memory_space<hbm>>) dst(%dma_wait3A_48 : memref<16x128xf32, #tpu.memory_space<vmem_shared>>)
      } else {
      }
    } else {
    }
    %ne3A = arith.constant 0 : i32
    %ne3A_8 = arith.cmpi ne, %arg0, %ne3A : i32
    %convert_element_type3A_9 = arith.extui %ne3A_8 : i1 to i32
    %cond3A_10 = arith.constant 0 : i32
    %cond3A_11 = arith.cmpi ne, %convert_element_type3A_9, %cond3A_10 : i32
    scf.if %cond3A_11 {
      %dma_start3A_27 = arith.constant 0 : i32
      %dma_start3A_28 = tpu.memref_slice %arg10[%mul3A_4, %dma_start3A_27] : memref<10000x128xf32, #tpu.memory_space<vmem_shared>> -> memref<624x128xf32, #tpu.memory_space<vmem_shared>>
      %dma_start3A_29 = arith.constant 0 : i32
      %dma_start3A_30 = tpu.memref_slice %arg5[%mul3A_4, %dma_start3A_29] : memref<10000x128xf32, #tpu.memory_space<hbm>> -> memref<624x128xf32, #tpu.memory_space<hbm>>
      tpu.enqueue_dma source(%dma_start3A_30 : memref<624x128xf32, #tpu.memory_space<hbm>>) target(%dma_start3A_28 : memref<624x128xf32, #tpu.memory_space<vmem_shared>>) target_semaphore(%arg14 : memref<!tpu.dma_semaphore, #tpu.memory_space<semaphore_mem>>)
      %dma_wait3A_31 = arith.constant 0 : i32
      %dma_wait3A_32 = tpu.memref_slice %arg10[%mul3A_4, %dma_wait3A_31] : memref<10000x128xf32, #tpu.memory_space<vmem_shared>> -> memref<624x128xf32, #tpu.memory_space<vmem_shared>>
      %dma_wait3A_33 = arith.constant 0 : i32
      %dma_wait3A_34 = tpu.memref_slice %arg5[%mul3A_4, %dma_wait3A_33] : memref<10000x128xf32, #tpu.memory_space<hbm>> -> memref<624x128xf32, #tpu.memory_space<hbm>>
      tpu.wait_dma2 semaphore(%arg14 : memref<!tpu.dma_semaphore, #tpu.memory_space<semaphore_mem>>) src(%dma_wait3A_34 : memref<624x128xf32, #tpu.memory_space<hbm>>) dst(%dma_wait3A_32 : memref<624x128xf32, #tpu.memory_space<vmem_shared>>)
      %eq3A_35 = arith.constant 15 : i32
      %eq3A_36 = arith.cmpi eq, %arg1, %eq3A_35 : i32
      %convert_element_type3A_37 = arith.extui %eq3A_36 : i1 to i32
      %cond3A_38 = arith.constant 0 : i32
      %cond3A_39 = arith.cmpi ne, %convert_element_type3A_37, %cond3A_38 : i32
      scf.if %cond3A_39 {
        %dma_start3A_40 = arith.constant 9984 : i32
        %dma_start3A_41 = arith.constant 0 : i32
        %dma_start3A_42 = tpu.memref_slice %arg10[%dma_start3A_40, %dma_start3A_41] : memref<10000x128xf32, #tpu.memory_space<vmem_shared>> -> memref<16x128xf32, #tpu.memory_space<vmem_shared>>
        %dma_start3A_43 = arith.constant 9984 : i32
        %dma_start3A_44 = arith.constant 0 : i32
        %dma_start3A_45 = tpu.memref_slice %arg5[%dma_start3A_43, %dma_start3A_44] : memref<10000x128xf32, #tpu.memory_space<hbm>> -> memref<16x128xf32, #tpu.memory_space<hbm>>
        tpu.enqueue_dma source(%dma_start3A_45 : memref<16x128xf32, #tpu.memory_space<hbm>>) target(%dma_start3A_42 : memref<16x128xf32, #tpu.memory_space<vmem_shared>>) target_semaphore(%arg14 : memref<!tpu.dma_semaphore, #tpu.memory_space<semaphore_mem>>)
        %dma_wait3A_46 = arith.constant 9984 : i32
        %dma_wait3A_47 = arith.constant 0 : i32
        %dma_wait3A_48 = tpu.memref_slice %arg10[%dma_wait3A_46, %dma_wait3A_47] : memref<10000x128xf32, #tpu.memory_space<vmem_shared>> -> memref<16x128xf32, #tpu.memory_space<vmem_shared>>
        %dma_wait3A_49 = arith.constant 9984 : i32
        %dma_wait3A_50 = arith.constant 0 : i32
        %dma_wait3A_51 = tpu.memref_slice %arg5[%dma_wait3A_49, %dma_wait3A_50] : memref<10000x128xf32, #tpu.memory_space<hbm>> -> memref<16x128xf32, #tpu.memory_space<hbm>>
        tpu.wait_dma2 semaphore(%arg14 : memref<!tpu.dma_semaphore, #tpu.memory_space<semaphore_mem>>) src(%dma_wait3A_51 : memref<16x128xf32, #tpu.memory_space<hbm>>) dst(%dma_wait3A_48 : memref<16x128xf32, #tpu.memory_space<vmem_shared>>)
      } else {
      }
    } else {
    }
    %dma_wait3A = tpu.memref_slice %arg3[%mul3A_2] : memref<320000xi32, #tpu.memory_space<hbm>> -> memref<10000xi32, #tpu.memory_space<hbm>>
    %dma_wait3A_12 = tpu.memref_slice %arg3[%mul3A_2] : memref<320000xi32, #tpu.memory_space<hbm>> -> memref<10000xi32, #tpu.memory_space<hbm>>
    tpu.wait_dma2 semaphore(%arg14 : memref<!tpu.dma_semaphore, #tpu.memory_space<semaphore_mem>>) src(%dma_wait3A_12 : memref<10000xi32, #tpu.memory_space<hbm>>) dst(%arg7 : memref<10000xi32, #tpu.memory_space<vmem>>)
    %barrier3A = arith.constant 0 : index
    tpu.barrier barrier_id(%barrier3A)
    %scan3A = arith.constant 0 : i32
    %scan3A_13 = arith.constant 37 : i32
    %scan3A_14 = arith.addi %scan3A, %scan3A_13 : i32
    %scan3A_15 = arith.constant 1 : i32
    scf.for %scan3A_27 = %scan3A to %scan3A_14 step %scan3A_15  : i32 {
      %mul3A_28 = arith.constant 1 : i32
      %mul3A_29 = arith.muli %scan3A_27, %mul3A_28 : i32
      %add3A_30 = arith.constant 0 : i32
      %add3A_31 = arith.addi %add3A_30, %mul3A_29 : i32
      %mul3A_32 = arith.constant 7 : i32
      %mul3A_33 = arith.muli %add3A_31, %mul3A_32 : i32
      %add3A_34 = arith.constant 0 : i32
      %add3A_35 = arith.addi %mul3A_33, %add3A_34 : i32
      %ge3A = arith.constant 7 : i32
      %ge3A_36 = arith.cmpi sge, %add3A_35, %ge3A : i32
      %lt3A = arith.constant 257 : i32
      %lt3A_37 = arith.cmpi slt, %add3A_35, %lt3A : i32
      %and3A = arith.andi %ge3A_36, %lt3A_37 : i1
      %convert_element_type3A_38 = arith.extui %and3A : i1 to i32
      %cond3A_39 = arith.constant 0 : i32
      %cond3A_40 = arith.cmpi ne, %convert_element_type3A_38, %cond3A_39 : i32
      scf.if %cond3A_40 {
        %dma_wait3A_204 = arith.constant 0 : i32
        %dma_wait3A_205 = arith.constant 0 : i32
        %dma_wait3A_206 = arith.constant 0 : i32
        %dma_wait3A_207 = arith.constant 0 : i32
        %dma_wait3A_208 = arith.constant 0 : i32
        %dma_wait3A_209 = tpu.memref_slice %arg9[%dma_wait3A_204, %dma_wait3A_207, %dma_wait3A_208] : memref<7x40x128xf32, #tpu.memory_space<vmem>> -> memref<1x40x128xf32, #tpu.memory_space<vmem>>
        %dma_wait3A_210 = tpu.memref_squeeze %dma_wait3A_209 : memref<1x40x128xf32, #tpu.memory_space<vmem>> -> memref<40x128xf32, #tpu.memory_space<vmem>>
        %dma_wait3A_211 = arith.constant 0 : i32
        %dma_wait3A_212 = tpu.memref_slice %arg8[%dma_wait3A_205, %dma_wait3A_211] : memref<7x40xi32, #tpu.memory_space<vmem>> -> memref<1x40xi32, #tpu.memory_space<vmem>>
        %dma_wait3A_213 = tpu.memref_squeeze %dma_wait3A_212 : memref<1x40xi32, #tpu.memory_space<vmem>> -> memref<40xi32, #tpu.memory_space<vmem>>
        %dma_wait3A_214 = arith.constant 0 : i32
        %dma_wait3A_215 = arith.constant 0 : i32
        %dma_wait3A_216 = tpu.memref_slice %arg10[%dma_wait3A_214, %dma_wait3A_215] : memref<10000x128xf32, #tpu.memory_space<vmem_shared>> -> memref<10000x128xf32, #tpu.memory_space<vmem_shared>>
        %dma_wait3A_217 = tpu.memref_slice %arg13[%dma_wait3A_206] : memref<7x!tpu.dma_semaphore, #tpu.memory_space<semaphore_mem>> -> memref<1x!tpu.dma_semaphore, #tpu.memory_space<semaphore_mem>>
        %dma_wait3A_218 = tpu.memref_squeeze %dma_wait3A_217 : memref<1x!tpu.dma_semaphore, #tpu.memory_space<semaphore_mem>> -> memref<!tpu.dma_semaphore, #tpu.memory_space<semaphore_mem>>
        tpu.wait_indirect_dma semaphore(%dma_wait3A_218 : memref<!tpu.dma_semaphore, #tpu.memory_space<semaphore_mem>>) src(%dma_wait3A_210 : memref<40x128xf32, #tpu.memory_space<vmem>>) dst(%dma_wait3A_216 : memref<10000x128xf32, #tpu.memory_space<vmem_shared>>)
      } else {
      }
      %lt3A_41 = arith.constant 250 : i32
      %lt3A_42 = arith.cmpi slt, %add3A_35, %lt3A_41 : i32
      %convert_element_type3A_43 = arith.extui %lt3A_42 : i1 to i32
      %cond3A_44 = arith.constant 0 : i32
      %cond3A_45 = arith.cmpi ne, %convert_element_type3A_43, %cond3A_44 : i32
      scf.if %cond3A_45 {
        %mul3A_204 = arith.constant 40 : i32
        %mul3A_205 = arith.muli %add3A_35, %mul3A_204 : i32
        %dma_start3A_206 = arith.constant 0 : i32
        %dma_start3A_207 = arith.constant 0 : i32
        %dma_start3A_208 = arith.constant 0 : i32
        %dma_start3A_209 = arith.constant 0 : i32
        %dma_start3A_210 = tpu.memref_slice %arg9[%dma_start3A_206, %dma_start3A_208, %dma_start3A_209] : memref<7x40x128xf32, #tpu.memory_space<vmem>> -> memref<1x40x128xf32, #tpu.memory_space<vmem>>
        %dma_start3A_211 = tpu.memref_squeeze %dma_start3A_210 : memref<1x40x128xf32, #tpu.memory_space<vmem>> -> memref<40x128xf32, #tpu.memory_space<vmem>>
        %dma_start3A_212 = tpu.memref_slice %arg7[%mul3A_205] : memref<10000xi32, #tpu.memory_space<vmem>> -> memref<40xi32, #tpu.memory_space<vmem>>
        %dma_start3A_213 = arith.constant 0 : i32
        %dma_start3A_214 = arith.constant 0 : i32
        %dma_start3A_215 = tpu.memref_slice %arg2[%dma_start3A_213, %dma_start3A_214] : memref<10000x128xf32, #tpu.memory_space<hbm>> -> memref<10000x128xf32, #tpu.memory_space<hbm>>
        %dma_start3A_216 = tpu.memref_slice %arg12[%dma_start3A_207] : memref<7x!tpu.dma_semaphore, #tpu.memory_space<semaphore_mem>> -> memref<1x!tpu.dma_semaphore, #tpu.memory_space<semaphore_mem>>
        %dma_start3A_217 = tpu.memref_squeeze %dma_start3A_216 : memref<1x!tpu.dma_semaphore, #tpu.memory_space<semaphore_mem>> -> memref<!tpu.dma_semaphore, #tpu.memory_space<semaphore_mem>>
        tpu.enqueue_indirect_dma source(%dma_start3A_215 : memref<10000x128xf32, #tpu.memory_space<hbm>>) target(%dma_start3A_211 : memref<40x128xf32, #tpu.memory_space<vmem>>) offsets(%dma_start3A_212 : memref<40xi32, #tpu.memory_space<vmem>>) semaphore(%dma_start3A_217 : memref<!tpu.dma_semaphore, #tpu.memory_space<semaphore_mem>>)
        %mul3A_218 = arith.constant 40 : i32
        %mul3A_219 = arith.muli %add3A_35, %mul3A_218 : i32
        %add3A_220 = arith.addi %mul3A_2, %mul3A_219 : i32
        %dma_start3A_221 = arith.constant 0 : i32
        %dma_start3A_222 = arith.constant 0 : i32
        %dma_start3A_223 = arith.constant 0 : i32
        %dma_start3A_224 = tpu.memref_slice %arg8[%dma_start3A_221, %dma_start3A_223] : memref<7x40xi32, #tpu.memory_space<vmem>> -> memref<1x40xi32, #tpu.memory_space<vmem>>
        %dma_start3A_225 = tpu.memref_squeeze %dma_start3A_224 : memref<1x40xi32, #tpu.memory_space<vmem>> -> memref<40xi32, #tpu.memory_space<vmem>>
        %dma_start3A_226 = tpu.memref_slice %arg4[%add3A_220] : memref<320000xi32, #tpu.memory_space<hbm>> -> memref<40xi32, #tpu.memory_space<hbm>>
        %dma_start3A_227 = tpu.memref_slice %arg11[%dma_start3A_222] : memref<7x!tpu.dma_semaphore, #tpu.memory_space<semaphore_mem>> -> memref<1x!tpu.dma_semaphore, #tpu.memory_space<semaphore_mem>>
        %dma_start3A_228 = tpu.memref_squeeze %dma_start3A_227 : memref<1x!tpu.dma_semaphore, #tpu.memory_space<semaphore_mem>> -> memref<!tpu.dma_semaphore, #tpu.memory_space<semaphore_mem>>
        %dma_start3A_229 = arith.constant 0 : i32
        %dma_start3A_230 = tpu.memref_slice %arg8[%dma_start3A_221, %dma_start3A_229] : memref<7x40xi32, #tpu.memory_space<vmem>> -> memref<1x40xi32, #tpu.memory_space<vmem>>
        %dma_start3A_231 = tpu.memref_squeeze %dma_start3A_230 : memref<1x40xi32, #tpu.memory_space<vmem>> -> memref<40xi32, #tpu.memory_space<vmem>>
        %dma_start3A_232 = tpu.memref_slice %arg4[%add3A_220] : memref<320000xi32, #tpu.memory_space<hbm>> -> memref<40xi32, #tpu.memory_space<hbm>>
        tpu.enqueue_dma source(%dma_start3A_232 : memref<40xi32, #tpu.memory_space<hbm>>) target(%dma_start3A_231 : memref<40xi32, #tpu.memory_space<vmem>>) target_semaphore(%dma_start3A_228 : memref<!tpu.dma_semaphore, #tpu.memory_space<semaphore_mem>>)
      } else {
      }
      %ge3A_46 = arith.constant 5 : i32
      %ge3A_47 = arith.cmpi sge, %add3A_35, %ge3A_46 : i32
      %lt3A_48 = arith.constant 255 : i32
      %lt3A_49 = arith.cmpi slt, %add3A_35, %lt3A_48 : i32
      %and3A_50 = arith.andi %ge3A_47, %lt3A_49 : i1
      %convert_element_type3A_51 = arith.extui %and3A_50 : i1 to i32
      %cond3A_52 = arith.constant 0 : i32
      %cond3A_53 = arith.cmpi ne, %convert_element_type3A_51, %cond3A_52 : i32
      scf.if %cond3A_53 {
        %dma_wait3A_204 = arith.constant 2 : i32
        %dma_wait3A_205 = arith.constant 2 : i32
        %dma_wait3A_206 = arith.constant 0 : i32
        %dma_wait3A_207 = arith.constant 0 : i32
        %dma_wait3A_208 = tpu.memref_slice %arg9[%dma_wait3A_204, %dma_wait3A_206, %dma_wait3A_207] : memref<7x40x128xf32, #tpu.memory_space<vmem>> -> memref<1x40x128xf32, #tpu.memory_space<vmem>>
        %dma_wait3A_209 = tpu.memref_squeeze %dma_wait3A_208 : memref<1x40x128xf32, #tpu.memory_space<vmem>> -> memref<40x128xf32, #tpu.memory_space<vmem>>
        %dma_wait3A_210 = arith.constant 0 : i32
        %dma_wait3A_211 = tpu.memref_slice %arg7[%dma_wait3A_210] : memref<10000xi32, #tpu.memory_space<vmem>> -> memref<40xi32, #tpu.memory_space<vmem>>
        %dma_wait3A_212 = arith.constant 0 : i32
        %dma_wait3A_213 = arith.constant 0 : i32
        %dma_wait3A_214 = tpu.memref_slice %arg2[%dma_wait3A_212, %dma_wait3A_213] : memref<10000x128xf32, #tpu.memory_space<hbm>> -> memref<10000x128xf32, #tpu.memory_space<hbm>>
        %dma_wait3A_215 = tpu.memref_slice %arg12[%dma_wait3A_205] : memref<7x!tpu.dma_semaphore, #tpu.memory_space<semaphore_mem>> -> memref<1x!tpu.dma_semaphore, #tpu.memory_space<semaphore_mem>>
        %dma_wait3A_216 = tpu.memref_squeeze %dma_wait3A_215 : memref<1x!tpu.dma_semaphore, #tpu.memory_space<semaphore_mem>> -> memref<!tpu.dma_semaphore, #tpu.memory_space<semaphore_mem>>
        tpu.wait_indirect_dma semaphore(%dma_wait3A_216 : memref<!tpu.dma_semaphore, #tpu.memory_space<semaphore_mem>>) src(%dma_wait3A_214 : memref<10000x128xf32, #tpu.memory_space<hbm>>) dst(%dma_wait3A_209 : memref<40x128xf32, #tpu.memory_space<vmem>>)
        %add3A_217 = arith.constant 0 : i32
        %add3A_218 = arith.addi %mul3A_2, %add3A_217 : i32
        %dma_wait3A_219 = arith.constant 2 : i32
        %dma_wait3A_220 = arith.constant 2 : i32
        %dma_wait3A_221 = arith.constant 0 : i32
        %dma_wait3A_222 = tpu.memref_slice %arg8[%dma_wait3A_219, %dma_wait3A_221] : memref<7x40xi32, #tpu.memory_space<vmem>> -> memref<1x40xi32, #tpu.memory_space<vmem>>
        %dma_wait3A_223 = tpu.memref_squeeze %dma_wait3A_222 : memref<1x40xi32, #tpu.memory_space<vmem>> -> memref<40xi32, #tpu.memory_space<vmem>>
        %dma_wait3A_224 = tpu.memref_slice %arg4[%add3A_218] : memref<320000xi32, #tpu.memory_space<hbm>> -> memref<40xi32, #tpu.memory_space<hbm>>
        %dma_wait3A_225 = tpu.memref_slice %arg11[%dma_wait3A_220] : memref<7x!tpu.dma_semaphore, #tpu.memory_space<semaphore_mem>> -> memref<1x!tpu.dma_semaphore, #tpu.memory_space<semaphore_mem>>
        %dma_wait3A_226 = tpu.memref_squeeze %dma_wait3A_225 : memref<1x!tpu.dma_semaphore, #tpu.memory_space<semaphore_mem>> -> memref<!tpu.dma_semaphore, #tpu.memory_space<semaphore_mem>>
        %dma_wait3A_227 = arith.constant 0 : i32
        %dma_wait3A_228 = tpu.memref_slice %arg8[%dma_wait3A_219, %dma_wait3A_227] : memref<7x40xi32, #tpu.memory_space<vmem>> -> memref<1x40xi32, #tpu.memory_space<vmem>>
        %dma_wait3A_229 = tpu.memref_squeeze %dma_wait3A_228 : memref<1x40xi32, #tpu.memory_space<vmem>> -> memref<40xi32, #tpu.memory_space<vmem>>
        %dma_wait3A_230 = tpu.memref_slice %arg4[%add3A_218] : memref<320000xi32, #tpu.memory_space<hbm>> -> memref<40xi32, #tpu.memory_space<hbm>>
        tpu.wait_dma2 semaphore(%dma_wait3A_226 : memref<!tpu.dma_semaphore, #tpu.memory_space<semaphore_mem>>) src(%dma_wait3A_230 : memref<40xi32, #tpu.memory_space<hbm>>) dst(%dma_wait3A_229 : memref<40xi32, #tpu.memory_space<vmem>>)
        %dma_start3A_231 = arith.constant 2 : i32
        %dma_start3A_232 = arith.constant 2 : i32
        %dma_start3A_233 = arith.constant 2 : i32
        %dma_start3A_234 = arith.constant 0 : i32
        %dma_start3A_235 = arith.constant 0 : i32
        %dma_start3A_236 = tpu.memref_slice %arg9[%dma_start3A_231, %dma_start3A_234, %dma_start3A_235] : memref<7x40x128xf32, #tpu.memory_space<vmem>> -> memref<1x40x128xf32, #tpu.memory_space<vmem>>
        %dma_start3A_237 = tpu.memref_squeeze %dma_start3A_236 : memref<1x40x128xf32, #tpu.memory_space<vmem>> -> memref<40x128xf32, #tpu.memory_space<vmem>>
        %dma_start3A_238 = arith.constant 0 : i32
        %dma_start3A_239 = tpu.memref_slice %arg8[%dma_start3A_232, %dma_start3A_238] : memref<7x40xi32, #tpu.memory_space<vmem>> -> memref<1x40xi32, #tpu.memory_space<vmem>>
        %dma_start3A_240 = tpu.memref_squeeze %dma_start3A_239 : memref<1x40xi32, #tpu.memory_space<vmem>> -> memref<40xi32, #tpu.memory_space<vmem>>
        %dma_start3A_241 = arith.constant 0 : i32
        %dma_start3A_242 = arith.constant 0 : i32
        %dma_start3A_243 = tpu.memref_slice %arg10[%dma_start3A_241, %dma_start3A_242] : memref<10000x128xf32, #tpu.memory_space<vmem_shared>> -> memref<10000x128xf32, #tpu.memory_space<vmem_shared>>
        %dma_start3A_244 = tpu.memref_slice %arg13[%dma_start3A_233] : memref<7x!tpu.dma_semaphore, #tpu.memory_space<semaphore_mem>> -> memref<1x!tpu.dma_semaphore, #tpu.memory_space<semaphore_mem>>
        %dma_start3A_245 = tpu.memref_squeeze %dma_start3A_244 : memref<1x!tpu.dma_semaphore, #tpu.memory_space<semaphore_mem>> -> memref<!tpu.dma_semaphore, #tpu.memory_space<semaphore_mem>>
        tpu.enqueue_indirect_dma source(%dma_start3A_237 : memref<40x128xf32, #tpu.memory_space<vmem>>) target(%dma_start3A_243 : memref<10000x128xf32, #tpu.memory_space<vmem_shared>>) offsets(%dma_start3A_240 : memref<40xi32, #tpu.memory_space<vmem>>) semaphore(%dma_start3A_245 : memref<!tpu.dma_semaphore, #tpu.memory_space<semaphore_mem>>) {add = true}
      } else {
      }
      %mul3A_54 = arith.constant 7 : i32
      %mul3A_55 = arith.muli %add3A_31, %mul3A_54 : i32
      %add3A_56 = arith.constant 1 : i32
      %add3A_57 = arith.addi %mul3A_55, %add3A_56 : i32
      %ge3A_58 = arith.constant 7 : i32
      %ge3A_59 = arith.cmpi sge, %add3A_57, %ge3A_58 : i32
      %lt3A_60 = arith.constant 257 : i32
      %lt3A_61 = arith.cmpi slt, %add3A_57, %lt3A_60 : i32
      %and3A_62 = arith.andi %ge3A_59, %lt3A_61 : i1
      %convert_element_type3A_63 = arith.extui %and3A_62 : i1 to i32
      %cond3A_64 = arith.constant 0 : i32
      %cond3A_65 = arith.cmpi ne, %convert_element_type3A_63, %cond3A_64 : i32
      scf.if %cond3A_65 {
        %dma_wait3A_204 = arith.constant 1 : i32
        %dma_wait3A_205 = arith.constant 1 : i32
        %dma_wait3A_206 = arith.constant 1 : i32
        %dma_wait3A_207 = arith.constant 0 : i32
        %dma_wait3A_208 = arith.constant 0 : i32
        %dma_wait3A_209 = tpu.memref_slice %arg9[%dma_wait3A_204, %dma_wait3A_207, %dma_wait3A_208] : memref<7x40x128xf32, #tpu.memory_space<vmem>> -> memref<1x40x128xf32, #tpu.memory_space<vmem>>
        %dma_wait3A_210 = tpu.memref_squeeze %dma_wait3A_209 : memref<1x40x128xf32, #tpu.memory_space<vmem>> -> memref<40x128xf32, #tpu.memory_space<vmem>>
        %dma_wait3A_211 = arith.constant 0 : i32
        %dma_wait3A_212 = tpu.memref_slice %arg8[%dma_wait3A_205, %dma_wait3A_211] : memref<7x40xi32, #tpu.memory_space<vmem>> -> memref<1x40xi32, #tpu.memory_space<vmem>>
        %dma_wait3A_213 = tpu.memref_squeeze %dma_wait3A_212 : memref<1x40xi32, #tpu.memory_space<vmem>> -> memref<40xi32, #tpu.memory_space<vmem>>
        %dma_wait3A_214 = arith.constant 0 : i32
        %dma_wait3A_215 = arith.constant 0 : i32
        %dma_wait3A_216 = tpu.memref_slice %arg10[%dma_wait3A_214, %dma_wait3A_215] : memref<10000x128xf32, #tpu.memory_space<vmem_shared>> -> memref<10000x128xf32, #tpu.memory_space<vmem_shared>>
        %dma_wait3A_217 = tpu.memref_slice %arg13[%dma_wait3A_206] : memref<7x!tpu.dma_semaphore, #tpu.memory_space<semaphore_mem>> -> memref<1x!tpu.dma_semaphore, #tpu.memory_space<semaphore_mem>>
        %dma_wait3A_218 = tpu.memref_squeeze %dma_wait3A_217 : memref<1x!tpu.dma_semaphore, #tpu.memory_space<semaphore_mem>> -> memref<!tpu.dma_semaphore, #tpu.memory_space<semaphore_mem>>
        tpu.wait_indirect_dma semaphore(%dma_wait3A_218 : memref<!tpu.dma_semaphore, #tpu.memory_space<semaphore_mem>>) src(%dma_wait3A_210 : memref<40x128xf32, #tpu.memory_space<vmem>>) dst(%dma_wait3A_216 : memref<10000x128xf32, #tpu.memory_space<vmem_shared>>)
      } else {
      }
      %lt3A_66 = arith.constant 250 : i32
      %lt3A_67 = arith.cmpi slt, %add3A_57, %lt3A_66 : i32
      %convert_element_type3A_68 = arith.extui %lt3A_67 : i1 to i32
      %cond3A_69 = arith.constant 0 : i32
      %cond3A_70 = arith.cmpi ne, %convert_element_type3A_68, %cond3A_69 : i32
      scf.if %cond3A_70 {
        %mul3A_204 = arith.constant 40 : i32
        %mul3A_205 = arith.muli %add3A_57, %mul3A_204 : i32
        %dma_start3A_206 = arith.constant 1 : i32
        %dma_start3A_207 = arith.constant 1 : i32
        %dma_start3A_208 = arith.constant 0 : i32
        %dma_start3A_209 = arith.constant 0 : i32
        %dma_start3A_210 = tpu.memref_slice %arg9[%dma_start3A_206, %dma_start3A_208, %dma_start3A_209] : memref<7x40x128xf32, #tpu.memory_space<vmem>> -> memref<1x40x128xf32, #tpu.memory_space<vmem>>
        %dma_start3A_211 = tpu.memref_squeeze %dma_start3A_210 : memref<1x40x128xf32, #tpu.memory_space<vmem>> -> memref<40x128xf32, #tpu.memory_space<vmem>>
        %dma_start3A_212 = tpu.memref_slice %arg7[%mul3A_205] : memref<10000xi32, #tpu.memory_space<vmem>> -> memref<40xi32, #tpu.memory_space<vmem>>
        %dma_start3A_213 = arith.constant 0 : i32
        %dma_start3A_214 = arith.constant 0 : i32
        %dma_start3A_215 = tpu.memref_slice %arg2[%dma_start3A_213, %dma_start3A_214] : memref<10000x128xf32, #tpu.memory_space<hbm>> -> memref<10000x128xf32, #tpu.memory_space<hbm>>
        %dma_start3A_216 = tpu.memref_slice %arg12[%dma_start3A_207] : memref<7x!tpu.dma_semaphore, #tpu.memory_space<semaphore_mem>> -> memref<1x!tpu.dma_semaphore, #tpu.memory_space<semaphore_mem>>
        %dma_start3A_217 = tpu.memref_squeeze %dma_start3A_216 : memref<1x!tpu.dma_semaphore, #tpu.memory_space<semaphore_mem>> -> memref<!tpu.dma_semaphore, #tpu.memory_space<semaphore_mem>>
        tpu.enqueue_indirect_dma source(%dma_start3A_215 : memref<10000x128xf32, #tpu.memory_space<hbm>>) target(%dma_start3A_211 : memref<40x128xf32, #tpu.memory_space<vmem>>) offsets(%dma_start3A_212 : memref<40xi32, #tpu.memory_space<vmem>>) semaphore(%dma_start3A_217 : memref<!tpu.dma_semaphore, #tpu.memory_space<semaphore_mem>>)
        %mul3A_218 = arith.constant 40 : i32
        %mul3A_219 = arith.muli %add3A_57, %mul3A_218 : i32
        %add3A_220 = arith.addi %mul3A_2, %mul3A_219 : i32
        %dma_start3A_221 = arith.constant 1 : i32
        %dma_start3A_222 = arith.constant 1 : i32
        %dma_start3A_223 = arith.constant 0 : i32
        %dma_start3A_224 = tpu.memref_slice %arg8[%dma_start3A_221, %dma_start3A_223] : memref<7x40xi32, #tpu.memory_space<vmem>> -> memref<1x40xi32, #tpu.memory_space<vmem>>
        %dma_start3A_225 = tpu.memref_squeeze %dma_start3A_224 : memref<1x40xi32, #tpu.memory_space<vmem>> -> memref<40xi32, #tpu.memory_space<vmem>>
        %dma_start3A_226 = tpu.memref_slice %arg4[%add3A_220] : memref<320000xi32, #tpu.memory_space<hbm>> -> memref<40xi32, #tpu.memory_space<hbm>>
        %dma_start3A_227 = tpu.memref_slice %arg11[%dma_start3A_222] : memref<7x!tpu.dma_semaphore, #tpu.memory_space<semaphore_mem>> -> memref<1x!tpu.dma_semaphore, #tpu.memory_space<semaphore_mem>>
        %dma_start3A_228 = tpu.memref_squeeze %dma_start3A_227 : memref<1x!tpu.dma_semaphore, #tpu.memory_space<semaphore_mem>> -> memref<!tpu.dma_semaphore, #tpu.memory_space<semaphore_mem>>
        %dma_start3A_229 = arith.constant 0 : i32
        %dma_start3A_230 = tpu.memref_slice %arg8[%dma_start3A_221, %dma_start3A_229] : memref<7x40xi32, #tpu.memory_space<vmem>> -> memref<1x40xi32, #tpu.memory_space<vmem>>
        %dma_start3A_231 = tpu.memref_squeeze %dma_start3A_230 : memref<1x40xi32, #tpu.memory_space<vmem>> -> memref<40xi32, #tpu.memory_space<vmem>>
        %dma_start3A_232 = tpu.memref_slice %arg4[%add3A_220] : memref<320000xi32, #tpu.memory_space<hbm>> -> memref<40xi32, #tpu.memory_space<hbm>>
        tpu.enqueue_dma source(%dma_start3A_232 : memref<40xi32, #tpu.memory_space<hbm>>) target(%dma_start3A_231 : memref<40xi32, #tpu.memory_space<vmem>>) target_semaphore(%dma_start3A_228 : memref<!tpu.dma_semaphore, #tpu.memory_space<semaphore_mem>>)
      } else {
      }
      %ge3A_71 = arith.constant 5 : i32
      %ge3A_72 = arith.cmpi sge, %add3A_57, %ge3A_71 : i32
      %lt3A_73 = arith.constant 255 : i32
      %lt3A_74 = arith.cmpi slt, %add3A_57, %lt3A_73 : i32
      %and3A_75 = arith.andi %ge3A_72, %lt3A_74 : i1
      %convert_element_type3A_76 = arith.extui %and3A_75 : i1 to i32
      %cond3A_77 = arith.constant 0 : i32
      %cond3A_78 = arith.cmpi ne, %convert_element_type3A_76, %cond3A_77 : i32
      scf.if %cond3A_78 {
        %dma_wait3A_204 = arith.constant 3 : i32
        %dma_wait3A_205 = arith.constant 3 : i32
        %dma_wait3A_206 = arith.constant 0 : i32
        %dma_wait3A_207 = arith.constant 0 : i32
        %dma_wait3A_208 = tpu.memref_slice %arg9[%dma_wait3A_204, %dma_wait3A_206, %dma_wait3A_207] : memref<7x40x128xf32, #tpu.memory_space<vmem>> -> memref<1x40x128xf32, #tpu.memory_space<vmem>>
        %dma_wait3A_209 = tpu.memref_squeeze %dma_wait3A_208 : memref<1x40x128xf32, #tpu.memory_space<vmem>> -> memref<40x128xf32, #tpu.memory_space<vmem>>
        %dma_wait3A_210 = arith.constant 0 : i32
        %dma_wait3A_211 = tpu.memref_slice %arg7[%dma_wait3A_210] : memref<10000xi32, #tpu.memory_space<vmem>> -> memref<40xi32, #tpu.memory_space<vmem>>
        %dma_wait3A_212 = arith.constant 0 : i32
        %dma_wait3A_213 = arith.constant 0 : i32
        %dma_wait3A_214 = tpu.memref_slice %arg2[%dma_wait3A_212, %dma_wait3A_213] : memref<10000x128xf32, #tpu.memory_space<hbm>> -> memref<10000x128xf32, #tpu.memory_space<hbm>>
        %dma_wait3A_215 = tpu.memref_slice %arg12[%dma_wait3A_205] : memref<7x!tpu.dma_semaphore, #tpu.memory_space<semaphore_mem>> -> memref<1x!tpu.dma_semaphore, #tpu.memory_space<semaphore_mem>>
        %dma_wait3A_216 = tpu.memref_squeeze %dma_wait3A_215 : memref<1x!tpu.dma_semaphore, #tpu.memory_space<semaphore_mem>> -> memref<!tpu.dma_semaphore, #tpu.memory_space<semaphore_mem>>
        tpu.wait_indirect_dma semaphore(%dma_wait3A_216 : memref<!tpu.dma_semaphore, #tpu.memory_space<semaphore_mem>>) src(%dma_wait3A_214 : memref<10000x128xf32, #tpu.memory_space<hbm>>) dst(%dma_wait3A_209 : memref<40x128xf32, #tpu.memory_space<vmem>>)
        %add3A_217 = arith.constant 0 : i32
        %add3A_218 = arith.addi %mul3A_2, %add3A_217 : i32
        %dma_wait3A_219 = arith.constant 3 : i32
        %dma_wait3A_220 = arith.constant 3 : i32
        %dma_wait3A_221 = arith.constant 0 : i32
        %dma_wait3A_222 = tpu.memref_slice %arg8[%dma_wait3A_219, %dma_wait3A_221] : memref<7x40xi32, #tpu.memory_space<vmem>> -> memref<1x40xi32, #tpu.memory_space<vmem>>
        %dma_wait3A_223 = tpu.memref_squeeze %dma_wait3A_222 : memref<1x40xi32, #tpu.memory_space<vmem>> -> memref<40xi32, #tpu.memory_space<vmem>>
        %dma_wait3A_224 = tpu.memref_slice %arg4[%add3A_218] : memref<320000xi32, #tpu.memory_space<hbm>> -> memref<40xi32, #tpu.memory_space<hbm>>
        %dma_wait3A_225 = tpu.memref_slice %arg11[%dma_wait3A_220] : memref<7x!tpu.dma_semaphore, #tpu.memory_space<semaphore_mem>> -> memref<1x!tpu.dma_semaphore, #tpu.memory_space<semaphore_mem>>
        %dma_wait3A_226 = tpu.memref_squeeze %dma_wait3A_225 : memref<1x!tpu.dma_semaphore, #tpu.memory_space<semaphore_mem>> -> memref<!tpu.dma_semaphore, #tpu.memory_space<semaphore_mem>>
        %dma_wait3A_227 = arith.constant 0 : i32
        %dma_wait3A_228 = tpu.memref_slice %arg8[%dma_wait3A_219, %dma_wait3A_227] : memref<7x40xi32, #tpu.memory_space<vmem>> -> memref<1x40xi32, #tpu.memory_space<vmem>>
        %dma_wait3A_229 = tpu.memref_squeeze %dma_wait3A_228 : memref<1x40xi32, #tpu.memory_space<vmem>> -> memref<40xi32, #tpu.memory_space<vmem>>
        %dma_wait3A_230 = tpu.memref_slice %arg4[%add3A_218] : memref<320000xi32, #tpu.memory_space<hbm>> -> memref<40xi32, #tpu.memory_space<hbm>>
        tpu.wait_dma2 semaphore(%dma_wait3A_226 : memref<!tpu.dma_semaphore, #tpu.memory_space<semaphore_mem>>) src(%dma_wait3A_230 : memref<40xi32, #tpu.memory_space<hbm>>) dst(%dma_wait3A_229 : memref<40xi32, #tpu.memory_space<vmem>>)
        %dma_start3A_231 = arith.constant 3 : i32
        %dma_start3A_232 = arith.constant 3 : i32
        %dma_start3A_233 = arith.constant 3 : i32
        %dma_start3A_234 = arith.constant 0 : i32
        %dma_start3A_235 = arith.constant 0 : i32
        %dma_start3A_236 = tpu.memref_slice %arg9[%dma_start3A_231, %dma_start3A_234, %dma_start3A_235] : memref<7x40x128xf32, #tpu.memory_space<vmem>> -> memref<1x40x128xf32, #tpu.memory_space<vmem>>
        %dma_start3A_237 = tpu.memref_squeeze %dma_start3A_236 : memref<1x40x128xf32, #tpu.memory_space<vmem>> -> memref<40x128xf32, #tpu.memory_space<vmem>>
        %dma_start3A_238 = arith.constant 0 : i32
        %dma_start3A_239 = tpu.memref_slice %arg8[%dma_start3A_232, %dma_start3A_238] : memref<7x40xi32, #tpu.memory_space<vmem>> -> memref<1x40xi32, #tpu.memory_space<vmem>>
        %dma_start3A_240 = tpu.memref_squeeze %dma_start3A_239 : memref<1x40xi32, #tpu.memory_space<vmem>> -> memref<40xi32, #tpu.memory_space<vmem>>
        %dma_start3A_241 = arith.constant 0 : i32
        %dma_start3A_242 = arith.constant 0 : i32
        %dma_start3A_243 = tpu.memref_slice %arg10[%dma_start3A_241, %dma_start3A_242] : memref<10000x128xf32, #tpu.memory_space<vmem_shared>> -> memref<10000x128xf32, #tpu.memory_space<vmem_shared>>
        %dma_start3A_244 = tpu.memref_slice %arg13[%dma_start3A_233] : memref<7x!tpu.dma_semaphore, #tpu.memory_space<semaphore_mem>> -> memref<1x!tpu.dma_semaphore, #tpu.memory_space<semaphore_mem>>
        %dma_start3A_245 = tpu.memref_squeeze %dma_start3A_244 : memref<1x!tpu.dma_semaphore, #tpu.memory_space<semaphore_mem>> -> memref<!tpu.dma_semaphore, #tpu.memory_space<semaphore_mem>>
        tpu.enqueue_indirect_dma source(%dma_start3A_237 : memref<40x128xf32, #tpu.memory_space<vmem>>) target(%dma_start3A_243 : memref<10000x128xf32, #tpu.memory_space<vmem_shared>>) offsets(%dma_start3A_240 : memref<40xi32, #tpu.memory_space<vmem>>) semaphore(%dma_start3A_245 : memref<!tpu.dma_semaphore, #tpu.memory_space<semaphore_mem>>) {add = true}
      } else {
      }
      %mul3A_79 = arith.constant 7 : i32
      %mul3A_80 = arith.muli %add3A_31, %mul3A_79 : i32
      %add3A_81 = arith.constant 2 : i32
      %add3A_82 = arith.addi %mul3A_80, %add3A_81 : i32
      %ge3A_83 = arith.constant 7 : i32
      %ge3A_84 = arith.cmpi sge, %add3A_82, %ge3A_83 : i32
      %lt3A_85 = arith.constant 257 : i32
      %lt3A_86 = arith.cmpi slt, %add3A_82, %lt3A_85 : i32
      %and3A_87 = arith.andi %ge3A_84, %lt3A_86 : i1
      %convert_element_type3A_88 = arith.extui %and3A_87 : i1 to i32
      %cond3A_89 = arith.constant 0 : i32
      %cond3A_90 = arith.cmpi ne, %convert_element_type3A_88, %cond3A_89 : i32
      scf.if %cond3A_90 {
        %dma_wait3A_204 = arith.constant 2 : i32
        %dma_wait3A_205 = arith.constant 2 : i32
        %dma_wait3A_206 = arith.constant 2 : i32
        %dma_wait3A_207 = arith.constant 0 : i32
        %dma_wait3A_208 = arith.constant 0 : i32
        %dma_wait3A_209 = tpu.memref_slice %arg9[%dma_wait3A_204, %dma_wait3A_207, %dma_wait3A_208] : memref<7x40x128xf32, #tpu.memory_space<vmem>> -> memref<1x40x128xf32, #tpu.memory_space<vmem>>
        %dma_wait3A_210 = tpu.memref_squeeze %dma_wait3A_209 : memref<1x40x128xf32, #tpu.memory_space<vmem>> -> memref<40x128xf32, #tpu.memory_space<vmem>>
        %dma_wait3A_211 = arith.constant 0 : i32
        %dma_wait3A_212 = tpu.memref_slice %arg8[%dma_wait3A_205, %dma_wait3A_211] : memref<7x40xi32, #tpu.memory_space<vmem>> -> memref<1x40xi32, #tpu.memory_space<vmem>>
        %dma_wait3A_213 = tpu.memref_squeeze %dma_wait3A_212 : memref<1x40xi32, #tpu.memory_space<vmem>> -> memref<40xi32, #tpu.memory_space<vmem>>
        %dma_wait3A_214 = arith.constant 0 : i32
        %dma_wait3A_215 = arith.constant 0 : i32
        %dma_wait3A_216 = tpu.memref_slice %arg10[%dma_wait3A_214, %dma_wait3A_215] : memref<10000x128xf32, #tpu.memory_space<vmem_shared>> -> memref<10000x128xf32, #tpu.memory_space<vmem_shared>>
        %dma_wait3A_217 = tpu.memref_slice %arg13[%dma_wait3A_206] : memref<7x!tpu.dma_semaphore, #tpu.memory_space<semaphore_mem>> -> memref<1x!tpu.dma_semaphore, #tpu.memory_space<semaphore_mem>>
        %dma_wait3A_218 = tpu.memref_squeeze %dma_wait3A_217 : memref<1x!tpu.dma_semaphore, #tpu.memory_space<semaphore_mem>> -> memref<!tpu.dma_semaphore, #tpu.memory_space<semaphore_mem>>
        tpu.wait_indirect_dma semaphore(%dma_wait3A_218 : memref<!tpu.dma_semaphore, #tpu.memory_space<semaphore_mem>>) src(%dma_wait3A_210 : memref<40x128xf32, #tpu.memory_space<vmem>>) dst(%dma_wait3A_216 : memref<10000x128xf32, #tpu.memory_space<vmem_shared>>)
      } else {
      }
      %lt3A_91 = arith.constant 250 : i32
      %lt3A_92 = arith.cmpi slt, %add3A_82, %lt3A_91 : i32
      %convert_element_type3A_93 = arith.extui %lt3A_92 : i1 to i32
      %cond3A_94 = arith.constant 0 : i32
      %cond3A_95 = arith.cmpi ne, %convert_element_type3A_93, %cond3A_94 : i32
      scf.if %cond3A_95 {
        %mul3A_204 = arith.constant 40 : i32
        %mul3A_205 = arith.muli %add3A_82, %mul3A_204 : i32
        %dma_start3A_206 = arith.constant 2 : i32
        %dma_start3A_207 = arith.constant 2 : i32
        %dma_start3A_208 = arith.constant 0 : i32
        %dma_start3A_209 = arith.constant 0 : i32
        %dma_start3A_210 = tpu.memref_slice %arg9[%dma_start3A_206, %dma_start3A_208, %dma_start3A_209] : memref<7x40x128xf32, #tpu.memory_space<vmem>> -> memref<1x40x128xf32, #tpu.memory_space<vmem>>
        %dma_start3A_211 = tpu.memref_squeeze %dma_start3A_210 : memref<1x40x128xf32, #tpu.memory_space<vmem>> -> memref<40x128xf32, #tpu.memory_space<vmem>>
        %dma_start3A_212 = tpu.memref_slice %arg7[%mul3A_205] : memref<10000xi32, #tpu.memory_space<vmem>> -> memref<40xi32, #tpu.memory_space<vmem>>
        %dma_start3A_213 = arith.constant 0 : i32
        %dma_start3A_214 = arith.constant 0 : i32
        %dma_start3A_215 = tpu.memref_slice %arg2[%dma_start3A_213, %dma_start3A_214] : memref<10000x128xf32, #tpu.memory_space<hbm>> -> memref<10000x128xf32, #tpu.memory_space<hbm>>
        %dma_start3A_216 = tpu.memref_slice %arg12[%dma_start3A_207] : memref<7x!tpu.dma_semaphore, #tpu.memory_space<semaphore_mem>> -> memref<1x!tpu.dma_semaphore, #tpu.memory_space<semaphore_mem>>
        %dma_start3A_217 = tpu.memref_squeeze %dma_start3A_216 : memref<1x!tpu.dma_semaphore, #tpu.memory_space<semaphore_mem>> -> memref<!tpu.dma_semaphore, #tpu.memory_space<semaphore_mem>>
        tpu.enqueue_indirect_dma source(%dma_start3A_215 : memref<10000x128xf32, #tpu.memory_space<hbm>>) target(%dma_start3A_211 : memref<40x128xf32, #tpu.memory_space<vmem>>) offsets(%dma_start3A_212 : memref<40xi32, #tpu.memory_space<vmem>>) semaphore(%dma_start3A_217 : memref<!tpu.dma_semaphore, #tpu.memory_space<semaphore_mem>>)
        %mul3A_218 = arith.constant 40 : i32
        %mul3A_219 = arith.muli %add3A_82, %mul3A_218 : i32
        %add3A_220 = arith.addi %mul3A_2, %mul3A_219 : i32
        %dma_start3A_221 = arith.constant 2 : i32
        %dma_start3A_222 = arith.constant 2 : i32
        %dma_start3A_223 = arith.constant 0 : i32
        %dma_start3A_224 = tpu.memref_slice %arg8[%dma_start3A_221, %dma_start3A_223] : memref<7x40xi32, #tpu.memory_space<vmem>> -> memref<1x40xi32, #tpu.memory_space<vmem>>
        %dma_start3A_225 = tpu.memref_squeeze %dma_start3A_224 : memref<1x40xi32, #tpu.memory_space<vmem>> -> memref<40xi32, #tpu.memory_space<vmem>>
        %dma_start3A_226 = tpu.memref_slice %arg4[%add3A_220] : memref<320000xi32, #tpu.memory_space<hbm>> -> memref<40xi32, #tpu.memory_space<hbm>>
        %dma_start3A_227 = tpu.memref_slice %arg11[%dma_start3A_222] : memref<7x!tpu.dma_semaphore, #tpu.memory_space<semaphore_mem>> -> memref<1x!tpu.dma_semaphore, #tpu.memory_space<semaphore_mem>>
        %dma_start3A_228 = tpu.memref_squeeze %dma_start3A_227 : memref<1x!tpu.dma_semaphore, #tpu.memory_space<semaphore_mem>> -> memref<!tpu.dma_semaphore, #tpu.memory_space<semaphore_mem>>
        %dma_start3A_229 = arith.constant 0 : i32
        %dma_start3A_230 = tpu.memref_slice %arg8[%dma_start3A_221, %dma_start3A_229] : memref<7x40xi32, #tpu.memory_space<vmem>> -> memref<1x40xi32, #tpu.memory_space<vmem>>
        %dma_start3A_231 = tpu.memref_squeeze %dma_start3A_230 : memref<1x40xi32, #tpu.memory_space<vmem>> -> memref<40xi32, #tpu.memory_space<vmem>>
        %dma_start3A_232 = tpu.memref_slice %arg4[%add3A_220] : memref<320000xi32, #tpu.memory_space<hbm>> -> memref<40xi32, #tpu.memory_space<hbm>>
        tpu.enqueue_dma source(%dma_start3A_232 : memref<40xi32, #tpu.memory_space<hbm>>) target(%dma_start3A_231 : memref<40xi32, #tpu.memory_space<vmem>>) target_semaphore(%dma_start3A_228 : memref<!tpu.dma_semaphore, #tpu.memory_space<semaphore_mem>>)
      } else {
      }
      %ge3A_96 = arith.constant 5 : i32
      %ge3A_97 = arith.cmpi sge, %add3A_82, %ge3A_96 : i32
      %lt3A_98 = arith.constant 255 : i32
      %lt3A_99 = arith.cmpi slt, %add3A_82, %lt3A_98 : i32
      %and3A_100 = arith.andi %ge3A_97, %lt3A_99 : i1
      %convert_element_type3A_101 = arith.extui %and3A_100 : i1 to i32
      %cond3A_102 = arith.constant 0 : i32
      %cond3A_103 = arith.cmpi ne, %convert_element_type3A_101, %cond3A_102 : i32
      scf.if %cond3A_103 {
        %dma_wait3A_204 = arith.constant 4 : i32
        %dma_wait3A_205 = arith.constant 4 : i32
        %dma_wait3A_206 = arith.constant 0 : i32
        %dma_wait3A_207 = arith.constant 0 : i32
        %dma_wait3A_208 = tpu.memref_slice %arg9[%dma_wait3A_204, %dma_wait3A_206, %dma_wait3A_207] : memref<7x40x128xf32, #tpu.memory_space<vmem>> -> memref<1x40x128xf32, #tpu.memory_space<vmem>>
        %dma_wait3A_209 = tpu.memref_squeeze %dma_wait3A_208 : memref<1x40x128xf32, #tpu.memory_space<vmem>> -> memref<40x128xf32, #tpu.memory_space<vmem>>
        %dma_wait3A_210 = arith.constant 0 : i32
        %dma_wait3A_211 = tpu.memref_slice %arg7[%dma_wait3A_210] : memref<10000xi32, #tpu.memory_space<vmem>> -> memref<40xi32, #tpu.memory_space<vmem>>
        %dma_wait3A_212 = arith.constant 0 : i32
        %dma_wait3A_213 = arith.constant 0 : i32
        %dma_wait3A_214 = tpu.memref_slice %arg2[%dma_wait3A_212, %dma_wait3A_213] : memref<10000x128xf32, #tpu.memory_space<hbm>> -> memref<10000x128xf32, #tpu.memory_space<hbm>>
        %dma_wait3A_215 = tpu.memref_slice %arg12[%dma_wait3A_205] : memref<7x!tpu.dma_semaphore, #tpu.memory_space<semaphore_mem>> -> memref<1x!tpu.dma_semaphore, #tpu.memory_space<semaphore_mem>>
        %dma_wait3A_216 = tpu.memref_squeeze %dma_wait3A_215 : memref<1x!tpu.dma_semaphore, #tpu.memory_space<semaphore_mem>> -> memref<!tpu.dma_semaphore, #tpu.memory_space<semaphore_mem>>
        tpu.wait_indirect_dma semaphore(%dma_wait3A_216 : memref<!tpu.dma_semaphore, #tpu.memory_space<semaphore_mem>>) src(%dma_wait3A_214 : memref<10000x128xf32, #tpu.memory_space<hbm>>) dst(%dma_wait3A_209 : memref<40x128xf32, #tpu.memory_space<vmem>>)
        %add3A_217 = arith.constant 0 : i32
        %add3A_218 = arith.addi %mul3A_2, %add3A_217 : i32
        %dma_wait3A_219 = arith.constant 4 : i32
        %dma_wait3A_220 = arith.constant 4 : i32
        %dma_wait3A_221 = arith.constant 0 : i32
        %dma_wait3A_222 = tpu.memref_slice %arg8[%dma_wait3A_219, %dma_wait3A_221] : memref<7x40xi32, #tpu.memory_space<vmem>> -> memref<1x40xi32, #tpu.memory_space<vmem>>
        %dma_wait3A_223 = tpu.memref_squeeze %dma_wait3A_222 : memref<1x40xi32, #tpu.memory_space<vmem>> -> memref<40xi32, #tpu.memory_space<vmem>>
        %dma_wait3A_224 = tpu.memref_slice %arg4[%add3A_218] : memref<320000xi32, #tpu.memory_space<hbm>> -> memref<40xi32, #tpu.memory_space<hbm>>
        %dma_wait3A_225 = tpu.memref_slice %arg11[%dma_wait3A_220] : memref<7x!tpu.dma_semaphore, #tpu.memory_space<semaphore_mem>> -> memref<1x!tpu.dma_semaphore, #tpu.memory_space<semaphore_mem>>
        %dma_wait3A_226 = tpu.memref_squeeze %dma_wait3A_225 : memref<1x!tpu.dma_semaphore, #tpu.memory_space<semaphore_mem>> -> memref<!tpu.dma_semaphore, #tpu.memory_space<semaphore_mem>>
        %dma_wait3A_227 = arith.constant 0 : i32
        %dma_wait3A_228 = tpu.memref_slice %arg8[%dma_wait3A_219, %dma_wait3A_227] : memref<7x40xi32, #tpu.memory_space<vmem>> -> memref<1x40xi32, #tpu.memory_space<vmem>>
        %dma_wait3A_229 = tpu.memref_squeeze %dma_wait3A_228 : memref<1x40xi32, #tpu.memory_space<vmem>> -> memref<40xi32, #tpu.memory_space<vmem>>
        %dma_wait3A_230 = tpu.memref_slice %arg4[%add3A_218] : memref<320000xi32, #tpu.memory_space<hbm>> -> memref<40xi32, #tpu.memory_space<hbm>>
        tpu.wait_dma2 semaphore(%dma_wait3A_226 : memref<!tpu.dma_semaphore, #tpu.memory_space<semaphore_mem>>) src(%dma_wait3A_230 : memref<40xi32, #tpu.memory_space<hbm>>) dst(%dma_wait3A_229 : memref<40xi32, #tpu.memory_space<vmem>>)
        %dma_start3A_231 = arith.constant 4 : i32
        %dma_start3A_232 = arith.constant 4 : i32
        %dma_start3A_233 = arith.constant 4 : i32
        %dma_start3A_234 = arith.constant 0 : i32
        %dma_start3A_235 = arith.constant 0 : i32
        %dma_start3A_236 = tpu.memref_slice %arg9[%dma_start3A_231, %dma_start3A_234, %dma_start3A_235] : memref<7x40x128xf32, #tpu.memory_space<vmem>> -> memref<1x40x128xf32, #tpu.memory_space<vmem>>
        %dma_start3A_237 = tpu.memref_squeeze %dma_start3A_236 : memref<1x40x128xf32, #tpu.memory_space<vmem>> -> memref<40x128xf32, #tpu.memory_space<vmem>>
        %dma_start3A_238 = arith.constant 0 : i32
        %dma_start3A_239 = tpu.memref_slice %arg8[%dma_start3A_232, %dma_start3A_238] : memref<7x40xi32, #tpu.memory_space<vmem>> -> memref<1x40xi32, #tpu.memory_space<vmem>>
        %dma_start3A_240 = tpu.memref_squeeze %dma_start3A_239 : memref<1x40xi32, #tpu.memory_space<vmem>> -> memref<40xi32, #tpu.memory_space<vmem>>
        %dma_start3A_241 = arith.constant 0 : i32
        %dma_start3A_242 = arith.constant 0 : i32
        %dma_start3A_243 = tpu.memref_slice %arg10[%dma_start3A_241, %dma_start3A_242] : memref<10000x128xf32, #tpu.memory_space<vmem_shared>> -> memref<10000x128xf32, #tpu.memory_space<vmem_shared>>
        %dma_start3A_244 = tpu.memref_slice %arg13[%dma_start3A_233] : memref<7x!tpu.dma_semaphore, #tpu.memory_space<semaphore_mem>> -> memref<1x!tpu.dma_semaphore, #tpu.memory_space<semaphore_mem>>
        %dma_start3A_245 = tpu.memref_squeeze %dma_start3A_244 : memref<1x!tpu.dma_semaphore, #tpu.memory_space<semaphore_mem>> -> memref<!tpu.dma_semaphore, #tpu.memory_space<semaphore_mem>>
        tpu.enqueue_indirect_dma source(%dma_start3A_237 : memref<40x128xf32, #tpu.memory_space<vmem>>) target(%dma_start3A_243 : memref<10000x128xf32, #tpu.memory_space<vmem_shared>>) offsets(%dma_start3A_240 : memref<40xi32, #tpu.memory_space<vmem>>) semaphore(%dma_start3A_245 : memref<!tpu.dma_semaphore, #tpu.memory_space<semaphore_mem>>) {add = true}
      } else {
      }
      %mul3A_104 = arith.constant 7 : i32
      %mul3A_105 = arith.muli %add3A_31, %mul3A_104 : i32
      %add3A_106 = arith.constant 3 : i32
      %add3A_107 = arith.addi %mul3A_105, %add3A_106 : i32
      %ge3A_108 = arith.constant 7 : i32
      %ge3A_109 = arith.cmpi sge, %add3A_107, %ge3A_108 : i32
      %lt3A_110 = arith.constant 257 : i32
      %lt3A_111 = arith.cmpi slt, %add3A_107, %lt3A_110 : i32
      %and3A_112 = arith.andi %ge3A_109, %lt3A_111 : i1
      %convert_element_type3A_113 = arith.extui %and3A_112 : i1 to i32
      %cond3A_114 = arith.constant 0 : i32
      %cond3A_115 = arith.cmpi ne, %convert_element_type3A_113, %cond3A_114 : i32
      scf.if %cond3A_115 {
        %dma_wait3A_204 = arith.constant 3 : i32
        %dma_wait3A_205 = arith.constant 3 : i32
        %dma_wait3A_206 = arith.constant 3 : i32
        %dma_wait3A_207 = arith.constant 0 : i32
        %dma_wait3A_208 = arith.constant 0 : i32
        %dma_wait3A_209 = tpu.memref_slice %arg9[%dma_wait3A_204, %dma_wait3A_207, %dma_wait3A_208] : memref<7x40x128xf32, #tpu.memory_space<vmem>> -> memref<1x40x128xf32, #tpu.memory_space<vmem>>
        %dma_wait3A_210 = tpu.memref_squeeze %dma_wait3A_209 : memref<1x40x128xf32, #tpu.memory_space<vmem>> -> memref<40x128xf32, #tpu.memory_space<vmem>>
        %dma_wait3A_211 = arith.constant 0 : i32
        %dma_wait3A_212 = tpu.memref_slice %arg8[%dma_wait3A_205, %dma_wait3A_211] : memref<7x40xi32, #tpu.memory_space<vmem>> -> memref<1x40xi32, #tpu.memory_space<vmem>>
        %dma_wait3A_213 = tpu.memref_squeeze %dma_wait3A_212 : memref<1x40xi32, #tpu.memory_space<vmem>> -> memref<40xi32, #tpu.memory_space<vmem>>
        %dma_wait3A_214 = arith.constant 0 : i32
        %dma_wait3A_215 = arith.constant 0 : i32
        %dma_wait3A_216 = tpu.memref_slice %arg10[%dma_wait3A_214, %dma_wait3A_215] : memref<10000x128xf32, #tpu.memory_space<vmem_shared>> -> memref<10000x128xf32, #tpu.memory_space<vmem_shared>>
        %dma_wait3A_217 = tpu.memref_slice %arg13[%dma_wait3A_206] : memref<7x!tpu.dma_semaphore, #tpu.memory_space<semaphore_mem>> -> memref<1x!tpu.dma_semaphore, #tpu.memory_space<semaphore_mem>>
        %dma_wait3A_218 = tpu.memref_squeeze %dma_wait3A_217 : memref<1x!tpu.dma_semaphore, #tpu.memory_space<semaphore_mem>> -> memref<!tpu.dma_semaphore, #tpu.memory_space<semaphore_mem>>
        tpu.wait_indirect_dma semaphore(%dma_wait3A_218 : memref<!tpu.dma_semaphore, #tpu.memory_space<semaphore_mem>>) src(%dma_wait3A_210 : memref<40x128xf32, #tpu.memory_space<vmem>>) dst(%dma_wait3A_216 : memref<10000x128xf32, #tpu.memory_space<vmem_shared>>)
      } else {
      }
      %lt3A_116 = arith.constant 250 : i32
      %lt3A_117 = arith.cmpi slt, %add3A_107, %lt3A_116 : i32
      %convert_element_type3A_118 = arith.extui %lt3A_117 : i1 to i32
      %cond3A_119 = arith.constant 0 : i32
      %cond3A_120 = arith.cmpi ne, %convert_element_type3A_118, %cond3A_119 : i32
      scf.if %cond3A_120 {
        %mul3A_204 = arith.constant 40 : i32
        %mul3A_205 = arith.muli %add3A_107, %mul3A_204 : i32
        %dma_start3A_206 = arith.constant 3 : i32
        %dma_start3A_207 = arith.constant 3 : i32
        %dma_start3A_208 = arith.constant 0 : i32
        %dma_start3A_209 = arith.constant 0 : i32
        %dma_start3A_210 = tpu.memref_slice %arg9[%dma_start3A_206, %dma_start3A_208, %dma_start3A_209] : memref<7x40x128xf32, #tpu.memory_space<vmem>> -> memref<1x40x128xf32, #tpu.memory_space<vmem>>
        %dma_start3A_211 = tpu.memref_squeeze %dma_start3A_210 : memref<1x40x128xf32, #tpu.memory_space<vmem>> -> memref<40x128xf32, #tpu.memory_space<vmem>>
        %dma_start3A_212 = tpu.memref_slice %arg7[%mul3A_205] : memref<10000xi32, #tpu.memory_space<vmem>> -> memref<40xi32, #tpu.memory_space<vmem>>
        %dma_start3A_213 = arith.constant 0 : i32
        %dma_start3A_214 = arith.constant 0 : i32
        %dma_start3A_215 = tpu.memref_slice %arg2[%dma_start3A_213, %dma_start3A_214] : memref<10000x128xf32, #tpu.memory_space<hbm>> -> memref<10000x128xf32, #tpu.memory_space<hbm>>
        %dma_start3A_216 = tpu.memref_slice %arg12[%dma_start3A_207] : memref<7x!tpu.dma_semaphore, #tpu.memory_space<semaphore_mem>> -> memref<1x!tpu.dma_semaphore, #tpu.memory_space<semaphore_mem>>
        %dma_start3A_217 = tpu.memref_squeeze %dma_start3A_216 : memref<1x!tpu.dma_semaphore, #tpu.memory_space<semaphore_mem>> -> memref<!tpu.dma_semaphore, #tpu.memory_space<semaphore_mem>>
        tpu.enqueue_indirect_dma source(%dma_start3A_215 : memref<10000x128xf32, #tpu.memory_space<hbm>>) target(%dma_start3A_211 : memref<40x128xf32, #tpu.memory_space<vmem>>) offsets(%dma_start3A_212 : memref<40xi32, #tpu.memory_space<vmem>>) semaphore(%dma_start3A_217 : memref<!tpu.dma_semaphore, #tpu.memory_space<semaphore_mem>>)
        %mul3A_218 = arith.constant 40 : i32
        %mul3A_219 = arith.muli %add3A_107, %mul3A_218 : i32
        %add3A_220 = arith.addi %mul3A_2, %mul3A_219 : i32
        %dma_start3A_221 = arith.constant 3 : i32
        %dma_start3A_222 = arith.constant 3 : i32
        %dma_start3A_223 = arith.constant 0 : i32
        %dma_start3A_224 = tpu.memref_slice %arg8[%dma_start3A_221, %dma_start3A_223] : memref<7x40xi32, #tpu.memory_space<vmem>> -> memref<1x40xi32, #tpu.memory_space<vmem>>
        %dma_start3A_225 = tpu.memref_squeeze %dma_start3A_224 : memref<1x40xi32, #tpu.memory_space<vmem>> -> memref<40xi32, #tpu.memory_space<vmem>>
        %dma_start3A_226 = tpu.memref_slice %arg4[%add3A_220] : memref<320000xi32, #tpu.memory_space<hbm>> -> memref<40xi32, #tpu.memory_space<hbm>>
        %dma_start3A_227 = tpu.memref_slice %arg11[%dma_start3A_222] : memref<7x!tpu.dma_semaphore, #tpu.memory_space<semaphore_mem>> -> memref<1x!tpu.dma_semaphore, #tpu.memory_space<semaphore_mem>>
        %dma_start3A_228 = tpu.memref_squeeze %dma_start3A_227 : memref<1x!tpu.dma_semaphore, #tpu.memory_space<semaphore_mem>> -> memref<!tpu.dma_semaphore, #tpu.memory_space<semaphore_mem>>
        %dma_start3A_229 = arith.constant 0 : i32
        %dma_start3A_230 = tpu.memref_slice %arg8[%dma_start3A_221, %dma_start3A_229] : memref<7x40xi32, #tpu.memory_space<vmem>> -> memref<1x40xi32, #tpu.memory_space<vmem>>
        %dma_start3A_231 = tpu.memref_squeeze %dma_start3A_230 : memref<1x40xi32, #tpu.memory_space<vmem>> -> memref<40xi32, #tpu.memory_space<vmem>>
        %dma_start3A_232 = tpu.memref_slice %arg4[%add3A_220] : memref<320000xi32, #tpu.memory_space<hbm>> -> memref<40xi32, #tpu.memory_space<hbm>>
        tpu.enqueue_dma source(%dma_start3A_232 : memref<40xi32, #tpu.memory_space<hbm>>) target(%dma_start3A_231 : memref<40xi32, #tpu.memory_space<vmem>>) target_semaphore(%dma_start3A_228 : memref<!tpu.dma_semaphore, #tpu.memory_space<semaphore_mem>>)
      } else {
      }
      %ge3A_121 = arith.constant 5 : i32
      %ge3A_122 = arith.cmpi sge, %add3A_107, %ge3A_121 : i32
      %lt3A_123 = arith.constant 255 : i32
      %lt3A_124 = arith.cmpi slt, %add3A_107, %lt3A_123 : i32
      %and3A_125 = arith.andi %ge3A_122, %lt3A_124 : i1
      %convert_element_type3A_126 = arith.extui %and3A_125 : i1 to i32
      %cond3A_127 = arith.constant 0 : i32
      %cond3A_128 = arith.cmpi ne, %convert_element_type3A_126, %cond3A_127 : i32
      scf.if %cond3A_128 {
        %dma_wait3A_204 = arith.constant 5 : i32
        %dma_wait3A_205 = arith.constant 5 : i32
        %dma_wait3A_206 = arith.constant 0 : i32
        %dma_wait3A_207 = arith.constant 0 : i32
        %dma_wait3A_208 = tpu.memref_slice %arg9[%dma_wait3A_204, %dma_wait3A_206, %dma_wait3A_207] : memref<7x40x128xf32, #tpu.memory_space<vmem>> -> memref<1x40x128xf32, #tpu.memory_space<vmem>>
        %dma_wait3A_209 = tpu.memref_squeeze %dma_wait3A_208 : memref<1x40x128xf32, #tpu.memory_space<vmem>> -> memref<40x128xf32, #tpu.memory_space<vmem>>
        %dma_wait3A_210 = arith.constant 0 : i32
        %dma_wait3A_211 = tpu.memref_slice %arg7[%dma_wait3A_210] : memref<10000xi32, #tpu.memory_space<vmem>> -> memref<40xi32, #tpu.memory_space<vmem>>
        %dma_wait3A_212 = arith.constant 0 : i32
        %dma_wait3A_213 = arith.constant 0 : i32
        %dma_wait3A_214 = tpu.memref_slice %arg2[%dma_wait3A_212, %dma_wait3A_213] : memref<10000x128xf32, #tpu.memory_space<hbm>> -> memref<10000x128xf32, #tpu.memory_space<hbm>>
        %dma_wait3A_215 = tpu.memref_slice %arg12[%dma_wait3A_205] : memref<7x!tpu.dma_semaphore, #tpu.memory_space<semaphore_mem>> -> memref<1x!tpu.dma_semaphore, #tpu.memory_space<semaphore_mem>>
        %dma_wait3A_216 = tpu.memref_squeeze %dma_wait3A_215 : memref<1x!tpu.dma_semaphore, #tpu.memory_space<semaphore_mem>> -> memref<!tpu.dma_semaphore, #tpu.memory_space<semaphore_mem>>
        tpu.wait_indirect_dma semaphore(%dma_wait3A_216 : memref<!tpu.dma_semaphore, #tpu.memory_space<semaphore_mem>>) src(%dma_wait3A_214 : memref<10000x128xf32, #tpu.memory_space<hbm>>) dst(%dma_wait3A_209 : memref<40x128xf32, #tpu.memory_space<vmem>>)
        %add3A_217 = arith.constant 0 : i32
        %add3A_218 = arith.addi %mul3A_2, %add3A_217 : i32
        %dma_wait3A_219 = arith.constant 5 : i32
        %dma_wait3A_220 = arith.constant 5 : i32
        %dma_wait3A_221 = arith.constant 0 : i32
        %dma_wait3A_222 = tpu.memref_slice %arg8[%dma_wait3A_219, %dma_wait3A_221] : memref<7x40xi32, #tpu.memory_space<vmem>> -> memref<1x40xi32, #tpu.memory_space<vmem>>
        %dma_wait3A_223 = tpu.memref_squeeze %dma_wait3A_222 : memref<1x40xi32, #tpu.memory_space<vmem>> -> memref<40xi32, #tpu.memory_space<vmem>>
        %dma_wait3A_224 = tpu.memref_slice %arg4[%add3A_218] : memref<320000xi32, #tpu.memory_space<hbm>> -> memref<40xi32, #tpu.memory_space<hbm>>
        %dma_wait3A_225 = tpu.memref_slice %arg11[%dma_wait3A_220] : memref<7x!tpu.dma_semaphore, #tpu.memory_space<semaphore_mem>> -> memref<1x!tpu.dma_semaphore, #tpu.memory_space<semaphore_mem>>
        %dma_wait3A_226 = tpu.memref_squeeze %dma_wait3A_225 : memref<1x!tpu.dma_semaphore, #tpu.memory_space<semaphore_mem>> -> memref<!tpu.dma_semaphore, #tpu.memory_space<semaphore_mem>>
        %dma_wait3A_227 = arith.constant 0 : i32
        %dma_wait3A_228 = tpu.memref_slice %arg8[%dma_wait3A_219, %dma_wait3A_227] : memref<7x40xi32, #tpu.memory_space<vmem>> -> memref<1x40xi32, #tpu.memory_space<vmem>>
        %dma_wait3A_229 = tpu.memref_squeeze %dma_wait3A_228 : memref<1x40xi32, #tpu.memory_space<vmem>> -> memref<40xi32, #tpu.memory_space<vmem>>
        %dma_wait3A_230 = tpu.memref_slice %arg4[%add3A_218] : memref<320000xi32, #tpu.memory_space<hbm>> -> memref<40xi32, #tpu.memory_space<hbm>>
        tpu.wait_dma2 semaphore(%dma_wait3A_226 : memref<!tpu.dma_semaphore, #tpu.memory_space<semaphore_mem>>) src(%dma_wait3A_230 : memref<40xi32, #tpu.memory_space<hbm>>) dst(%dma_wait3A_229 : memref<40xi32, #tpu.memory_space<vmem>>)
        %dma_start3A_231 = arith.constant 5 : i32
        %dma_start3A_232 = arith.constant 5 : i32
        %dma_start3A_233 = arith.constant 5 : i32
        %dma_start3A_234 = arith.constant 0 : i32
        %dma_start3A_235 = arith.constant 0 : i32
        %dma_start3A_236 = tpu.memref_slice %arg9[%dma_start3A_231, %dma_start3A_234, %dma_start3A_235] : memref<7x40x128xf32, #tpu.memory_space<vmem>> -> memref<1x40x128xf32, #tpu.memory_space<vmem>>
        %dma_start3A_237 = tpu.memref_squeeze %dma_start3A_236 : memref<1x40x128xf32, #tpu.memory_space<vmem>> -> memref<40x128xf32, #tpu.memory_space<vmem>>
        %dma_start3A_238 = arith.constant 0 : i32
        %dma_start3A_239 = tpu.memref_slice %arg8[%dma_start3A_232, %dma_start3A_238] : memref<7x40xi32, #tpu.memory_space<vmem>> -> memref<1x40xi32, #tpu.memory_space<vmem>>
        %dma_start3A_240 = tpu.memref_squeeze %dma_start3A_239 : memref<1x40xi32, #tpu.memory_space<vmem>> -> memref<40xi32, #tpu.memory_space<vmem>>
        %dma_start3A_241 = arith.constant 0 : i32
        %dma_start3A_242 = arith.constant 0 : i32
        %dma_start3A_243 = tpu.memref_slice %arg10[%dma_start3A_241, %dma_start3A_242] : memref<10000x128xf32, #tpu.memory_space<vmem_shared>> -> memref<10000x128xf32, #tpu.memory_space<vmem_shared>>
        %dma_start3A_244 = tpu.memref_slice %arg13[%dma_start3A_233] : memref<7x!tpu.dma_semaphore, #tpu.memory_space<semaphore_mem>> -> memref<1x!tpu.dma_semaphore, #tpu.memory_space<semaphore_mem>>
        %dma_start3A_245 = tpu.memref_squeeze %dma_start3A_244 : memref<1x!tpu.dma_semaphore, #tpu.memory_space<semaphore_mem>> -> memref<!tpu.dma_semaphore, #tpu.memory_space<semaphore_mem>>
        tpu.enqueue_indirect_dma source(%dma_start3A_237 : memref<40x128xf32, #tpu.memory_space<vmem>>) target(%dma_start3A_243 : memref<10000x128xf32, #tpu.memory_space<vmem_shared>>) offsets(%dma_start3A_240 : memref<40xi32, #tpu.memory_space<vmem>>) semaphore(%dma_start3A_245 : memref<!tpu.dma_semaphore, #tpu.memory_space<semaphore_mem>>) {add = true}
      } else {
      }
      %mul3A_129 = arith.constant 7 : i32
      %mul3A_130 = arith.muli %add3A_31, %mul3A_129 : i32
      %add3A_131 = arith.constant 4 : i32
      %add3A_132 = arith.addi %mul3A_130, %add3A_131 : i32
      %ge3A_133 = arith.constant 7 : i32
      %ge3A_134 = arith.cmpi sge, %add3A_132, %ge3A_133 : i32
      %lt3A_135 = arith.constant 257 : i32
      %lt3A_136 = arith.cmpi slt, %add3A_132, %lt3A_135 : i32
      %and3A_137 = arith.andi %ge3A_134, %lt3A_136 : i1
      %convert_element_type3A_138 = arith.extui %and3A_137 : i1 to i32
      %cond3A_139 = arith.constant 0 : i32
      %cond3A_140 = arith.cmpi ne, %convert_element_type3A_138, %cond3A_139 : i32
      scf.if %cond3A_140 {
        %dma_wait3A_204 = arith.constant 4 : i32
        %dma_wait3A_205 = arith.constant 4 : i32
        %dma_wait3A_206 = arith.constant 4 : i32
        %dma_wait3A_207 = arith.constant 0 : i32
        %dma_wait3A_208 = arith.constant 0 : i32
        %dma_wait3A_209 = tpu.memref_slice %arg9[%dma_wait3A_204, %dma_wait3A_207, %dma_wait3A_208] : memref<7x40x128xf32, #tpu.memory_space<vmem>> -> memref<1x40x128xf32, #tpu.memory_space<vmem>>
        %dma_wait3A_210 = tpu.memref_squeeze %dma_wait3A_209 : memref<1x40x128xf32, #tpu.memory_space<vmem>> -> memref<40x128xf32, #tpu.memory_space<vmem>>
        %dma_wait3A_211 = arith.constant 0 : i32
        %dma_wait3A_212 = tpu.memref_slice %arg8[%dma_wait3A_205, %dma_wait3A_211] : memref<7x40xi32, #tpu.memory_space<vmem>> -> memref<1x40xi32, #tpu.memory_space<vmem>>
        %dma_wait3A_213 = tpu.memref_squeeze %dma_wait3A_212 : memref<1x40xi32, #tpu.memory_space<vmem>> -> memref<40xi32, #tpu.memory_space<vmem>>
        %dma_wait3A_214 = arith.constant 0 : i32
        %dma_wait3A_215 = arith.constant 0 : i32
        %dma_wait3A_216 = tpu.memref_slice %arg10[%dma_wait3A_214, %dma_wait3A_215] : memref<10000x128xf32, #tpu.memory_space<vmem_shared>> -> memref<10000x128xf32, #tpu.memory_space<vmem_shared>>
        %dma_wait3A_217 = tpu.memref_slice %arg13[%dma_wait3A_206] : memref<7x!tpu.dma_semaphore, #tpu.memory_space<semaphore_mem>> -> memref<1x!tpu.dma_semaphore, #tpu.memory_space<semaphore_mem>>
        %dma_wait3A_218 = tpu.memref_squeeze %dma_wait3A_217 : memref<1x!tpu.dma_semaphore, #tpu.memory_space<semaphore_mem>> -> memref<!tpu.dma_semaphore, #tpu.memory_space<semaphore_mem>>
        tpu.wait_indirect_dma semaphore(%dma_wait3A_218 : memref<!tpu.dma_semaphore, #tpu.memory_space<semaphore_mem>>) src(%dma_wait3A_210 : memref<40x128xf32, #tpu.memory_space<vmem>>) dst(%dma_wait3A_216 : memref<10000x128xf32, #tpu.memory_space<vmem_shared>>)
      } else {
      }
      %lt3A_141 = arith.constant 250 : i32
      %lt3A_142 = arith.cmpi slt, %add3A_132, %lt3A_141 : i32
      %convert_element_type3A_143 = arith.extui %lt3A_142 : i1 to i32
      %cond3A_144 = arith.constant 0 : i32
      %cond3A_145 = arith.cmpi ne, %convert_element_type3A_143, %cond3A_144 : i32
      scf.if %cond3A_145 {
        %mul3A_204 = arith.constant 40 : i32
        %mul3A_205 = arith.muli %add3A_132, %mul3A_204 : i32
        %dma_start3A_206 = arith.constant 4 : i32
        %dma_start3A_207 = arith.constant 4 : i32
        %dma_start3A_208 = arith.constant 0 : i32
        %dma_start3A_209 = arith.constant 0 : i32
        %dma_start3A_210 = tpu.memref_slice %arg9[%dma_start3A_206, %dma_start3A_208, %dma_start3A_209] : memref<7x40x128xf32, #tpu.memory_space<vmem>> -> memref<1x40x128xf32, #tpu.memory_space<vmem>>
        %dma_start3A_211 = tpu.memref_squeeze %dma_start3A_210 : memref<1x40x128xf32, #tpu.memory_space<vmem>> -> memref<40x128xf32, #tpu.memory_space<vmem>>
        %dma_start3A_212 = tpu.memref_slice %arg7[%mul3A_205] : memref<10000xi32, #tpu.memory_space<vmem>> -> memref<40xi32, #tpu.memory_space<vmem>>
        %dma_start3A_213 = arith.constant 0 : i32
        %dma_start3A_214 = arith.constant 0 : i32
        %dma_start3A_215 = tpu.memref_slice %arg2[%dma_start3A_213, %dma_start3A_214] : memref<10000x128xf32, #tpu.memory_space<hbm>> -> memref<10000x128xf32, #tpu.memory_space<hbm>>
        %dma_start3A_216 = tpu.memref_slice %arg12[%dma_start3A_207] : memref<7x!tpu.dma_semaphore, #tpu.memory_space<semaphore_mem>> -> memref<1x!tpu.dma_semaphore, #tpu.memory_space<semaphore_mem>>
        %dma_start3A_217 = tpu.memref_squeeze %dma_start3A_216 : memref<1x!tpu.dma_semaphore, #tpu.memory_space<semaphore_mem>> -> memref<!tpu.dma_semaphore, #tpu.memory_space<semaphore_mem>>
        tpu.enqueue_indirect_dma source(%dma_start3A_215 : memref<10000x128xf32, #tpu.memory_space<hbm>>) target(%dma_start3A_211 : memref<40x128xf32, #tpu.memory_space<vmem>>) offsets(%dma_start3A_212 : memref<40xi32, #tpu.memory_space<vmem>>) semaphore(%dma_start3A_217 : memref<!tpu.dma_semaphore, #tpu.memory_space<semaphore_mem>>)
        %mul3A_218 = arith.constant 40 : i32
        %mul3A_219 = arith.muli %add3A_132, %mul3A_218 : i32
        %add3A_220 = arith.addi %mul3A_2, %mul3A_219 : i32
        %dma_start3A_221 = arith.constant 4 : i32
        %dma_start3A_222 = arith.constant 4 : i32
        %dma_start3A_223 = arith.constant 0 : i32
        %dma_start3A_224 = tpu.memref_slice %arg8[%dma_start3A_221, %dma_start3A_223] : memref<7x40xi32, #tpu.memory_space<vmem>> -> memref<1x40xi32, #tpu.memory_space<vmem>>
        %dma_start3A_225 = tpu.memref_squeeze %dma_start3A_224 : memref<1x40xi32, #tpu.memory_space<vmem>> -> memref<40xi32, #tpu.memory_space<vmem>>
        %dma_start3A_226 = tpu.memref_slice %arg4[%add3A_220] : memref<320000xi32, #tpu.memory_space<hbm>> -> memref<40xi32, #tpu.memory_space<hbm>>
        %dma_start3A_227 = tpu.memref_slice %arg11[%dma_start3A_222] : memref<7x!tpu.dma_semaphore, #tpu.memory_space<semaphore_mem>> -> memref<1x!tpu.dma_semaphore, #tpu.memory_space<semaphore_mem>>
        %dma_start3A_228 = tpu.memref_squeeze %dma_start3A_227 : memref<1x!tpu.dma_semaphore, #tpu.memory_space<semaphore_mem>> -> memref<!tpu.dma_semaphore, #tpu.memory_space<semaphore_mem>>
        %dma_start3A_229 = arith.constant 0 : i32
        %dma_start3A_230 = tpu.memref_slice %arg8[%dma_start3A_221, %dma_start3A_229] : memref<7x40xi32, #tpu.memory_space<vmem>> -> memref<1x40xi32, #tpu.memory_space<vmem>>
        %dma_start3A_231 = tpu.memref_squeeze %dma_start3A_230 : memref<1x40xi32, #tpu.memory_space<vmem>> -> memref<40xi32, #tpu.memory_space<vmem>>
        %dma_start3A_232 = tpu.memref_slice %arg4[%add3A_220] : memref<320000xi32, #tpu.memory_space<hbm>> -> memref<40xi32, #tpu.memory_space<hbm>>
        tpu.enqueue_dma source(%dma_start3A_232 : memref<40xi32, #tpu.memory_space<hbm>>) target(%dma_start3A_231 : memref<40xi32, #tpu.memory_space<vmem>>) target_semaphore(%dma_start3A_228 : memref<!tpu.dma_semaphore, #tpu.memory_space<semaphore_mem>>)
      } else {
      }
      %ge3A_146 = arith.constant 5 : i32
      %ge3A_147 = arith.cmpi sge, %add3A_132, %ge3A_146 : i32
      %lt3A_148 = arith.constant 255 : i32
      %lt3A_149 = arith.cmpi slt, %add3A_132, %lt3A_148 : i32
      %and3A_150 = arith.andi %ge3A_147, %lt3A_149 : i1
      %convert_element_type3A_151 = arith.extui %and3A_150 : i1 to i32
      %cond3A_152 = arith.constant 0 : i32
      %cond3A_153 = arith.cmpi ne, %convert_element_type3A_151, %cond3A_152 : i32
      scf.if %cond3A_153 {
        %dma_wait3A_204 = arith.constant 6 : i32
        %dma_wait3A_205 = arith.constant 6 : i32
        %dma_wait3A_206 = arith.constant 0 : i32
        %dma_wait3A_207 = arith.constant 0 : i32
        %dma_wait3A_208 = tpu.memref_slice %arg9[%dma_wait3A_204, %dma_wait3A_206, %dma_wait3A_207] : memref<7x40x128xf32, #tpu.memory_space<vmem>> -> memref<1x40x128xf32, #tpu.memory_space<vmem>>
        %dma_wait3A_209 = tpu.memref_squeeze %dma_wait3A_208 : memref<1x40x128xf32, #tpu.memory_space<vmem>> -> memref<40x128xf32, #tpu.memory_space<vmem>>
        %dma_wait3A_210 = arith.constant 0 : i32
        %dma_wait3A_211 = tpu.memref_slice %arg7[%dma_wait3A_210] : memref<10000xi32, #tpu.memory_space<vmem>> -> memref<40xi32, #tpu.memory_space<vmem>>
        %dma_wait3A_212 = arith.constant 0 : i32
        %dma_wait3A_213 = arith.constant 0 : i32
        %dma_wait3A_214 = tpu.memref_slice %arg2[%dma_wait3A_212, %dma_wait3A_213] : memref<10000x128xf32, #tpu.memory_space<hbm>> -> memref<10000x128xf32, #tpu.memory_space<hbm>>
        %dma_wait3A_215 = tpu.memref_slice %arg12[%dma_wait3A_205] : memref<7x!tpu.dma_semaphore, #tpu.memory_space<semaphore_mem>> -> memref<1x!tpu.dma_semaphore, #tpu.memory_space<semaphore_mem>>
        %dma_wait3A_216 = tpu.memref_squeeze %dma_wait3A_215 : memref<1x!tpu.dma_semaphore, #tpu.memory_space<semaphore_mem>> -> memref<!tpu.dma_semaphore, #tpu.memory_space<semaphore_mem>>
        tpu.wait_indirect_dma semaphore(%dma_wait3A_216 : memref<!tpu.dma_semaphore, #tpu.memory_space<semaphore_mem>>) src(%dma_wait3A_214 : memref<10000x128xf32, #tpu.memory_space<hbm>>) dst(%dma_wait3A_209 : memref<40x128xf32, #tpu.memory_space<vmem>>)
        %add3A_217 = arith.constant 0 : i32
        %add3A_218 = arith.addi %mul3A_2, %add3A_217 : i32
        %dma_wait3A_219 = arith.constant 6 : i32
        %dma_wait3A_220 = arith.constant 6 : i32
        %dma_wait3A_221 = arith.constant 0 : i32
        %dma_wait3A_222 = tpu.memref_slice %arg8[%dma_wait3A_219, %dma_wait3A_221] : memref<7x40xi32, #tpu.memory_space<vmem>> -> memref<1x40xi32, #tpu.memory_space<vmem>>
        %dma_wait3A_223 = tpu.memref_squeeze %dma_wait3A_222 : memref<1x40xi32, #tpu.memory_space<vmem>> -> memref<40xi32, #tpu.memory_space<vmem>>
        %dma_wait3A_224 = tpu.memref_slice %arg4[%add3A_218] : memref<320000xi32, #tpu.memory_space<hbm>> -> memref<40xi32, #tpu.memory_space<hbm>>
        %dma_wait3A_225 = tpu.memref_slice %arg11[%dma_wait3A_220] : memref<7x!tpu.dma_semaphore, #tpu.memory_space<semaphore_mem>> -> memref<1x!tpu.dma_semaphore, #tpu.memory_space<semaphore_mem>>
        %dma_wait3A_226 = tpu.memref_squeeze %dma_wait3A_225 : memref<1x!tpu.dma_semaphore, #tpu.memory_space<semaphore_mem>> -> memref<!tpu.dma_semaphore, #tpu.memory_space<semaphore_mem>>
        %dma_wait3A_227 = arith.constant 0 : i32
        %dma_wait3A_228 = tpu.memref_slice %arg8[%dma_wait3A_219, %dma_wait3A_227] : memref<7x40xi32, #tpu.memory_space<vmem>> -> memref<1x40xi32, #tpu.memory_space<vmem>>
        %dma_wait3A_229 = tpu.memref_squeeze %dma_wait3A_228 : memref<1x40xi32, #tpu.memory_space<vmem>> -> memref<40xi32, #tpu.memory_space<vmem>>
        %dma_wait3A_230 = tpu.memref_slice %arg4[%add3A_218] : memref<320000xi32, #tpu.memory_space<hbm>> -> memref<40xi32, #tpu.memory_space<hbm>>
        tpu.wait_dma2 semaphore(%dma_wait3A_226 : memref<!tpu.dma_semaphore, #tpu.memory_space<semaphore_mem>>) src(%dma_wait3A_230 : memref<40xi32, #tpu.memory_space<hbm>>) dst(%dma_wait3A_229 : memref<40xi32, #tpu.memory_space<vmem>>)
        %dma_start3A_231 = arith.constant 6 : i32
        %dma_start3A_232 = arith.constant 6 : i32
        %dma_start3A_233 = arith.constant 6 : i32
        %dma_start3A_234 = arith.constant 0 : i32
        %dma_start3A_235 = arith.constant 0 : i32
        %dma_start3A_236 = tpu.memref_slice %arg9[%dma_start3A_231, %dma_start3A_234, %dma_start3A_235] : memref<7x40x128xf32, #tpu.memory_space<vmem>> -> memref<1x40x128xf32, #tpu.memory_space<vmem>>
        %dma_start3A_237 = tpu.memref_squeeze %dma_start3A_236 : memref<1x40x128xf32, #tpu.memory_space<vmem>> -> memref<40x128xf32, #tpu.memory_space<vmem>>
        %dma_start3A_238 = arith.constant 0 : i32
        %dma_start3A_239 = tpu.memref_slice %arg8[%dma_start3A_232, %dma_start3A_238] : memref<7x40xi32, #tpu.memory_space<vmem>> -> memref<1x40xi32, #tpu.memory_space<vmem>>
        %dma_start3A_240 = tpu.memref_squeeze %dma_start3A_239 : memref<1x40xi32, #tpu.memory_space<vmem>> -> memref<40xi32, #tpu.memory_space<vmem>>
        %dma_start3A_241 = arith.constant 0 : i32
        %dma_start3A_242 = arith.constant 0 : i32
        %dma_start3A_243 = tpu.memref_slice %arg10[%dma_start3A_241, %dma_start3A_242] : memref<10000x128xf32, #tpu.memory_space<vmem_shared>> -> memref<10000x128xf32, #tpu.memory_space<vmem_shared>>
        %dma_start3A_244 = tpu.memref_slice %arg13[%dma_start3A_233] : memref<7x!tpu.dma_semaphore, #tpu.memory_space<semaphore_mem>> -> memref<1x!tpu.dma_semaphore, #tpu.memory_space<semaphore_mem>>
        %dma_start3A_245 = tpu.memref_squeeze %dma_start3A_244 : memref<1x!tpu.dma_semaphore, #tpu.memory_space<semaphore_mem>> -> memref<!tpu.dma_semaphore, #tpu.memory_space<semaphore_mem>>
        tpu.enqueue_indirect_dma source(%dma_start3A_237 : memref<40x128xf32, #tpu.memory_space<vmem>>) target(%dma_start3A_243 : memref<10000x128xf32, #tpu.memory_space<vmem_shared>>) offsets(%dma_start3A_240 : memref<40xi32, #tpu.memory_space<vmem>>) semaphore(%dma_start3A_245 : memref<!tpu.dma_semaphore, #tpu.memory_space<semaphore_mem>>) {add = true}
      } else {
      }
      %mul3A_154 = arith.constant 7 : i32
      %mul3A_155 = arith.muli %add3A_31, %mul3A_154 : i32
      %add3A_156 = arith.constant 5 : i32
      %add3A_157 = arith.addi %mul3A_155, %add3A_156 : i32
      %ge3A_158 = arith.constant 7 : i32
      %ge3A_159 = arith.cmpi sge, %add3A_157, %ge3A_158 : i32
      %lt3A_160 = arith.constant 257 : i32
      %lt3A_161 = arith.cmpi slt, %add3A_157, %lt3A_160 : i32
      %and3A_162 = arith.andi %ge3A_159, %lt3A_161 : i1
      %convert_element_type3A_163 = arith.extui %and3A_162 : i1 to i32
      %cond3A_164 = arith.constant 0 : i32
      %cond3A_165 = arith.cmpi ne, %convert_element_type3A_163, %cond3A_164 : i32
      scf.if %cond3A_165 {
        %dma_wait3A_204 = arith.constant 5 : i32
        %dma_wait3A_205 = arith.constant 5 : i32
        %dma_wait3A_206 = arith.constant 5 : i32
        %dma_wait3A_207 = arith.constant 0 : i32
        %dma_wait3A_208 = arith.constant 0 : i32
        %dma_wait3A_209 = tpu.memref_slice %arg9[%dma_wait3A_204, %dma_wait3A_207, %dma_wait3A_208] : memref<7x40x128xf32, #tpu.memory_space<vmem>> -> memref<1x40x128xf32, #tpu.memory_space<vmem>>
        %dma_wait3A_210 = tpu.memref_squeeze %dma_wait3A_209 : memref<1x40x128xf32, #tpu.memory_space<vmem>> -> memref<40x128xf32, #tpu.memory_space<vmem>>
        %dma_wait3A_211 = arith.constant 0 : i32
        %dma_wait3A_212 = tpu.memref_slice %arg8[%dma_wait3A_205, %dma_wait3A_211] : memref<7x40xi32, #tpu.memory_space<vmem>> -> memref<1x40xi32, #tpu.memory_space<vmem>>
        %dma_wait3A_213 = tpu.memref_squeeze %dma_wait3A_212 : memref<1x40xi32, #tpu.memory_space<vmem>> -> memref<40xi32, #tpu.memory_space<vmem>>
        %dma_wait3A_214 = arith.constant 0 : i32
        %dma_wait3A_215 = arith.constant 0 : i32
        %dma_wait3A_216 = tpu.memref_slice %arg10[%dma_wait3A_214, %dma_wait3A_215] : memref<10000x128xf32, #tpu.memory_space<vmem_shared>> -> memref<10000x128xf32, #tpu.memory_space<vmem_shared>>
        %dma_wait3A_217 = tpu.memref_slice %arg13[%dma_wait3A_206] : memref<7x!tpu.dma_semaphore, #tpu.memory_space<semaphore_mem>> -> memref<1x!tpu.dma_semaphore, #tpu.memory_space<semaphore_mem>>
        %dma_wait3A_218 = tpu.memref_squeeze %dma_wait3A_217 : memref<1x!tpu.dma_semaphore, #tpu.memory_space<semaphore_mem>> -> memref<!tpu.dma_semaphore, #tpu.memory_space<semaphore_mem>>
        tpu.wait_indirect_dma semaphore(%dma_wait3A_218 : memref<!tpu.dma_semaphore, #tpu.memory_space<semaphore_mem>>) src(%dma_wait3A_210 : memref<40x128xf32, #tpu.memory_space<vmem>>) dst(%dma_wait3A_216 : memref<10000x128xf32, #tpu.memory_space<vmem_shared>>)
      } else {
      }
      %lt3A_166 = arith.constant 250 : i32
      %lt3A_167 = arith.cmpi slt, %add3A_157, %lt3A_166 : i32
      %convert_element_type3A_168 = arith.extui %lt3A_167 : i1 to i32
      %cond3A_169 = arith.constant 0 : i32
      %cond3A_170 = arith.cmpi ne, %convert_element_type3A_168, %cond3A_169 : i32
      scf.if %cond3A_170 {
        %mul3A_204 = arith.constant 40 : i32
        %mul3A_205 = arith.muli %add3A_157, %mul3A_204 : i32
        %dma_start3A_206 = arith.constant 5 : i32
        %dma_start3A_207 = arith.constant 5 : i32
        %dma_start3A_208 = arith.constant 0 : i32
        %dma_start3A_209 = arith.constant 0 : i32
        %dma_start3A_210 = tpu.memref_slice %arg9[%dma_start3A_206, %dma_start3A_208, %dma_start3A_209] : memref<7x40x128xf32, #tpu.memory_space<vmem>> -> memref<1x40x128xf32, #tpu.memory_space<vmem>>
        %dma_start3A_211 = tpu.memref_squeeze %dma_start3A_210 : memref<1x40x128xf32, #tpu.memory_space<vmem>> -> memref<40x128xf32, #tpu.memory_space<vmem>>
        %dma_start3A_212 = tpu.memref_slice %arg7[%mul3A_205] : memref<10000xi32, #tpu.memory_space<vmem>> -> memref<40xi32, #tpu.memory_space<vmem>>
        %dma_start3A_213 = arith.constant 0 : i32
        %dma_start3A_214 = arith.constant 0 : i32
        %dma_start3A_215 = tpu.memref_slice %arg2[%dma_start3A_213, %dma_start3A_214] : memref<10000x128xf32, #tpu.memory_space<hbm>> -> memref<10000x128xf32, #tpu.memory_space<hbm>>
        %dma_start3A_216 = tpu.memref_slice %arg12[%dma_start3A_207] : memref<7x!tpu.dma_semaphore, #tpu.memory_space<semaphore_mem>> -> memref<1x!tpu.dma_semaphore, #tpu.memory_space<semaphore_mem>>
        %dma_start3A_217 = tpu.memref_squeeze %dma_start3A_216 : memref<1x!tpu.dma_semaphore, #tpu.memory_space<semaphore_mem>> -> memref<!tpu.dma_semaphore, #tpu.memory_space<semaphore_mem>>
        tpu.enqueue_indirect_dma source(%dma_start3A_215 : memref<10000x128xf32, #tpu.memory_space<hbm>>) target(%dma_start3A_211 : memref<40x128xf32, #tpu.memory_space<vmem>>) offsets(%dma_start3A_212 : memref<40xi32, #tpu.memory_space<vmem>>) semaphore(%dma_start3A_217 : memref<!tpu.dma_semaphore, #tpu.memory_space<semaphore_mem>>)
        %mul3A_218 = arith.constant 40 : i32
        %mul3A_219 = arith.muli %add3A_157, %mul3A_218 : i32
        %add3A_220 = arith.addi %mul3A_2, %mul3A_219 : i32
        %dma_start3A_221 = arith.constant 5 : i32
        %dma_start3A_222 = arith.constant 5 : i32
        %dma_start3A_223 = arith.constant 0 : i32
        %dma_start3A_224 = tpu.memref_slice %arg8[%dma_start3A_221, %dma_start3A_223] : memref<7x40xi32, #tpu.memory_space<vmem>> -> memref<1x40xi32, #tpu.memory_space<vmem>>
        %dma_start3A_225 = tpu.memref_squeeze %dma_start3A_224 : memref<1x40xi32, #tpu.memory_space<vmem>> -> memref<40xi32, #tpu.memory_space<vmem>>
        %dma_start3A_226 = tpu.memref_slice %arg4[%add3A_220] : memref<320000xi32, #tpu.memory_space<hbm>> -> memref<40xi32, #tpu.memory_space<hbm>>
        %dma_start3A_227 = tpu.memref_slice %arg11[%dma_start3A_222] : memref<7x!tpu.dma_semaphore, #tpu.memory_space<semaphore_mem>> -> memref<1x!tpu.dma_semaphore, #tpu.memory_space<semaphore_mem>>
        %dma_start3A_228 = tpu.memref_squeeze %dma_start3A_227 : memref<1x!tpu.dma_semaphore, #tpu.memory_space<semaphore_mem>> -> memref<!tpu.dma_semaphore, #tpu.memory_space<semaphore_mem>>
        %dma_start3A_229 = arith.constant 0 : i32
        %dma_start3A_230 = tpu.memref_slice %arg8[%dma_start3A_221, %dma_start3A_229] : memref<7x40xi32, #tpu.memory_space<vmem>> -> memref<1x40xi32, #tpu.memory_space<vmem>>
        %dma_start3A_231 = tpu.memref_squeeze %dma_start3A_230 : memref<1x40xi32, #tpu.memory_space<vmem>> -> memref<40xi32, #tpu.memory_space<vmem>>
        %dma_start3A_232 = tpu.memref_slice %arg4[%add3A_220] : memref<320000xi32, #tpu.memory_space<hbm>> -> memref<40xi32, #tpu.memory_space<hbm>>
        tpu.enqueue_dma source(%dma_start3A_232 : memref<40xi32, #tpu.memory_space<hbm>>) target(%dma_start3A_231 : memref<40xi32, #tpu.memory_space<vmem>>) target_semaphore(%dma_start3A_228 : memref<!tpu.dma_semaphore, #tpu.memory_space<semaphore_mem>>)
      } else {
      }
      %ge3A_171 = arith.constant 5 : i32
      %ge3A_172 = arith.cmpi sge, %add3A_157, %ge3A_171 : i32
      %lt3A_173 = arith.constant 255 : i32
      %lt3A_174 = arith.cmpi slt, %add3A_157, %lt3A_173 : i32
      %and3A_175 = arith.andi %ge3A_172, %lt3A_174 : i1
      %convert_element_type3A_176 = arith.extui %and3A_175 : i1 to i32
      %cond3A_177 = arith.constant 0 : i32
      %cond3A_178 = arith.cmpi ne, %convert_element_type3A_176, %cond3A_177 : i32
      scf.if %cond3A_178 {
        %dma_wait3A_204 = arith.constant 0 : i32
        %dma_wait3A_205 = arith.constant 0 : i32
        %dma_wait3A_206 = arith.constant 0 : i32
        %dma_wait3A_207 = arith.constant 0 : i32
        %dma_wait3A_208 = tpu.memref_slice %arg9[%dma_wait3A_204, %dma_wait3A_206, %dma_wait3A_207] : memref<7x40x128xf32, #tpu.memory_space<vmem>> -> memref<1x40x128xf32, #tpu.memory_space<vmem>>
        %dma_wait3A_209 = tpu.memref_squeeze %dma_wait3A_208 : memref<1x40x128xf32, #tpu.memory_space<vmem>> -> memref<40x128xf32, #tpu.memory_space<vmem>>
        %dma_wait3A_210 = arith.constant 0 : i32
        %dma_wait3A_211 = tpu.memref_slice %arg7[%dma_wait3A_210] : memref<10000xi32, #tpu.memory_space<vmem>> -> memref<40xi32, #tpu.memory_space<vmem>>
        %dma_wait3A_212 = arith.constant 0 : i32
        %dma_wait3A_213 = arith.constant 0 : i32
        %dma_wait3A_214 = tpu.memref_slice %arg2[%dma_wait3A_212, %dma_wait3A_213] : memref<10000x128xf32, #tpu.memory_space<hbm>> -> memref<10000x128xf32, #tpu.memory_space<hbm>>
        %dma_wait3A_215 = tpu.memref_slice %arg12[%dma_wait3A_205] : memref<7x!tpu.dma_semaphore, #tpu.memory_space<semaphore_mem>> -> memref<1x!tpu.dma_semaphore, #tpu.memory_space<semaphore_mem>>
        %dma_wait3A_216 = tpu.memref_squeeze %dma_wait3A_215 : memref<1x!tpu.dma_semaphore, #tpu.memory_space<semaphore_mem>> -> memref<!tpu.dma_semaphore, #tpu.memory_space<semaphore_mem>>
        tpu.wait_indirect_dma semaphore(%dma_wait3A_216 : memref<!tpu.dma_semaphore, #tpu.memory_space<semaphore_mem>>) src(%dma_wait3A_214 : memref<10000x128xf32, #tpu.memory_space<hbm>>) dst(%dma_wait3A_209 : memref<40x128xf32, #tpu.memory_space<vmem>>)
        %add3A_217 = arith.constant 0 : i32
        %add3A_218 = arith.addi %mul3A_2, %add3A_217 : i32
        %dma_wait3A_219 = arith.constant 0 : i32
        %dma_wait3A_220 = arith.constant 0 : i32
        %dma_wait3A_221 = arith.constant 0 : i32
        %dma_wait3A_222 = tpu.memref_slice %arg8[%dma_wait3A_219, %dma_wait3A_221] : memref<7x40xi32, #tpu.memory_space<vmem>> -> memref<1x40xi32, #tpu.memory_space<vmem>>
        %dma_wait3A_223 = tpu.memref_squeeze %dma_wait3A_222 : memref<1x40xi32, #tpu.memory_space<vmem>> -> memref<40xi32, #tpu.memory_space<vmem>>
        %dma_wait3A_224 = tpu.memref_slice %arg4[%add3A_218] : memref<320000xi32, #tpu.memory_space<hbm>> -> memref<40xi32, #tpu.memory_space<hbm>>
        %dma_wait3A_225 = tpu.memref_slice %arg11[%dma_wait3A_220] : memref<7x!tpu.dma_semaphore, #tpu.memory_space<semaphore_mem>> -> memref<1x!tpu.dma_semaphore, #tpu.memory_space<semaphore_mem>>
        %dma_wait3A_226 = tpu.memref_squeeze %dma_wait3A_225 : memref<1x!tpu.dma_semaphore, #tpu.memory_space<semaphore_mem>> -> memref<!tpu.dma_semaphore, #tpu.memory_space<semaphore_mem>>
        %dma_wait3A_227 = arith.constant 0 : i32
        %dma_wait3A_228 = tpu.memref_slice %arg8[%dma_wait3A_219, %dma_wait3A_227] : memref<7x40xi32, #tpu.memory_space<vmem>> -> memref<1x40xi32, #tpu.memory_space<vmem>>
        %dma_wait3A_229 = tpu.memref_squeeze %dma_wait3A_228 : memref<1x40xi32, #tpu.memory_space<vmem>> -> memref<40xi32, #tpu.memory_space<vmem>>
        %dma_wait3A_230 = tpu.memref_slice %arg4[%add3A_218] : memref<320000xi32, #tpu.memory_space<hbm>> -> memref<40xi32, #tpu.memory_space<hbm>>
        tpu.wait_dma2 semaphore(%dma_wait3A_226 : memref<!tpu.dma_semaphore, #tpu.memory_space<semaphore_mem>>) src(%dma_wait3A_230 : memref<40xi32, #tpu.memory_space<hbm>>) dst(%dma_wait3A_229 : memref<40xi32, #tpu.memory_space<vmem>>)
        %dma_start3A_231 = arith.constant 0 : i32
        %dma_start3A_232 = arith.constant 0 : i32
        %dma_start3A_233 = arith.constant 0 : i32
        %dma_start3A_234 = arith.constant 0 : i32
        %dma_start3A_235 = arith.constant 0 : i32
        %dma_start3A_236 = tpu.memref_slice %arg9[%dma_start3A_231, %dma_start3A_234, %dma_start3A_235] : memref<7x40x128xf32, #tpu.memory_space<vmem>> -> memref<1x40x128xf32, #tpu.memory_space<vmem>>
        %dma_start3A_237 = tpu.memref_squeeze %dma_start3A_236 : memref<1x40x128xf32, #tpu.memory_space<vmem>> -> memref<40x128xf32, #tpu.memory_space<vmem>>
        %dma_start3A_238 = arith.constant 0 : i32
        %dma_start3A_239 = tpu.memref_slice %arg8[%dma_start3A_232, %dma_start3A_238] : memref<7x40xi32, #tpu.memory_space<vmem>> -> memref<1x40xi32, #tpu.memory_space<vmem>>
        %dma_start3A_240 = tpu.memref_squeeze %dma_start3A_239 : memref<1x40xi32, #tpu.memory_space<vmem>> -> memref<40xi32, #tpu.memory_space<vmem>>
        %dma_start3A_241 = arith.constant 0 : i32
        %dma_start3A_242 = arith.constant 0 : i32
        %dma_start3A_243 = tpu.memref_slice %arg10[%dma_start3A_241, %dma_start3A_242] : memref<10000x128xf32, #tpu.memory_space<vmem_shared>> -> memref<10000x128xf32, #tpu.memory_space<vmem_shared>>
        %dma_start3A_244 = tpu.memref_slice %arg13[%dma_start3A_233] : memref<7x!tpu.dma_semaphore, #tpu.memory_space<semaphore_mem>> -> memref<1x!tpu.dma_semaphore, #tpu.memory_space<semaphore_mem>>
        %dma_start3A_245 = tpu.memref_squeeze %dma_start3A_244 : memref<1x!tpu.dma_semaphore, #tpu.memory_space<semaphore_mem>> -> memref<!tpu.dma_semaphore, #tpu.memory_space<semaphore_mem>>
        tpu.enqueue_indirect_dma source(%dma_start3A_237 : memref<40x128xf32, #tpu.memory_space<vmem>>) target(%dma_start3A_243 : memref<10000x128xf32, #tpu.memory_space<vmem_shared>>) offsets(%dma_start3A_240 : memref<40xi32, #tpu.memory_space<vmem>>) semaphore(%dma_start3A_245 : memref<!tpu.dma_semaphore, #tpu.memory_space<semaphore_mem>>) {add = true}
      } else {
      }
      %mul3A_179 = arith.constant 7 : i32
      %mul3A_180 = arith.muli %add3A_31, %mul3A_179 : i32
      %add3A_181 = arith.constant 6 : i32
      %add3A_182 = arith.addi %mul3A_180, %add3A_181 : i32
      %ge3A_183 = arith.constant 7 : i32
      %ge3A_184 = arith.cmpi sge, %add3A_182, %ge3A_183 : i32
      %lt3A_185 = arith.constant 257 : i32
      %lt3A_186 = arith.cmpi slt, %add3A_182, %lt3A_185 : i32
      %and3A_187 = arith.andi %ge3A_184, %lt3A_186 : i1
      %convert_element_type3A_188 = arith.extui %and3A_187 : i1 to i32
      %cond3A_189 = arith.constant 0 : i32
      %cond3A_190 = arith.cmpi ne, %convert_element_type3A_188, %cond3A_189 : i32
      scf.if %cond3A_190 {
        %dma_wait3A_204 = arith.constant 6 : i32
        %dma_wait3A_205 = arith.constant 6 : i32
        %dma_wait3A_206 = arith.constant 6 : i32
        %dma_wait3A_207 = arith.constant 0 : i32
        %dma_wait3A_208 = arith.constant 0 : i32
        %dma_wait3A_209 = tpu.memref_slice %arg9[%dma_wait3A_204, %dma_wait3A_207, %dma_wait3A_208] : memref<7x40x128xf32, #tpu.memory_space<vmem>> -> memref<1x40x128xf32, #tpu.memory_space<vmem>>
        %dma_wait3A_210 = tpu.memref_squeeze %dma_wait3A_209 : memref<1x40x128xf32, #tpu.memory_space<vmem>> -> memref<40x128xf32, #tpu.memory_space<vmem>>
        %dma_wait3A_211 = arith.constant 0 : i32
        %dma_wait3A_212 = tpu.memref_slice %arg8[%dma_wait3A_205, %dma_wait3A_211] : memref<7x40xi32, #tpu.memory_space<vmem>> -> memref<1x40xi32, #tpu.memory_space<vmem>>
        %dma_wait3A_213 = tpu.memref_squeeze %dma_wait3A_212 : memref<1x40xi32, #tpu.memory_space<vmem>> -> memref<40xi32, #tpu.memory_space<vmem>>
        %dma_wait3A_214 = arith.constant 0 : i32
        %dma_wait3A_215 = arith.constant 0 : i32
        %dma_wait3A_216 = tpu.memref_slice %arg10[%dma_wait3A_214, %dma_wait3A_215] : memref<10000x128xf32, #tpu.memory_space<vmem_shared>> -> memref<10000x128xf32, #tpu.memory_space<vmem_shared>>
        %dma_wait3A_217 = tpu.memref_slice %arg13[%dma_wait3A_206] : memref<7x!tpu.dma_semaphore, #tpu.memory_space<semaphore_mem>> -> memref<1x!tpu.dma_semaphore, #tpu.memory_space<semaphore_mem>>
        %dma_wait3A_218 = tpu.memref_squeeze %dma_wait3A_217 : memref<1x!tpu.dma_semaphore, #tpu.memory_space<semaphore_mem>> -> memref<!tpu.dma_semaphore, #tpu.memory_space<semaphore_mem>>
        tpu.wait_indirect_dma semaphore(%dma_wait3A_218 : memref<!tpu.dma_semaphore, #tpu.memory_space<semaphore_mem>>) src(%dma_wait3A_210 : memref<40x128xf32, #tpu.memory_space<vmem>>) dst(%dma_wait3A_216 : memref<10000x128xf32, #tpu.memory_space<vmem_shared>>)
      } else {
      }
      %lt3A_191 = arith.constant 250 : i32
      %lt3A_192 = arith.cmpi slt, %add3A_182, %lt3A_191 : i32
      %convert_element_type3A_193 = arith.extui %lt3A_192 : i1 to i32
      %cond3A_194 = arith.constant 0 : i32
      %cond3A_195 = arith.cmpi ne, %convert_element_type3A_193, %cond3A_194 : i32
      scf.if %cond3A_195 {
        %mul3A_204 = arith.constant 40 : i32
        %mul3A_205 = arith.muli %add3A_182, %mul3A_204 : i32
        %dma_start3A_206 = arith.constant 6 : i32
        %dma_start3A_207 = arith.constant 6 : i32
        %dma_start3A_208 = arith.constant 0 : i32
        %dma_start3A_209 = arith.constant 0 : i32
        %dma_start3A_210 = tpu.memref_slice %arg9[%dma_start3A_206, %dma_start3A_208, %dma_start3A_209] : memref<7x40x128xf32, #tpu.memory_space<vmem>> -> memref<1x40x128xf32, #tpu.memory_space<vmem>>
        %dma_start3A_211 = tpu.memref_squeeze %dma_start3A_210 : memref<1x40x128xf32, #tpu.memory_space<vmem>> -> memref<40x128xf32, #tpu.memory_space<vmem>>
        %dma_start3A_212 = tpu.memref_slice %arg7[%mul3A_205] : memref<10000xi32, #tpu.memory_space<vmem>> -> memref<40xi32, #tpu.memory_space<vmem>>
        %dma_start3A_213 = arith.constant 0 : i32
        %dma_start3A_214 = arith.constant 0 : i32
        %dma_start3A_215 = tpu.memref_slice %arg2[%dma_start3A_213, %dma_start3A_214] : memref<10000x128xf32, #tpu.memory_space<hbm>> -> memref<10000x128xf32, #tpu.memory_space<hbm>>
        %dma_start3A_216 = tpu.memref_slice %arg12[%dma_start3A_207] : memref<7x!tpu.dma_semaphore, #tpu.memory_space<semaphore_mem>> -> memref<1x!tpu.dma_semaphore, #tpu.memory_space<semaphore_mem>>
        %dma_start3A_217 = tpu.memref_squeeze %dma_start3A_216 : memref<1x!tpu.dma_semaphore, #tpu.memory_space<semaphore_mem>> -> memref<!tpu.dma_semaphore, #tpu.memory_space<semaphore_mem>>
        tpu.enqueue_indirect_dma source(%dma_start3A_215 : memref<10000x128xf32, #tpu.memory_space<hbm>>) target(%dma_start3A_211 : memref<40x128xf32, #tpu.memory_space<vmem>>) offsets(%dma_start3A_212 : memref<40xi32, #tpu.memory_space<vmem>>) semaphore(%dma_start3A_217 : memref<!tpu.dma_semaphore, #tpu.memory_space<semaphore_mem>>)
        %mul3A_218 = arith.constant 40 : i32
        %mul3A_219 = arith.muli %add3A_182, %mul3A_218 : i32
        %add3A_220 = arith.addi %mul3A_2, %mul3A_219 : i32
        %dma_start3A_221 = arith.constant 6 : i32
        %dma_start3A_222 = arith.constant 6 : i32
        %dma_start3A_223 = arith.constant 0 : i32
        %dma_start3A_224 = tpu.memref_slice %arg8[%dma_start3A_221, %dma_start3A_223] : memref<7x40xi32, #tpu.memory_space<vmem>> -> memref<1x40xi32, #tpu.memory_space<vmem>>
        %dma_start3A_225 = tpu.memref_squeeze %dma_start3A_224 : memref<1x40xi32, #tpu.memory_space<vmem>> -> memref<40xi32, #tpu.memory_space<vmem>>
        %dma_start3A_226 = tpu.memref_slice %arg4[%add3A_220] : memref<320000xi32, #tpu.memory_space<hbm>> -> memref<40xi32, #tpu.memory_space<hbm>>
        %dma_start3A_227 = tpu.memref_slice %arg11[%dma_start3A_222] : memref<7x!tpu.dma_semaphore, #tpu.memory_space<semaphore_mem>> -> memref<1x!tpu.dma_semaphore, #tpu.memory_space<semaphore_mem>>
        %dma_start3A_228 = tpu.memref_squeeze %dma_start3A_227 : memref<1x!tpu.dma_semaphore, #tpu.memory_space<semaphore_mem>> -> memref<!tpu.dma_semaphore, #tpu.memory_space<semaphore_mem>>
        %dma_start3A_229 = arith.constant 0 : i32
        %dma_start3A_230 = tpu.memref_slice %arg8[%dma_start3A_221, %dma_start3A_229] : memref<7x40xi32, #tpu.memory_space<vmem>> -> memref<1x40xi32, #tpu.memory_space<vmem>>
        %dma_start3A_231 = tpu.memref_squeeze %dma_start3A_230 : memref<1x40xi32, #tpu.memory_space<vmem>> -> memref<40xi32, #tpu.memory_space<vmem>>
        %dma_start3A_232 = tpu.memref_slice %arg4[%add3A_220] : memref<320000xi32, #tpu.memory_space<hbm>> -> memref<40xi32, #tpu.memory_space<hbm>>
        tpu.enqueue_dma source(%dma_start3A_232 : memref<40xi32, #tpu.memory_space<hbm>>) target(%dma_start3A_231 : memref<40xi32, #tpu.memory_space<vmem>>) target_semaphore(%dma_start3A_228 : memref<!tpu.dma_semaphore, #tpu.memory_space<semaphore_mem>>)
      } else {
      }
      %ge3A_196 = arith.constant 5 : i32
      %ge3A_197 = arith.cmpi sge, %add3A_182, %ge3A_196 : i32
      %lt3A_198 = arith.constant 255 : i32
      %lt3A_199 = arith.cmpi slt, %add3A_182, %lt3A_198 : i32
      %and3A_200 = arith.andi %ge3A_197, %lt3A_199 : i1
      %convert_element_type3A_201 = arith.extui %and3A_200 : i1 to i32
      %cond3A_202 = arith.constant 0 : i32
      %cond3A_203 = arith.cmpi ne, %convert_element_type3A_201, %cond3A_202 : i32
      scf.if %cond3A_203 {
        %dma_wait3A_204 = arith.constant 1 : i32
        %dma_wait3A_205 = arith.constant 1 : i32
        %dma_wait3A_206 = arith.constant 0 : i32
        %dma_wait3A_207 = arith.constant 0 : i32
        %dma_wait3A_208 = tpu.memref_slice %arg9[%dma_wait3A_204, %dma_wait3A_206, %dma_wait3A_207] : memref<7x40x128xf32, #tpu.memory_space<vmem>> -> memref<1x40x128xf32, #tpu.memory_space<vmem>>
        %dma_wait3A_209 = tpu.memref_squeeze %dma_wait3A_208 : memref<1x40x128xf32, #tpu.memory_space<vmem>> -> memref<40x128xf32, #tpu.memory_space<vmem>>
        %dma_wait3A_210 = arith.constant 0 : i32
        %dma_wait3A_211 = tpu.memref_slice %arg7[%dma_wait3A_210] : memref<10000xi32, #tpu.memory_space<vmem>> -> memref<40xi32, #tpu.memory_space<vmem>>
        %dma_wait3A_212 = arith.constant 0 : i32
        %dma_wait3A_213 = arith.constant 0 : i32
        %dma_wait3A_214 = tpu.memref_slice %arg2[%dma_wait3A_212, %dma_wait3A_213] : memref<10000x128xf32, #tpu.memory_space<hbm>> -> memref<10000x128xf32, #tpu.memory_space<hbm>>
        %dma_wait3A_215 = tpu.memref_slice %arg12[%dma_wait3A_205] : memref<7x!tpu.dma_semaphore, #tpu.memory_space<semaphore_mem>> -> memref<1x!tpu.dma_semaphore, #tpu.memory_space<semaphore_mem>>
        %dma_wait3A_216 = tpu.memref_squeeze %dma_wait3A_215 : memref<1x!tpu.dma_semaphore, #tpu.memory_space<semaphore_mem>> -> memref<!tpu.dma_semaphore, #tpu.memory_space<semaphore_mem>>
        tpu.wait_indirect_dma semaphore(%dma_wait3A_216 : memref<!tpu.dma_semaphore, #tpu.memory_space<semaphore_mem>>) src(%dma_wait3A_214 : memref<10000x128xf32, #tpu.memory_space<hbm>>) dst(%dma_wait3A_209 : memref<40x128xf32, #tpu.memory_space<vmem>>)
        %add3A_217 = arith.constant 0 : i32
        %add3A_218 = arith.addi %mul3A_2, %add3A_217 : i32
        %dma_wait3A_219 = arith.constant 1 : i32
        %dma_wait3A_220 = arith.constant 1 : i32
        %dma_wait3A_221 = arith.constant 0 : i32
        %dma_wait3A_222 = tpu.memref_slice %arg8[%dma_wait3A_219, %dma_wait3A_221] : memref<7x40xi32, #tpu.memory_space<vmem>> -> memref<1x40xi32, #tpu.memory_space<vmem>>
        %dma_wait3A_223 = tpu.memref_squeeze %dma_wait3A_222 : memref<1x40xi32, #tpu.memory_space<vmem>> -> memref<40xi32, #tpu.memory_space<vmem>>
        %dma_wait3A_224 = tpu.memref_slice %arg4[%add3A_218] : memref<320000xi32, #tpu.memory_space<hbm>> -> memref<40xi32, #tpu.memory_space<hbm>>
        %dma_wait3A_225 = tpu.memref_slice %arg11[%dma_wait3A_220] : memref<7x!tpu.dma_semaphore, #tpu.memory_space<semaphore_mem>> -> memref<1x!tpu.dma_semaphore, #tpu.memory_space<semaphore_mem>>
        %dma_wait3A_226 = tpu.memref_squeeze %dma_wait3A_225 : memref<1x!tpu.dma_semaphore, #tpu.memory_space<semaphore_mem>> -> memref<!tpu.dma_semaphore, #tpu.memory_space<semaphore_mem>>
        %dma_wait3A_227 = arith.constant 0 : i32
        %dma_wait3A_228 = tpu.memref_slice %arg8[%dma_wait3A_219, %dma_wait3A_227] : memref<7x40xi32, #tpu.memory_space<vmem>> -> memref<1x40xi32, #tpu.memory_space<vmem>>
        %dma_wait3A_229 = tpu.memref_squeeze %dma_wait3A_228 : memref<1x40xi32, #tpu.memory_space<vmem>> -> memref<40xi32, #tpu.memory_space<vmem>>
        %dma_wait3A_230 = tpu.memref_slice %arg4[%add3A_218] : memref<320000xi32, #tpu.memory_space<hbm>> -> memref<40xi32, #tpu.memory_space<hbm>>
        tpu.wait_dma2 semaphore(%dma_wait3A_226 : memref<!tpu.dma_semaphore, #tpu.memory_space<semaphore_mem>>) src(%dma_wait3A_230 : memref<40xi32, #tpu.memory_space<hbm>>) dst(%dma_wait3A_229 : memref<40xi32, #tpu.memory_space<vmem>>)
        %dma_start3A_231 = arith.constant 1 : i32
        %dma_start3A_232 = arith.constant 1 : i32
        %dma_start3A_233 = arith.constant 1 : i32
        %dma_start3A_234 = arith.constant 0 : i32
        %dma_start3A_235 = arith.constant 0 : i32
        %dma_start3A_236 = tpu.memref_slice %arg9[%dma_start3A_231, %dma_start3A_234, %dma_start3A_235] : memref<7x40x128xf32, #tpu.memory_space<vmem>> -> memref<1x40x128xf32, #tpu.memory_space<vmem>>
        %dma_start3A_237 = tpu.memref_squeeze %dma_start3A_236 : memref<1x40x128xf32, #tpu.memory_space<vmem>> -> memref<40x128xf32, #tpu.memory_space<vmem>>
        %dma_start3A_238 = arith.constant 0 : i32
        %dma_start3A_239 = tpu.memref_slice %arg8[%dma_start3A_232, %dma_start3A_238] : memref<7x40xi32, #tpu.memory_space<vmem>> -> memref<1x40xi32, #tpu.memory_space<vmem>>
        %dma_start3A_240 = tpu.memref_squeeze %dma_start3A_239 : memref<1x40xi32, #tpu.memory_space<vmem>> -> memref<40xi32, #tpu.memory_space<vmem>>
        %dma_start3A_241 = arith.constant 0 : i32
        %dma_start3A_242 = arith.constant 0 : i32
        %dma_start3A_243 = tpu.memref_slice %arg10[%dma_start3A_241, %dma_start3A_242] : memref<10000x128xf32, #tpu.memory_space<vmem_shared>> -> memref<10000x128xf32, #tpu.memory_space<vmem_shared>>
        %dma_start3A_244 = tpu.memref_slice %arg13[%dma_start3A_233] : memref<7x!tpu.dma_semaphore, #tpu.memory_space<semaphore_mem>> -> memref<1x!tpu.dma_semaphore, #tpu.memory_space<semaphore_mem>>
        %dma_start3A_245 = tpu.memref_squeeze %dma_start3A_244 : memref<1x!tpu.dma_semaphore, #tpu.memory_space<semaphore_mem>> -> memref<!tpu.dma_semaphore, #tpu.memory_space<semaphore_mem>>
        tpu.enqueue_indirect_dma source(%dma_start3A_237 : memref<40x128xf32, #tpu.memory_space<vmem>>) target(%dma_start3A_243 : memref<10000x128xf32, #tpu.memory_space<vmem_shared>>) offsets(%dma_start3A_240 : memref<40xi32, #tpu.memory_space<vmem>>) semaphore(%dma_start3A_245 : memref<!tpu.dma_semaphore, #tpu.memory_space<semaphore_mem>>) {add = true}
      } else {
      }
    }
    %scan3A_16 = arith.constant 37 : i32
    %barrier3A_17 = arith.constant 0 : index
    tpu.barrier barrier_id(%barrier3A_17)
    %mul3A_18 = arith.constant 624 : i32
    %mul3A_19 = arith.muli %arg1, %mul3A_18 : i32
    %mul3A_20 = arith.constant 624 : i32
    %mul3A_21 = arith.muli %arg1, %mul3A_20 : i32
    "tpu.region"() ({
      %run_scoped3A = tpu.sem_alloc : memref<!tpu.dma_semaphore, #tpu.memory_space<semaphore_mem>>
      %dma_start3A_27 = arith.constant 0 : i32
      %dma_start3A_28 = tpu.memref_slice %arg6[%arg0, %mul3A_21, %dma_start3A_27] : memref<2x10000x128xf32, #tpu.memory_space<hbm>> -> memref<1x624x128xf32, #tpu.memory_space<hbm>>
      %dma_start3A_29 = tpu.memref_squeeze %dma_start3A_28 : memref<1x624x128xf32, #tpu.memory_space<hbm>> -> memref<624x128xf32, #tpu.memory_space<hbm>>
      %dma_start3A_30 = arith.constant 0 : i32
      %dma_start3A_31 = tpu.memref_slice %arg10[%mul3A_19, %dma_start3A_30] : memref<10000x128xf32, #tpu.memory_space<vmem_shared>> -> memref<624x128xf32, #tpu.memory_space<vmem_shared>>
      tpu.enqueue_dma source(%dma_start3A_31 : memref<624x128xf32, #tpu.memory_space<vmem_shared>>) target(%dma_start3A_29 : memref<624x128xf32, #tpu.memory_space<hbm>>) target_semaphore(%run_scoped3A : memref<!tpu.dma_semaphore, #tpu.memory_space<semaphore_mem>>)
      %dma_wait3A_32 = arith.constant 0 : i32
      %dma_wait3A_33 = tpu.memref_slice %arg6[%arg0, %mul3A_21, %dma_wait3A_32] : memref<2x10000x128xf32, #tpu.memory_space<hbm>> -> memref<1x624x128xf32, #tpu.memory_space<hbm>>
      %dma_wait3A_34 = tpu.memref_squeeze %dma_wait3A_33 : memref<1x624x128xf32, #tpu.memory_space<hbm>> -> memref<624x128xf32, #tpu.memory_space<hbm>>
      %dma_wait3A_35 = arith.constant 0 : i32
      %dma_wait3A_36 = tpu.memref_slice %arg10[%mul3A_19, %dma_wait3A_35] : memref<10000x128xf32, #tpu.memory_space<vmem_shared>> -> memref<624x128xf32, #tpu.memory_space<vmem_shared>>
      tpu.wait_dma2 semaphore(%run_scoped3A : memref<!tpu.dma_semaphore, #tpu.memory_space<semaphore_mem>>) src(%dma_wait3A_36 : memref<624x128xf32, #tpu.memory_space<vmem_shared>>) dst(%dma_wait3A_34 : memref<624x128xf32, #tpu.memory_space<hbm>>)
      tpu.yield
    }) : () -> ()
    %eq3A_22 = arith.constant 15 : i32
    %eq3A_23 = arith.cmpi eq, %arg1, %eq3A_22 : i32
    %convert_element_type3A_24 = arith.extui %eq3A_23 : i1 to i32
    %cond3A_25 = arith.constant 0 : i32
    %cond3A_26 = arith.cmpi ne, %convert_element_type3A_24, %cond3A_25 : i32
    scf.if %cond3A_26 {
      "tpu.region"() ({
        %run_scoped3A = tpu.sem_alloc : memref<!tpu.dma_semaphore, #tpu.memory_space<semaphore_mem>>
        %dma_start3A_27 = arith.constant 9984 : i32
        %dma_start3A_28 = arith.constant 0 : i32
        %dma_start3A_29 = tpu.memref_slice %arg6[%arg0, %dma_start3A_27, %dma_start3A_28] : memref<2x10000x128xf32, #tpu.memory_space<hbm>> -> memref<1x16x128xf32, #tpu.memory_space<hbm>>
        %dma_start3A_30 = tpu.memref_squeeze %dma_start3A_29 : memref<1x16x128xf32, #tpu.memory_space<hbm>> -> memref<16x128xf32, #tpu.memory_space<hbm>>
        %dma_start3A_31 = arith.constant 9984 : i32
        %dma_start3A_32 = arith.constant 0 : i32
        %dma_start3A_33 = tpu.memref_slice %arg10[%dma_start3A_31, %dma_start3A_32] : memref<10000x128xf32, #tpu.memory_space<vmem_shared>> -> memref<16x128xf32, #tpu.memory_space<vmem_shared>>
        tpu.enqueue_dma source(%dma_start3A_33 : memref<16x128xf32, #tpu.memory_space<vmem_shared>>) target(%dma_start3A_30 : memref<16x128xf32, #tpu.memory_space<hbm>>) target_semaphore(%run_scoped3A : memref<!tpu.dma_semaphore, #tpu.memory_space<semaphore_mem>>)
        %dma_wait3A_34 = arith.constant 9984 : i32
        %dma_wait3A_35 = arith.constant 0 : i32
        %dma_wait3A_36 = tpu.memref_slice %arg6[%arg0, %dma_wait3A_34, %dma_wait3A_35] : memref<2x10000x128xf32, #tpu.memory_space<hbm>> -> memref<1x16x128xf32, #tpu.memory_space<hbm>>
        %dma_wait3A_37 = tpu.memref_squeeze %dma_wait3A_36 : memref<1x16x128xf32, #tpu.memory_space<hbm>> -> memref<16x128xf32, #tpu.memory_space<hbm>>
        %dma_wait3A_38 = arith.constant 9984 : i32
        %dma_wait3A_39 = arith.constant 0 : i32
        %dma_wait3A_40 = tpu.memref_slice %arg10[%dma_wait3A_38, %dma_wait3A_39] : memref<10000x128xf32, #tpu.memory_space<vmem_shared>> -> memref<16x128xf32, #tpu.memory_space<vmem_shared>>
        tpu.wait_dma2 semaphore(%run_scoped3A : memref<!tpu.dma_semaphore, #tpu.memory_space<semaphore_mem>>) src(%dma_wait3A_40 : memref<16x128xf32, #tpu.memory_space<vmem_shared>>) dst(%dma_wait3A_37 : memref<16x128xf32, #tpu.memory_space<hbm>>)
        tpu.yield
      }) : () -> ()
    } else {
    }
    return
  }
}

module attributes {stable_mosaic.version = 14 : i64} {
  func.func @_mlp1_body(%arg0: i32, %arg1: memref<1x5000x128xf32, #tpu.memory_space<vmem>>, %arg2: memref<1x5000x128xf32, #tpu.memory_space<vmem>>, %arg3: memref<128x128xf32, #tpu.memory_space<vmem>>, %arg4: memref<1x128xf32, #tpu.memory_space<vmem>>, %arg5: memref<128x128xf32, #tpu.memory_space<vmem>>, %arg6: memref<1x128xf32, #tpu.memory_space<vmem>>, %arg7: memref<5000x128xf32, #tpu.memory_space<vmem>>) attributes {dimension_semantics = [#tpu.dimension_semantics<arbitrary>], iteration_bounds = array<i64: 2>, scalar_prefetch = 0 : i64, scratch_operands = 0 : i64, tpu.core_type = #tpu.core_type<tc>, window_params = [{transform_indices = @transform_0, window_bounds = array<i64: 1, 5000, 128>}, {transform_indices = @transform_1, window_bounds = array<i64: 1, 5000, 128>}, {pipeline_mode = #tpu.pipeline_mode<synchronous>, transform_indices = @transform_2, window_bounds = array<i64: 128, 128>}, {pipeline_mode = #tpu.pipeline_mode<synchronous>, transform_indices = @transform_3, window_bounds = array<i64: 1, 128>}, {pipeline_mode = #tpu.pipeline_mode<synchronous>, transform_indices = @transform_4, window_bounds = array<i64: 128, 128>}, {pipeline_mode = #tpu.pipeline_mode<synchronous>, transform_indices = @transform_5, window_bounds = array<i64: 1, 128>}, {transform_indices = @transform_6, window_bounds = array<i64: 5000, 128>}]} {
    %get3A = arith.constant 0 : index
    %get3A_0 = arith.constant 0 : index
    %get3A_1 = arith.constant 0 : index
    %get3A_2 = vector.load %arg1[%get3A, %get3A_0, %get3A_1] : memref<1x5000x128xf32, #tpu.memory_space<vmem>>, vector<1x5000x128xf32>
    %get3A_3 = vector.shape_cast %get3A_2 : vector<1x5000x128xf32> to vector<5000x128xf32>
    %get3A_4 = arith.constant 0 : index
    %get3A_5 = arith.constant 0 : index
    %get3A_6 = arith.constant 0 : index
    %get3A_7 = vector.load %arg2[%get3A_4, %get3A_5, %get3A_6] : memref<1x5000x128xf32, #tpu.memory_space<vmem>>, vector<1x5000x128xf32>
    %get3A_8 = vector.shape_cast %get3A_7 : vector<1x5000x128xf32> to vector<5000x128xf32>
    %add3A = arith.addf %get3A_3, %get3A_8 : vector<5000x128xf32>
    %get3A_9 = arith.constant 0 : index
    %get3A_10 = arith.constant 0 : index
    %get3A_11 = vector.load %arg3[%get3A_9, %get3A_10] : memref<128x128xf32, #tpu.memory_space<vmem>>, vector<128x128xf32>
    %dot_general3A = arith.constant dense<0.000000e+00> : vector<5000x128xf32>
    %dot_general3A_12 = tpu.matmul %add3A, %get3A_11, %dot_general3A {dimension_numbers = #tpu.dot_dimension_numbers<[1], [0], [0], [1], [0, 0, 1, 1], [], []>, transpose_lhs_hint = false} : vector<5000x128xf32>, vector<128x128xf32>, vector<5000x128xf32> -> vector<5000x128xf32>
    %get3A_13 = arith.constant 0 : index
    %get3A_14 = arith.constant 0 : index
    %get3A_15 = vector.load %arg4[%get3A_13, %get3A_14] : memref<1x128xf32, #tpu.memory_space<vmem>>, vector<1x128xf32>
    %add3A_16 = vector.broadcast %get3A_15 : vector<1x128xf32> to vector<5000x128xf32>
    %add3A_17 = arith.addf %dot_general3A_12, %add3A_16 : vector<5000x128xf32>
    %gt3A = arith.constant 0.000000e+00 : f32
    %gt3A_18 = vector.broadcast %gt3A : f32 to vector<5000x128xf32>
    %gt3A_19 = arith.cmpf ogt, %add3A_17, %gt3A_18 : vector<5000x128xf32>
    %min3A = arith.constant 0.000000e+00 : f32
    %min3A_20 = vector.broadcast %min3A : f32 to vector<5000x128xf32>
    %min3A_21 = arith.minimumf %add3A_17, %min3A_20 : vector<5000x128xf32>
    %exp3A = math.exp %min3A_21 : vector<5000x128xf32>
    %sub3A = arith.constant 1.000000e+00 : f32
    %sub3A_22 = vector.broadcast %sub3A : f32 to vector<5000x128xf32>
    %sub3A_23 = arith.subf %exp3A, %sub3A_22 : vector<5000x128xf32>
    %select_n3A = arith.select %gt3A_19, %add3A_17, %sub3A_23 : vector<5000x128xi1>, vector<5000x128xf32>
    %get3A_24 = arith.constant 0 : index
    %get3A_25 = arith.constant 0 : index
    %get3A_26 = vector.load %arg5[%get3A_24, %get3A_25] : memref<128x128xf32, #tpu.memory_space<vmem>>, vector<128x128xf32>
    %dot_general3A_27 = arith.constant dense<0.000000e+00> : vector<5000x128xf32>
    %dot_general3A_28 = tpu.matmul %select_n3A, %get3A_26, %dot_general3A_27 {dimension_numbers = #tpu.dot_dimension_numbers<[1], [0], [0], [1], [0, 0, 1, 1], [], []>, transpose_lhs_hint = false} : vector<5000x128xf32>, vector<128x128xf32>, vector<5000x128xf32> -> vector<5000x128xf32>
    %get3A_29 = arith.constant 0 : index
    %get3A_30 = arith.constant 0 : index
    %get3A_31 = vector.load %arg6[%get3A_29, %get3A_30] : memref<1x128xf32, #tpu.memory_space<vmem>>, vector<1x128xf32>
    %add3A_32 = vector.broadcast %get3A_31 : vector<1x128xf32> to vector<5000x128xf32>
    %add3A_33 = arith.addf %dot_general3A_28, %add3A_32 : vector<5000x128xf32>
    %gt3A_34 = arith.constant 0.000000e+00 : f32
    %gt3A_35 = vector.broadcast %gt3A_34 : f32 to vector<5000x128xf32>
    %gt3A_36 = arith.cmpf ogt, %add3A_33, %gt3A_35 : vector<5000x128xf32>
    %min3A_37 = arith.constant 0.000000e+00 : f32
    %min3A_38 = vector.broadcast %min3A_37 : f32 to vector<5000x128xf32>
    %min3A_39 = arith.minimumf %add3A_33, %min3A_38 : vector<5000x128xf32>
    %exp3A_40 = math.exp %min3A_39 : vector<5000x128xf32>
    %sub3A_41 = arith.constant 1.000000e+00 : f32
    %sub3A_42 = vector.broadcast %sub3A_41 : f32 to vector<5000x128xf32>
    %sub3A_43 = arith.subf %exp3A_40, %sub3A_42 : vector<5000x128xf32>
    %select_n3A_44 = arith.select %gt3A_36, %add3A_33, %sub3A_43 : vector<5000x128xi1>, vector<5000x128xf32>
    %swap3A = arith.constant 0 : index
    %swap3A_45 = arith.constant 0 : index
    %swap3A_46 = vector.load %arg7[%swap3A, %swap3A_45] : memref<5000x128xf32, #tpu.memory_space<vmem>>, vector<5000x128xf32>
    tpu.vector_store %arg7[%swap3A, %swap3A_45], %select_n3A_44 {strides = array<i32>} : memref<5000x128xf32, #tpu.memory_space<vmem>>, vector<5000x128xf32>,
    return
  }
  func.func @transform_0(%arg0: i32) -> (i32, i32, i32) {
    %c0_i32 = arith.constant 0 : i32
    %c0_i32_0 = arith.constant 0 : i32
    %c0_i32_1 = arith.constant 0 : i32
    return %c0_i32, %arg0, %c0_i32_0 : i32, i32, i32
  }
  func.func @transform_1(%arg0: i32) -> (i32, i32, i32) {
    %c1_i32 = arith.constant 1 : i32
    %c0_i32 = arith.constant 0 : i32
    %c0_i32_0 = arith.constant 0 : i32
    return %c1_i32, %arg0, %c0_i32 : i32, i32, i32
  }
  func.func @transform_2(%arg0: i32) -> (i32, i32) {
    %c0_i32 = arith.constant 0 : i32
    %c0_i32_0 = arith.constant 0 : i32
    %c0_i32_1 = arith.constant 0 : i32
    return %c0_i32, %c0_i32_0 : i32, i32
  }
  func.func @transform_3(%arg0: i32) -> (i32, i32) {
    %c0_i32 = arith.constant 0 : i32
    %c0_i32_0 = arith.constant 0 : i32
    %c0_i32_1 = arith.constant 0 : i32
    return %c0_i32, %c0_i32_0 : i32, i32
  }
  func.func @transform_4(%arg0: i32) -> (i32, i32) {
    %c0_i32 = arith.constant 0 : i32
    %c0_i32_0 = arith.constant 0 : i32
    %c0_i32_1 = arith.constant 0 : i32
    return %c0_i32, %c0_i32_0 : i32, i32
  }
  func.func @transform_5(%arg0: i32) -> (i32, i32) {
    %c0_i32 = arith.constant 0 : i32
    %c0_i32_0 = arith.constant 0 : i32
    %c0_i32_1 = arith.constant 0 : i32
    return %c0_i32, %c0_i32_0 : i32, i32
  }
  func.func @transform_6(%arg0: i32) -> (i32, i32) {
    %c0_i32 = arith.constant 0 : i32
    %c0_i32_0 = arith.constant 0 : i32
    return %arg0, %c0_i32 : i32, i32
  }
}

module attributes {stable_mosaic.version = 14 : i64} {
  func.func @_mlp2_body(%arg0: i32, %arg1: memref<1x5000x128xf32, #tpu.memory_space<vmem>>, %arg2: memref<1x5000x128xf32, #tpu.memory_space<vmem>>, %arg3: memref<5000x1xi32, #tpu.memory_space<vmem>>, %arg4: memref<128x128xf32, #tpu.memory_space<vmem>>, %arg5: memref<1x128xf32, #tpu.memory_space<vmem>>, %arg6: memref<128x128xf32, #tpu.memory_space<vmem>>, %arg7: memref<1x128xf32, #tpu.memory_space<vmem>>, %arg8: memref<128x128xf32, #tpu.memory_space<vmem>>, %arg9: memref<1x128xf32, #tpu.memory_space<vmem>>, %arg10: memref<128x64xf32, #tpu.memory_space<vmem>>, %arg11: memref<1x64xf32, #tpu.memory_space<vmem>>, %arg12: memref<64x10xf32, #tpu.memory_space<vmem>>, %arg13: memref<1x10xf32, #tpu.memory_space<vmem>>, %arg14: memref<16x10xf32, #tpu.memory_space<vmem>>, %arg15: memref<16x128xf32, #tpu.memory_space<vmem>>) attributes {dimension_semantics = [#tpu.dimension_semantics<arbitrary>], iteration_bounds = array<i64: 2>, scalar_prefetch = 0 : i64, scratch_operands = 1 : i64, tpu.core_type = #tpu.core_type<tc>, window_params = [{transform_indices = @transform_0, window_bounds = array<i64: 1, 5000, 128>}, {transform_indices = @transform_1, window_bounds = array<i64: 1, 5000, 128>}, {transform_indices = @transform_2, window_bounds = array<i64: 5000, 1>}, {pipeline_mode = #tpu.pipeline_mode<synchronous>, transform_indices = @transform_3, window_bounds = array<i64: 128, 128>}, {pipeline_mode = #tpu.pipeline_mode<synchronous>, transform_indices = @transform_4, window_bounds = array<i64: 1, 128>}, {pipeline_mode = #tpu.pipeline_mode<synchronous>, transform_indices = @transform_5, window_bounds = array<i64: 128, 128>}, {pipeline_mode = #tpu.pipeline_mode<synchronous>, transform_indices = @transform_6, window_bounds = array<i64: 1, 128>}, {pipeline_mode = #tpu.pipeline_mode<synchronous>, transform_indices = @transform_7, window_bounds = array<i64: 128, 128>}, {pipeline_mode = #tpu.pipeline_mode<synchronous>, transform_indices = @transform_8, window_bounds = array<i64: 1, 128>}, {pipeline_mode = #tpu.pipeline_mode<synchronous>, transform_indices = @transform_9, window_bounds = array<i64: 128, 64>}, {pipeline_mode = #tpu.pipeline_mode<synchronous>, transform_indices = @transform_10, window_bounds = array<i64: 1, 64>}, {pipeline_mode = #tpu.pipeline_mode<synchronous>, transform_indices = @transform_11, window_bounds = array<i64: 64, 10>}, {pipeline_mode = #tpu.pipeline_mode<synchronous>, transform_indices = @transform_12, window_bounds = array<i64: 1, 10>}, {pipeline_mode = #tpu.pipeline_mode<synchronous>, transform_indices = @transform_13, window_bounds = array<i64: 16, 10>}]} {
    %eq3A = arith.constant 0 : i32
    %eq3A_0 = arith.cmpi eq, %arg0, %eq3A : i32
    %convert_element_type3A = arith.extui %eq3A_0 : i1 to i32
    %cond3A = arith.constant 0 : i32
    %cond3A_1 = arith.cmpi ne, %convert_element_type3A, %cond3A : i32
    scf.if %cond3A_1 {
      %broadcast_in_dim3A = arith.constant 0.000000e+00 : f32
      %broadcast_in_dim3A_68 = vector.broadcast %broadcast_in_dim3A : f32 to vector<16x128xf32>
      %swap3A_69 = arith.constant 0 : index
      %swap3A_70 = arith.constant 0 : index
      %swap3A_71 = vector.load %arg15[%swap3A_69, %swap3A_70] : memref<16x128xf32, #tpu.memory_space<vmem>>, vector<16x128xf32>
      tpu.vector_store %arg15[%swap3A_69, %swap3A_70], %broadcast_in_dim3A_68 {strides = array<i32>} : memref<16x128xf32, #tpu.memory_space<vmem>>, vector<16x128xf32>,
    } else {
    }
    %get3A = arith.constant 0 : index
    %get3A_2 = arith.constant 0 : index
    %get3A_3 = arith.constant 0 : index
    %get3A_4 = vector.load %arg1[%get3A, %get3A_2, %get3A_3] : memref<1x5000x128xf32, #tpu.memory_space<vmem>>, vector<1x5000x128xf32>
    %get3A_5 = vector.shape_cast %get3A_4 : vector<1x5000x128xf32> to vector<5000x128xf32>
    %get3A_6 = arith.constant 0 : index
    %get3A_7 = arith.constant 0 : index
    %get3A_8 = arith.constant 0 : index
    %get3A_9 = vector.load %arg2[%get3A_6, %get3A_7, %get3A_8] : memref<1x5000x128xf32, #tpu.memory_space<vmem>>, vector<1x5000x128xf32>
    %get3A_10 = vector.shape_cast %get3A_9 : vector<1x5000x128xf32> to vector<5000x128xf32>
    %add3A = arith.addf %get3A_5, %get3A_10 : vector<5000x128xf32>
    %get3A_11 = arith.constant 0 : index
    %get3A_12 = arith.constant 0 : index
    %get3A_13 = vector.load %arg4[%get3A_11, %get3A_12] : memref<128x128xf32, #tpu.memory_space<vmem>>, vector<128x128xf32>
    %dot_general3A = arith.constant dense<0.000000e+00> : vector<5000x128xf32>
    %dot_general3A_14 = tpu.matmul %add3A, %get3A_13, %dot_general3A {dimension_numbers = #tpu.dot_dimension_numbers<[1], [0], [0], [1], [0, 0, 1, 1], [], []>, transpose_lhs_hint = false} : vector<5000x128xf32>, vector<128x128xf32>, vector<5000x128xf32> -> vector<5000x128xf32>
    %get3A_15 = arith.constant 0 : index
    %get3A_16 = arith.constant 0 : index
    %get3A_17 = vector.load %arg5[%get3A_15, %get3A_16] : memref<1x128xf32, #tpu.memory_space<vmem>>, vector<1x128xf32>
    %add3A_18 = vector.broadcast %get3A_17 : vector<1x128xf32> to vector<5000x128xf32>
    %add3A_19 = arith.addf %dot_general3A_14, %add3A_18 : vector<5000x128xf32>
    %gt3A = arith.constant 0.000000e+00 : f32
    %gt3A_20 = vector.broadcast %gt3A : f32 to vector<5000x128xf32>
    %gt3A_21 = arith.cmpf ogt, %add3A_19, %gt3A_20 : vector<5000x128xf32>
    %min3A = arith.constant 0.000000e+00 : f32
    %min3A_22 = vector.broadcast %min3A : f32 to vector<5000x128xf32>
    %min3A_23 = arith.minimumf %add3A_19, %min3A_22 : vector<5000x128xf32>
    %exp3A = math.exp %min3A_23 : vector<5000x128xf32>
    %sub3A = arith.constant 1.000000e+00 : f32
    %sub3A_24 = vector.broadcast %sub3A : f32 to vector<5000x128xf32>
    %sub3A_25 = arith.subf %exp3A, %sub3A_24 : vector<5000x128xf32>
    %select_n3A = arith.select %gt3A_21, %add3A_19, %sub3A_25 : vector<5000x128xi1>, vector<5000x128xf32>
    %get3A_26 = arith.constant 0 : index
    %get3A_27 = arith.constant 0 : index
    %get3A_28 = vector.load %arg6[%get3A_26, %get3A_27] : memref<128x128xf32, #tpu.memory_space<vmem>>, vector<128x128xf32>
    %dot_general3A_29 = arith.constant dense<0.000000e+00> : vector<5000x128xf32>
    %dot_general3A_30 = tpu.matmul %select_n3A, %get3A_28, %dot_general3A_29 {dimension_numbers = #tpu.dot_dimension_numbers<[1], [0], [0], [1], [0, 0, 1, 1], [], []>, transpose_lhs_hint = false} : vector<5000x128xf32>, vector<128x128xf32>, vector<5000x128xf32> -> vector<5000x128xf32>
    %get3A_31 = arith.constant 0 : index
    %get3A_32 = arith.constant 0 : index
    %get3A_33 = vector.load %arg7[%get3A_31, %get3A_32] : memref<1x128xf32, #tpu.memory_space<vmem>>, vector<1x128xf32>
    %add3A_34 = vector.broadcast %get3A_33 : vector<1x128xf32> to vector<5000x128xf32>
    %add3A_35 = arith.addf %dot_general3A_30, %add3A_34 : vector<5000x128xf32>
    %gt3A_36 = arith.constant 0.000000e+00 : f32
    %gt3A_37 = vector.broadcast %gt3A_36 : f32 to vector<5000x128xf32>
    %gt3A_38 = arith.cmpf ogt, %add3A_35, %gt3A_37 : vector<5000x128xf32>
    %min3A_39 = arith.constant 0.000000e+00 : f32
    %min3A_40 = vector.broadcast %min3A_39 : f32 to vector<5000x128xf32>
    %min3A_41 = arith.minimumf %add3A_35, %min3A_40 : vector<5000x128xf32>
    %exp3A_42 = math.exp %min3A_41 : vector<5000x128xf32>
    %sub3A_43 = arith.constant 1.000000e+00 : f32
    %sub3A_44 = vector.broadcast %sub3A_43 : f32 to vector<5000x128xf32>
    %sub3A_45 = arith.subf %exp3A_42, %sub3A_44 : vector<5000x128xf32>
    %select_n3A_46 = arith.select %gt3A_38, %add3A_35, %sub3A_45 : vector<5000x128xi1>, vector<5000x128xf32>
    %get3A_47 = arith.constant 0 : index
    %get3A_48 = arith.constant 0 : index
    %get3A_49 = vector.load %arg3[%get3A_47, %get3A_48] : memref<5000x1xi32, #tpu.memory_space<vmem>>, vector<5000x1xi32>
    %iota3A = tpu.iota {dimensions = array<i32: 1>} : vector<1x16xi32>
    %eq3A_50 = vector.broadcast %get3A_49 : vector<5000x1xi32> to vector<5000x16xi32>
    %eq3A_51 = vector.broadcast %iota3A : vector<1x16xi32> to vector<5000x16xi32>
    %eq3A_52 = arith.cmpi eq, %eq3A_50, %eq3A_51 : vector<5000x16xi32>
    %convert_element_type3A_53 = arith.extui %eq3A_52 : vector<5000x16xi1> to vector<5000x16xi32>
    %convert_element_type3A_54 = arith.sitofp %convert_element_type3A_53 : vector<5000x16xi32> to vector<5000x16xf32>
    %get3A_55 = arith.constant 0 : index
    %get3A_56 = arith.constant 0 : index
    %get3A_57 = vector.load %arg15[%get3A_55, %get3A_56] : memref<16x128xf32, #tpu.memory_space<vmem>>, vector<16x128xf32>
    %dot_general3A_58 = arith.constant dense<0.000000e+00> : vector<16x128xf32>
    %dot_general3A_59 = tpu.matmul %convert_element_type3A_54, %select_n3A_46, %dot_general3A_58 {dimension_numbers = #tpu.dot_dimension_numbers<[0], [0], [1], [1], [0, 1, 1, 1], [], []>, transpose_lhs_hint = false} : vector<5000x16xf32>, vector<5000x128xf32>, vector<16x128xf32> -> vector<16x128xf32>
    %add3A_60 = arith.addf %get3A_57, %dot_general3A_59 : vector<16x128xf32>
    %swap3A = arith.constant 0 : index
    %swap3A_61 = arith.constant 0 : index
    %swap3A_62 = vector.load %arg15[%swap3A, %swap3A_61] : memref<16x128xf32, #tpu.memory_space<vmem>>, vector<16x128xf32>
    tpu.vector_store %arg15[%swap3A, %swap3A_61], %add3A_60 {strides = array<i32>} : memref<16x128xf32, #tpu.memory_space<vmem>>, vector<16x128xf32>,
    %eq3A_63 = arith.constant 1 : i32
    %eq3A_64 = arith.cmpi eq, %arg0, %eq3A_63 : i32
    %convert_element_type3A_65 = arith.extui %eq3A_64 : i1 to i32
    %cond3A_66 = arith.constant 0 : i32
    %cond3A_67 = arith.cmpi ne, %convert_element_type3A_65, %cond3A_66 : i32
    scf.if %cond3A_67 {
      %get3A_68 = arith.constant 0 : index
      %get3A_69 = arith.constant 0 : index
      %get3A_70 = vector.load %arg15[%get3A_68, %get3A_69] : memref<16x128xf32, #tpu.memory_space<vmem>>, vector<16x128xf32>
      %get3A_71 = arith.constant 0 : index
      %get3A_72 = arith.constant 0 : index
      %get3A_73 = vector.load %arg8[%get3A_71, %get3A_72] : memref<128x128xf32, #tpu.memory_space<vmem>>, vector<128x128xf32>
      %dot_general3A_74 = arith.constant dense<0.000000e+00> : vector<16x128xf32>
      %dot_general3A_75 = tpu.matmul %get3A_70, %get3A_73, %dot_general3A_74 {dimension_numbers = #tpu.dot_dimension_numbers<[1], [0], [0], [1], [0, 0, 1, 1], [], []>, transpose_lhs_hint = false} : vector<16x128xf32>, vector<128x128xf32>, vector<16x128xf32> -> vector<16x128xf32>
      %get3A_76 = arith.constant 0 : index
      %get3A_77 = arith.constant 0 : index
      %get3A_78 = vector.load %arg9[%get3A_76, %get3A_77] : memref<1x128xf32, #tpu.memory_space<vmem>>, vector<1x128xf32>
      %add3A_79 = vector.broadcast %get3A_78 : vector<1x128xf32> to vector<16x128xf32>
      %add3A_80 = arith.addf %dot_general3A_75, %add3A_79 : vector<16x128xf32>
      %gt3A_81 = arith.constant 0.000000e+00 : f32
      %gt3A_82 = vector.broadcast %gt3A_81 : f32 to vector<16x128xf32>
      %gt3A_83 = arith.cmpf ogt, %add3A_80, %gt3A_82 : vector<16x128xf32>
      %min3A_84 = arith.constant 0.000000e+00 : f32
      %min3A_85 = vector.broadcast %min3A_84 : f32 to vector<16x128xf32>
      %min3A_86 = arith.minimumf %add3A_80, %min3A_85 : vector<16x128xf32>
      %exp3A_87 = math.exp %min3A_86 : vector<16x128xf32>
      %sub3A_88 = arith.constant 1.000000e+00 : f32
      %sub3A_89 = vector.broadcast %sub3A_88 : f32 to vector<16x128xf32>
      %sub3A_90 = arith.subf %exp3A_87, %sub3A_89 : vector<16x128xf32>
      %select_n3A_91 = arith.select %gt3A_83, %add3A_80, %sub3A_90 : vector<16x128xi1>, vector<16x128xf32>
      %get3A_92 = arith.constant 0 : index
      %get3A_93 = arith.constant 0 : index
      %get3A_94 = vector.load %arg10[%get3A_92, %get3A_93] : memref<128x64xf32, #tpu.memory_space<vmem>>, vector<128x64xf32>
      %dot_general3A_95 = arith.constant dense<0.000000e+00> : vector<16x64xf32>
      %dot_general3A_96 = tpu.matmul %select_n3A_91, %get3A_94, %dot_general3A_95 {dimension_numbers = #tpu.dot_dimension_numbers<[1], [0], [0], [1], [0, 0, 1, 1], [], []>, transpose_lhs_hint = false} : vector<16x128xf32>, vector<128x64xf32>, vector<16x64xf32> -> vector<16x64xf32>
      %get3A_97 = arith.constant 0 : index
      %get3A_98 = arith.constant 0 : index
      %get3A_99 = vector.load %arg11[%get3A_97, %get3A_98] : memref<1x64xf32, #tpu.memory_space<vmem>>, vector<1x64xf32>
      %add3A_100 = vector.broadcast %get3A_99 : vector<1x64xf32> to vector<16x64xf32>
      %add3A_101 = arith.addf %dot_general3A_96, %add3A_100 : vector<16x64xf32>
      %gt3A_102 = arith.constant 0.000000e+00 : f32
      %gt3A_103 = vector.broadcast %gt3A_102 : f32 to vector<16x64xf32>
      %gt3A_104 = arith.cmpf ogt, %add3A_101, %gt3A_103 : vector<16x64xf32>
      %min3A_105 = arith.constant 0.000000e+00 : f32
      %min3A_106 = vector.broadcast %min3A_105 : f32 to vector<16x64xf32>
      %min3A_107 = arith.minimumf %add3A_101, %min3A_106 : vector<16x64xf32>
      %exp3A_108 = math.exp %min3A_107 : vector<16x64xf32>
      %sub3A_109 = arith.constant 1.000000e+00 : f32
      %sub3A_110 = vector.broadcast %sub3A_109 : f32 to vector<16x64xf32>
      %sub3A_111 = arith.subf %exp3A_108, %sub3A_110 : vector<16x64xf32>
      %select_n3A_112 = arith.select %gt3A_104, %add3A_101, %sub3A_111 : vector<16x64xi1>, vector<16x64xf32>
      %get3A_113 = arith.constant 0 : index
      %get3A_114 = arith.constant 0 : index
      %get3A_115 = vector.load %arg12[%get3A_113, %get3A_114] : memref<64x10xf32, #tpu.memory_space<vmem>>, vector<64x10xf32>
      %dot_general3A_116 = arith.constant dense<0.000000e+00> : vector<16x10xf32>
      %dot_general3A_117 = tpu.matmul %select_n3A_112, %get3A_115, %dot_general3A_116 {dimension_numbers = #tpu.dot_dimension_numbers<[1], [0], [0], [1], [0, 0, 1, 1], [], []>, transpose_lhs_hint = false} : vector<16x64xf32>, vector<64x10xf32>, vector<16x10xf32> -> vector<16x10xf32>
      %get3A_118 = arith.constant 0 : index
      %get3A_119 = arith.constant 0 : index
      %get3A_120 = vector.load %arg13[%get3A_118, %get3A_119] : memref<1x10xf32, #tpu.memory_space<vmem>>, vector<1x10xf32>
      %add3A_121 = vector.broadcast %get3A_120 : vector<1x10xf32> to vector<16x10xf32>
      %add3A_122 = arith.addf %dot_general3A_117, %add3A_121 : vector<16x10xf32>
      %swap3A_123 = arith.constant 0 : index
      %swap3A_124 = arith.constant 0 : index
      %swap3A_125 = vector.load %arg14[%swap3A_123, %swap3A_124] : memref<16x10xf32, #tpu.memory_space<vmem>>, vector<16x10xf32>
      tpu.vector_store %arg14[%swap3A_123, %swap3A_124], %add3A_122 {strides = array<i32>} : memref<16x10xf32, #tpu.memory_space<vmem>>, vector<16x10xf32>,
    } else {
    }
    return
  }
  func.func @transform_0(%arg0: i32) -> (i32, i32, i32) {
    %c0_i32 = arith.constant 0 : i32
    %c0_i32_0 = arith.constant 0 : i32
    %c0_i32_1 = arith.constant 0 : i32
    return %c0_i32, %arg0, %c0_i32_0 : i32, i32, i32
  }
  func.func @transform_1(%arg0: i32) -> (i32, i32, i32) {
    %c1_i32 = arith.constant 1 : i32
    %c0_i32 = arith.constant 0 : i32
    %c0_i32_0 = arith.constant 0 : i32
    return %c1_i32, %arg0, %c0_i32 : i32, i32, i32
  }
  func.func @transform_2(%arg0: i32) -> (i32, i32) {
    %c0_i32 = arith.constant 0 : i32
    %c0_i32_0 = arith.constant 0 : i32
    return %arg0, %c0_i32 : i32, i32
  }
  func.func @transform_3(%arg0: i32) -> (i32, i32) {
    %c0_i32 = arith.constant 0 : i32
    %c0_i32_0 = arith.constant 0 : i32
    %c0_i32_1 = arith.constant 0 : i32
    return %c0_i32, %c0_i32_0 : i32, i32
  }
  func.func @transform_4(%arg0: i32) -> (i32, i32) {
    %c0_i32 = arith.constant 0 : i32
    %c0_i32_0 = arith.constant 0 : i32
    %c0_i32_1 = arith.constant 0 : i32
    return %c0_i32, %c0_i32_0 : i32, i32
  }
  func.func @transform_5(%arg0: i32) -> (i32, i32) {
    %c0_i32 = arith.constant 0 : i32
    %c0_i32_0 = arith.constant 0 : i32
    %c0_i32_1 = arith.constant 0 : i32
    return %c0_i32, %c0_i32_0 : i32, i32
  }
  func.func @transform_6(%arg0: i32) -> (i32, i32) {
    %c0_i32 = arith.constant 0 : i32
    %c0_i32_0 = arith.constant 0 : i32
    %c0_i32_1 = arith.constant 0 : i32
    return %c0_i32, %c0_i32_0 : i32, i32
  }
  func.func @transform_7(%arg0: i32) -> (i32, i32) {
    %c0_i32 = arith.constant 0 : i32
    %c0_i32_0 = arith.constant 0 : i32
    %c0_i32_1 = arith.constant 0 : i32
    return %c0_i32, %c0_i32_0 : i32, i32
  }
  func.func @transform_8(%arg0: i32) -> (i32, i32) {
    %c0_i32 = arith.constant 0 : i32
    %c0_i32_0 = arith.constant 0 : i32
    %c0_i32_1 = arith.constant 0 : i32
    return %c0_i32, %c0_i32_0 : i32, i32
  }
  func.func @transform_9(%arg0: i32) -> (i32, i32) {
    %c0_i32 = arith.constant 0 : i32
    %c0_i32_0 = arith.constant 0 : i32
    %c0_i32_1 = arith.constant 0 : i32
    return %c0_i32, %c0_i32_0 : i32, i32
  }
  func.func @transform_10(%arg0: i32) -> (i32, i32) {
    %c0_i32 = arith.constant 0 : i32
    %c0_i32_0 = arith.constant 0 : i32
    %c0_i32_1 = arith.constant 0 : i32
    return %c0_i32, %c0_i32_0 : i32, i32
  }
  func.func @transform_11(%arg0: i32) -> (i32, i32) {
    %c0_i32 = arith.constant 0 : i32
    %c0_i32_0 = arith.constant 0 : i32
    %c0_i32_1 = arith.constant 0 : i32
    return %c0_i32, %c0_i32_0 : i32, i32
  }
  func.func @transform_12(%arg0: i32) -> (i32, i32) {
    %c0_i32 = arith.constant 0 : i32
    %c0_i32_0 = arith.constant 0 : i32
    %c0_i32_1 = arith.constant 0 : i32
    return %c0_i32, %c0_i32_0 : i32, i32
  }
  func.func @transform_13(%arg0: i32) -> (i32, i32) {
    %c0_i32 = arith.constant 0 : i32
    %c0_i32_0 = arith.constant 0 : i32
    %c0_i32_1 = arith.constant 0 : i32
    return %c0_i32, %c0_i32_0 : i32, i32
  }
}

</mosaic_0001>

<sc_bundles>
// kernel: kernel.6.cloned.1.call-start
scs
__scs_entry_jumppad:
0x0: {  	(pc) =	sbr.rel $0x88, $3  }
0x1: {  	(tag) =	ssettag $0x0;
	lr =	simm.s32 $0x1  }
0x2: {  	[smem:$0x3F90] =	sst lr;
	_ =	strace $0xD0000000  }
0x3: {  	_ = 	snop  }
0x4: {  	_ = 	snop  }
0x5: {  	_ = 	snop  }
0x6: {  	_ = 	snop  }
0x7: {  	_ = 	snop  }
__scs_overlays_trampoline_lowered:
0x8: {  	[smem:$0x3F9F] =	sst s0  }
0x9: {  	[smem:$0x3FA0] =	sst s1  }
0xa: {  	[smem:$0x3FA1] =	sst s2  }
0xb: {  	[smem:$0x3FA2] =	sst s3  }
0xc: {  	[smem:$0x3FA3] =	sst s4  }
0xd: {  	[smem:$0x3FA4] =	sst s5  }
0xe: {  	[smem:$0x3FA5] =	sst s6  }
0xf: {  	[smem:$0x3FA6] =	sst s7  }
0x10: {  	[smem:$0x3FA7] =	sst s8  }
0x11: {  	[smem:$0x3FA8] =	sst s9;
	s0 =	simm.s32 @!p0 $0x0  }
0x12: {  	s1 =	sld [smem:$0x3F8E];
	s0 =	simm.s32 @p0 $0x1  }
0x13: {  	[smem:$0x3FA9] =	sst s0;
	s0 =	simm.s32 @!p1 $0x0  }
0x14: {  	s2 =	sld [smem:$0x3F8D];
	s0 =	simm.s32 @p1 $0x1  }
0x15: {  	[smem:$0x3FAA] =	sst s0;
	s0 =	simm.s32 @!p2 $0x0  }
0x16: {  	s3 =	sld [smem:$0x3FDB];
	s0 =	simm.s32 @p2 $0x1  }
0x17: {  	s4 =	simm.s32 $0x1BF5;
	[smem:$0x3FAC] =	sst s0  }
0x18: {  	s0 =	sld [smem:$0x3F8F];
	_ =	swait.ge [sflag:s4], $0x0  }
0x19: {  	s7 =	sld [smem:$0x3F90]  }
0x1a: {  	s8 =	sadd.s32 $0xFFFFE003, lr  }
0x1b: {  	s9 =	sadd.s32 $0xFFFFFEF7, lr;
	s5 =	simm.s32 $0xFFFFFFFF;
	p2 =	slt.u32 s8, $0xFFFFF086  }
0x1c: {  	p1 =	slt.u32 s9, $0xF7A;
	s5 =	simm.s32 @!p2 $0x0  }
0x1d: {  	s5 =	simm.s32 @p1 $0x1;
	p0 =	seq.s32 s7, s2  }
0x1e: {  	s7 =	smul.u32 @!p0 $0xF7A, s2;
	p2 =	seq.s32 @!p0 s5, $0x0  }
0x1f: {  	s9 =	smul.u32 $0xF7A, s1;
	s8 =	simm.s32 @!p0 $0x1BF5;
	p2 =	por !p2, p0  }
0x20: {  	[sflag:s8] =	ssyncset.s32 @!p0 $0xFFFFF086;
	s6 =	sadd.s32 @!p0 s3, s7;
	s7 =	simm.s32 @!p0 $0x108  }
0x21: {  	s3 =	sadd.s32 s3, s9;
	s6 =	sadd.s32 @!p0 $0x88, s6;
	s7 =	simm.s32 @p2 $0x1082  }
0x22: {  	[simem:s7], [sflag:s8] =	dma.local @!p0 [hbm:s6], $0xF7A  }
0x23: {  	s9 =	sor.u32 $0xD0000000, s2;
	s6 =	simm.s32 $0x108;
	_ =	swait.ge @!p0 [sflag:s8], $0x0  }
0x24: {  	s3 =	sadd.s32 $0x88, s3;
	s6 =	simm.s32 @!p1 $0x1082;
	[sflag:s4] =	ssyncset.s32 $0xFFFFF086  }
0x25: {  	[simem:s6], [sflag:s4] =	dma.local [hbm:s3], $0xF7A  }
0x26: {  	[smem:$0x3F90] =	sst s1;
	(tag) =	ssettag s2;
	_ =	strace s9  }
0x27: {  	s1 =	sld [smem:$0x3FA0]  }
0x28: {  	s2 =	sld [smem:$0x3FA1]  }
0x29: {  	s4 =	sld [smem:$0x3FA3]  }
0x2a: {  	p0 =	seq.s32 s5, $0x0;
	s5 =	sld [smem:$0x3FA4]  }
0x2b: {  	s6 =	sld [smem:$0x3FA5]  }
0x2c: {  	s7 =	sld [smem:$0x3FA6]  }
0x2d: {  	s3 =	simm.s32 $0x108;
	s8 =	sld [smem:$0x3FA7]  }
0x2e: {  	s3 =	simm.s32 @!p0 $0x1082;
	s9 =	sld [smem:$0x3FA8]  }
0x2f: {  	lr =	sadd.s32 s0, s3;
	s0 =	sld [smem:$0x3F9F]  }
0x30: {  	s3 =	sld [smem:$0x3FA2]  }
0x31: {  	[smem:$0x3FAB] =	sst s10  }
0x32: {  	s10 =	sld [smem:$0x3FA9];
	_ =	sdelay $0x3  }
0x33: {  	p0 =	seq.s32 s10, $0x1;
	s10 =	sld [smem:$0x3FAB];
	_ =	sdelay $0x3  }
0x34: {  	[smem:$0x3FAB] =	sst s10  }
0x35: {  	s10 =	sld [smem:$0x3FAA];
	_ =	sdelay $0x3  }
0x36: {  	p1 =	seq.s32 s10, $0x1;
	s10 =	sld [smem:$0x3FAB];
	_ =	sdelay $0x3  }
0x37: {  	[smem:$0x3FAB] =	sst s10  }
0x38: {  	s10 =	sld [smem:$0x3FAC]  }
0x39: {  	_ = 	snop;
	(pc) =	sbr.ind lr, $3  }
0x3a: {  	_ = 	snop  }
0x3b: {  	_ = 	snop  }
0x3c: {  	p2 =	seq.s32 s10, $0x1;
	s10 =	sld [smem:$0x3FAB]  }
0x3d: {  	_ =	shalt  }
0x3e: {  	_ =	shalt  }
0x3f: {  	_ =	shalt  }
0x40: {  	_ =	shalt  }
0x41: {  	_ =	shalt  }
0x42: {  	_ =	shalt  }
0x43: {  	_ =	shalt  }
0x44: {  	_ =	shalt  }
0x45: {  	_ =	shalt  }
0x46: {  	_ =	shalt  }
0x47: {  	_ =	shalt  }
0x48: {  	_ =	shalt  }
0x49: {  	_ =	shalt  }
0x4a: {  	_ =	shalt  }
0x4b: {  	_ =	shalt  }
0x4c: {  	_ =	shalt  }
0x4d: {  	_ =	shalt  }
0x4e: {  	_ =	shalt  }
0x4f: {  	_ =	shalt  }
0x50: {  	_ =	shalt  }
0x51: {  	_ =	shalt  }
0x52: {  	_ =	shalt  }
0x53: {  	_ =	shalt  }
0x54: {  	_ =	shalt  }
0x55: {  	_ =	shalt  }
0x56: {  	_ =	shalt  }
0x57: {  	_ =	shalt  }
0x58: {  	_ =	shalt  }
0x59: {  	_ =	shalt  }
0x5a: {  	_ =	shalt  }
0x5b: {  	_ =	shalt  }
0x5c: {  	_ =	shalt  }
0x5d: {  	_ =	shalt  }
0x5e: {  	_ =	shalt  }
0x5f: {  	_ =	shalt  }
0x60: {  	_ =	shalt  }
0x61: {  	_ =	shalt  }
0x62: {  	_ =	shalt  }
0x63: {  	_ =	shalt  }
0x64: {  	_ =	shalt  }
0x65: {  	_ =	shalt  }
0x66: {  	_ =	shalt  }
0x67: {  	_ =	shalt  }
0x68: {  	_ =	shalt  }
0x69: {  	_ =	shalt  }
0x6a: {  	_ =	shalt  }
0x6b: {  	_ =	shalt  }
0x6c: {  	_ =	shalt  }
0x6d: {  	_ =	shalt  }
0x6e: {  	_ =	shalt  }
0x6f: {  	_ =	shalt  }
0x70: {  	_ =	shalt  }
0x71: {  	_ =	shalt  }
0x72: {  	_ =	shalt  }
0x73: {  	_ =	shalt  }
0x74: {  	_ =	shalt  }
0x75: {  	_ =	shalt  }
0x76: {  	_ =	shalt  }
0x77: {  	_ =	shalt  }
0x78: {  	_ =	shalt  }
0x79: {  	_ =	shalt  }
0x7a: {  	_ =	shalt  }
0x7b: {  	_ =	shalt  }
0x7c: {  	_ =	shalt  }
0x7d: {  	_ =	shalt  }
0x7e: {  	_ =	shalt  }
0x7f: {  	_ =	shalt  }
0x80: {  	_ =	shalt  }
0x81: {  	_ =	shalt  }
0x82: {  	_ =	shalt  }
0x83: {  	_ =	shalt  }
0x84: {  	_ =	shalt  }
0x85: {  	_ =	shalt  }
0x86: {  	_ =	shalt  }
0x87: {  	_ =	shalt  }
.Lfunc_end0:
.L_simem_size_0:
called_computation_lowered:
.L_overlay_start_0:
0x88: {  	s2 =	sld [smem:$0x3FD9]  }
0x89: {  	s3 =	sld [smem:$0x3FFE];
	_ =	sdelay $0x1  }
0x8a: {  	s1 =	srdreg.scid  }
0x8b: {  	s0 =	sand.u32 $0x1, s1  }
0x8c: {  	s17 =	sshll.u32 s0, $0xA;
	s2 =	sadd.s32 s3, s2  }
0x8d: {  	s2 =	sadd.s32 s2, s17  }
0x8e: {  	[smem:$0x3FB7] =	sst s2  }
0x8f: {  	_ = 	snop  }
0x90: {  	s2 =	sld [smem:$0x3FC9];
	(tm) =	ssettm $0x1  }
0x91: {  	s18 =	sld [smem:$0x3FFB];
	_ =	sdelay $0x3  }
0x92: {  	_ =	strace s18  }
0x93: {  	s3 =	sld [smem:$0x3FFC];
	_ =	sdelay $0x3  }
0x94: {  	_ =	strace s3  }
0x95: {  	s3 =	sld [smem:$0x3FFD];
	_ =	sdelay $0x3  }
0x96: {  	_ =	strace s3  }
0x97: {  	_ =	strace $0x8FFFFFFF  }
0x98: {  	s19 =	sld [smem:$0x3FDB];
	_ =	sdelay $0x1  }
0x99: {  	s4 =	simm.s32 $_scs_section_size  }
0x9a: {  	s5 =	simm.s32 $_size__tile_overlayer_lowered;
	s6 =	simm.s32 $_tile_overlayer_lowered  }
0x9b: {  	s22 =	simm.s32 $0x1BFF;
	s21 =	sshll.u32 s6, $0x1;
	s3 =	sadd.s32 s4, s19  }
0x9c: {  	s7 =	simm.s32 $0x0;
	s20 =	sshll.u32 s5, $0x1;
	s5 =	sadd.s32 s21, s3  }
0x9d: {  	[timem:s7], [sflag:s22] =	dma.local [hbm:s5], s20  }
0x9e: {  	_ =	swait.ge [sflag:s22], s20  }
0x9f: {  	s4 =	ssub.s32 $0x0, s20;
	[sflag:s22] =	ssyncset.done $0x0  }
0xa0: {  	[sflag:s22] =	ssyncadd.s32 s4;
	_ =	sdelay $0x1  }
0xa1: {  	s23 =	simm.s32 $0x1B8B  }
0xa2: {  	_ =	swait.ge [sflag:s23], $0x1  }
0xa3: {  	[sflag:s23] =	ssyncset.done $0x0  }
0xa4: {  	s25 =	simm.s32 $0x1B8E;
	s24 =	sld [smem:$0x3FFE];
	[sflag:s23] =	ssyncadd.s32 $0xFFFFFFFF  }
0xa5: {  	s26 =	simm.s32 $execute0_lowered;
	[smem:$0x3FD2] =	sst s25  }
0xa6: {  	s5 =	sshll.u32 s26, $0x1;
	_ =	strace $0x80000046;
	[dreg:$0x1] =	wrdreg $0xFFFFFFFF  }
0xa7: {  	s28 =	simm.s32 $_size_execute0_lowered;
	s3 =	sadd.s32 s3, s5;
	[dreg:$0x0] =	wrdreg $0x0  }
0xa8: {  	s5 =	sshll.u32 s28, $0x1;
	[dreg:$0x2] =	wrdreg s3  }
0xa9: {  	[dreg:$0x3] =	wrdreg s5  }
0xaa: {  	[dreg:$0x4] =	wrdreg $0xC0  }
0xab: {  	_ =	task [dreg:s7], $0x5FFFF  }
0xac: {  	[dreg:$0x1] =	wrdreg $0xFFFFFFFF  }
0xad: {  	[dreg:$0x0] =	wrdreg $0x60  }
0xae: {  	[dreg:$0x2] =	wrdreg s2  }
0xaf: {  	[dreg:$0x3] =	wrdreg s24  }
0xb0: {  	[dreg:$0x4] =	wrdreg $0xB7800  }
0xb1: {  	[dreg:$0x5] =	wrdreg $0x9  }
0xb2: {  	_ =	task.clear_ibuf [dreg:s7], $0x6FFFF;
	_ =	strace $0x90000046  }
0xb3: {  	s29 =	simm.s32 $0x9;
	_ =	strace $0x80000048  }
0xb4: {  	_ =	swait.ge [sflag:s29], $0x1  }
0xb5: {  	[sflag:s29] =	ssyncadd.s32 $0xFFFFFFFF  }
0xb6: {  	_ =	strace $0x90000048  }
0xb7: {  	_ =	sfence  }
0xb8: {  	s30 =	sld [smem:$0x0];
	_ =	sdelay $0x2  }
0xb9: {  	s31 =	sshll.u32 s1, $0xD;
	s1 =	sshrl.u32 s1, $0x2  }
0xba: {  	s3 =	sand.u32 $0x4000, s31;
	s1 =	sadd.s32 s1, s30  }
0xbb: {  	s0 =	sor.u32 s3, s0;
	s1 =	sshll.u32 s1, $0x11  }
0xbc: {  	s0 =	sor.u32 s1, s0  }
0xbd: {  	s0 =	sadd.s32 $0x8F2B, s0  }
0xbe: {  	[sflag:s0] =	ssyncadd.remote.s32 $0x1  }
0xbf: {  	_ =	sfence.sel $0xFFFF  }
0xc0: {  	[dreg:$0x0] =	wrdreg $0xFFFFFFFF;
	(pc) =	sbr.abs _section_cstart, $3  }
0xc1: {  	[dreg:$0x1] =	wrdreg $0xFFFFFFFF  }
0xc2: {  	_ =	task.clear_ibuf [dreg:s7], $0x2FFFF;
	_ =	strace $0x9FFFFFFF  }
0xc3: {  	(tm) =	ssettm $0x7FFFFFFF  }
tec
execute0_lowered:
.L_overlay_start_1:
0x0: {  	(tag) =	ssettag $0x1  }
0x1: {  	s1 =	rddreg [dreg:$0x0]  }
0x2: {  	s0 =	srdreg.scid;
	s7 =	rddreg [dreg:$0x1]  }
0x3: {  	s14 =	stileid.u32;
	s3 =	rddreg [dreg:$0x2]  }
0x4: {  	s5 =	simm.s32 $0x0;
	p3 =	por $0x0, $0x0;
	s28 =	simm.s32 $0xB  }
0x5: {  	s29 =	simm.s32 $0x4;
	s30 =	simm.s32 $0x2900;
	s8 =	smul.u32 $0x4E000, s14  }
0x6: {  	s31 =	simm.s32 $0x6780;
	s0 =	sand.u32 $0x1, s0;
	s10 =	smul.u32 $0x2700, s14  }
0x7: {  	s2 =	sshll.u32 s14, $0x1;
	[smem:$0x7FF] =	sst s5;
	s16 =	smul.u32 $0x13800, s14  }
0x8: {  	s6 =	sadd.s32 $0x2400, s7;
	s13 =	sadd.s32 $0x16000, s7;
	s18 =	smul.u32 $0x4E20, s14  }
0x9: {  	s15 =	sadd.s32 $0x138000, s3;
	p1 =	seq.s32 s14, $0xF;
	s25 =	sshll.u32 s14, $0x6  }
0xa: {  	p2 =	sne.s32 s14, $0xF;
	s14 =	simm.s32 $0x1;
	s2 =	sor.u32 s0, s2  }
0xb: {  	_ =	strace $0x80000047;
	s12 =	smul.u32 $0x138800, s0;
	[dreg:$0x4] =	wrdreg s13  }
0xc: {  	s9 =	ssub.s32 $0x2, s0;
	s19 =	smul.u32 $0x2710, s0;
	[dreg:$0xe] =	wrdreg s25  }
0xd: {  	p0 =	sne.s32 s0, $0x0;
	s0 =	sor.u32 $0x1C16, s25;
	[dreg:$0x7] =	wrdreg s15  }
0xe: {  	s26 =	sshrl.u32 s15, $0x3;
	s15 =	simm.s32 $0x9;
	s25 =	simm.s32 $0x2800  }
0xf: {  	s4 =	smul.u32 $0x2710, s2;
	s11 =	sshrl.u32 s9, $0x1;
	[dreg:$0xf] =	wrdreg s0  }
0x10: {  	s17 =	sshrl.u32 s8, $0x2;
	s13 =	sadd.s32 s13, s10;
	[dreg:$0x11] =	wrdreg s26  }
0x11: {  	s10 =	sadd.s32 s1, s10;
	s0 =	simm.s32 $0xC;
	[dreg:$0x6] =	wrdreg s13  }
0x12: {  	s26 =	simm.s32 $0x3F80;
	s9 =	ssub.s32 s9, s11;
	[dreg:$0x8] =	wrdreg s10  }
0x13: {  	s20 =	sadd.s32 s16, s12;
	s21 =	sshrl.u32 s12, $0x3;
	s8 =	sadd.s32 s19, s18  }
0x14: {  	s12 =	simm.s32 $0x16;
	s11 =	simm.s32 $0x2980;
	s16 =	simm.s32 $0x0  }
0x15: {  	s2 =	sshrl.u32 s4, $0x3;
	s10 =	sshrl.u32 s20, $0x3;
	s22 =	sadd.s32 $0x28, s8  }
0x16: {  	s8 =	sshrl.u32 s8, $0x3;
	s9 =	smax.u32 s9, $0x1;
	s20 =	simm.s32 $0x8  }
0x17: {  	s2 =	sadd.s32 s2, s7;
	s7 =	sadd.s32 $0x3D200, s7;
	s23 =	sshrl.u32 s22, $0x3  }
0x18: {  	[dreg:$0xb] =	wrdreg s9;
	s24 =	sadd.s32 s8, s6;
	s9 =	simm.s32 $0x5  }
0x19: {  	s2 =	sadd.s32 $0xC200, s2;
	s10 =	sadd.s32 s7, s10;
	[dreg:$0xd] =	wrdreg s24  }
.Ltmp0:
0x1a: {  	s7 =	sadd.s32 s7, s21;
	[dreg:$0x5] =	wrdreg s2;
	(pc) =	sbr.rel .LBB2_1-.Ltmp0, $4  }
0x1b: {  	s24 =	simm.s32 $0x28;
	[dreg:$0x9] =	wrdreg s10;
	s7 =	sadd.s32 $0x27000, s7  }
0x1c: {  	s2 =	sadd.s32 s17, s3;
	[dreg:$0xa] =	wrdreg s7;
	s7 =	sadd.s32 s23, s6  }
0x1d: {  	s17 =	simm.s32 $0x2;
	s13 =	sshrl.u32 s2, $0x3;
	[dreg:$0xc] =	wrdreg s7  }
0x1e: {  	s2 =	simm.s32 $0x11;
	s7 =	simm.s32 $0x7B80;
	[dreg:$0x10] =	wrdreg s13  }
.LBB2_17:
0x1f: {  	s8 =	simm.s32 $0x13  }
0x20: {  	_ =	swait.ge [sflag:s8], $0x1400  }
0x21: {  	[sflag:s8] =	ssyncset.done $0x0  }
0x22: {  	[sflag:s8] =	ssyncadd.s32 $0xFFFFEC00  }
.LBB2_34:
0x23: {  	[bflag:$0x0] =	sbarrier.arrive $0xFFFF  }
0x24: {  	s8 =	rddreg [dreg:$0xe]  }
0x25: {  	s10 =	rddreg [dreg:$0x9]  }
0x26: {  	s22 =	simm.s32 $0x17;
	s13 =	rddreg [dreg:$0x10];
	s8 =	sor.u32 $0x1C17, s8  }
0x27: {  	[hbm:s10], [sflag:s8] =	dma.local [spmem:s13], $0x2700  }
0x28: {  	_ =	swait.ge [sflag:s22], $0x2700  }
0x29: {  	[sflag:s22] =	ssyncset.done $0x0;
	s10 =	rddreg [dreg:$0x7]  }
0x2a: {  	s12 =	rddreg [dreg:$0xa];
	[sflag:s22] =	ssyncadd.s32 $0xFFFFD900;
	s10 =	sshrl.u32 @!p2 s10, $0x3  }
0x2b: {  	[hbm:s12], [sflag:s8] =	dma.local @!p2 [spmem:s10], $0x100  }
0x2c: {  	s8 =	simm.s32 @!p2 $0x17  }
0x2d: {  	_ =	swait.ge @!p2 [sflag:s8], $0x100  }
0x2e: {  	s16 =	rddreg [dreg:$0x12]  }
0x2f: {  	s23 =	rddreg [dreg:$0xb];
	s16 =	sadd.s32 $0x1, s16  }
0x30: {  	p4 =	sne.s32 s16, s23  }
.Ltmp1:
0x31: {  	_ = 	snop;
	(pc) =	sbr.rel @!p4 .LBB2_35-.Ltmp1, $3  }
0x32: {  	_ =	sdelay $0x1  }
0x33: {  	[sflag:s8] =	ssyncset.done @!p2 $0x0  }
0x34: {  	s12 =	simm.s32 $0x16;
	[sflag:s8] =	ssyncadd.s32 @!p2 $0xFFFFFF00  }
.LBB2_1:
.Ltmp2:
0x35: {  	(pc) =	sbr.rel @p0 .LBB2_3-.Ltmp2, $4  }
0x36: {  	_ = 	snop  }
0x37: {  	s8 =	rddreg [dreg:$0x5]  }
0x38: {  	[dreg:$0x12] =	wrdreg s16  }
0x39: {  	[tilespmem:s5], [sflag:$0x16] =	stream.linear.gather [hbm4b:s8+s5], $0x2710, $0x38;
	[tilespmem:$0x1F000] =	vst v63  }
0x3a: {  	s8 =	rddreg [dreg:$0x8]  }
0x3b: {  	s10 =	rddreg [dreg:$0xf]  }
0x3c: {  	[spmem:s13], [sflag:s10] =	dma.local [hbm:s8], $0x2700  }
.Ltmp3:
0x3d: {  	_ = 	snop;
	(pc) =	sbr.rel @p1 .LBB2_4-.Ltmp3, $4  }
.Ltmp4:
0x3e: {  	_ = 	snop;
	(pc) =	sbr.rel @!p1 .LBB2_5-.Ltmp4, $4  }
0x3f: {  	_ =	swait.ge [sflag:s12], $0x2700  }
0x40: {  	[sflag:s12] =	ssyncset.done $0x0  }
0x41: {  	s13 =	smov.u32 s1;
	[sflag:s12] =	ssyncadd.s32 $0xFFFFD900  }
0x42: {  	_ = 	snop  }
.LBB2_3:
0x43: {  	s8 =	rddreg [dreg:$0xe]  }
.Ltmp5:
0x44: {  	s23 =	rddreg [dreg:$0x6];
	s10 =	sor.u32 $0x1C16, s8;
	(pc) =	sbr.rel @p2 .LBB2_5-.Ltmp5, $4  }
0x45: {  	[spmem:s13], [sflag:s10] =	dma.local [hbm:s23], $0x2700  }
0x46: {  	_ =	swait.ge [sflag:s12], $0x2700  }
0x47: {  	[sflag:s12] =	ssyncset.done $0x0  }
0x48: {  	s13 =	rddreg [dreg:$0x4];
	[sflag:s12] =	ssyncadd.s32 $0xFFFFD900  }
.LBB2_4:
0x49: {  	s13 =	sadd.s32 $0x27000, s13;
	s8 =	rddreg [dreg:$0x11]  }
0x4a: {  	[spmem:s8], [sflag:s10] =	dma.local [hbm:s13], $0x100  }
0x4b: {  	_ =	swait.ge [sflag:s12], $0x100  }
0x4c: {  	[sflag:s12] =	ssyncset.done $0x0  }
0x4d: {  	[sflag:s12] =	ssyncadd.s32 $0xFFFFFF00  }
.LBB2_5:
0x4e: {  	_ =	swait.ge [sflag:s12], $0x2710  }
.Ltmp6:
0x4f: {  	[sflag:s12] =	ssyncset.done $0x0;
	(pc) =	sbr.rel .LBB2_6-.Ltmp6, $4  }
0x50: {  	[sflag:s12] =	ssyncadd.s32 $0xFFFFD8F0  }
0x51: {  	[bflag:$0x0] =	sbarrier.arrive $0xFFFF  }
0x52: {  	s18 =	simm.s32 $0x0;
	s22 =	simm.s32 $0x28;
	s13 =	rddreg [dreg:$0xd]  }
0x53: {  	s23 =	simm.s32 $0xFFFFFFF9;
	s16 =	simm.s32 $0x0;
	s10 =	rddreg [dreg:$0xc]  }
.LBB2_32:
0x54: {  	s8 =	sadd.s32 $0xF0, s21;
	s12 =	simm.s32 $0xA380  }
0x55: {  	[tilespmem:s12], [sflag:$0xE] =	stream.indirect.gather [hbm4b:s1+s24], $0x80, s8, s24, $0xb8;
	[tilespmem:$0x1F000] =	vst v63  }
0x56: {  	s8 =	sadd.s32 s4, s8  }
0x57: {  	s8 =	sshrl.u32 s8, $0x3  }
0x58: {  	s21 =	simm.s32 $0x2A80;
	s8 =	sadd.s32 s6, s8  }
0x59: {  	[tilespmem:s21], [sflag:$0x7] =	stream.linear.gather [hbm4b:s8+s5], $0x28, $0x38;
	[tilespmem:$0x1F000] =	vst v63  }
.LBB2_33:
0x5a: {  	_ =	swait.ge [sflag:s15], $0x1400;
	s23 =	sadd.s32 $0x7, s23  }
0x5b: {  	[sflag:s15] =	ssyncset.done $0x0;
	p4 =	sne.s32 s23, $0xFC  }
.Ltmp7:
0x5c: {  	[sflag:s15] =	ssyncadd.s32 $0xFFFFEC00;
	(pc) =	sbr.rel @!p4 .LBB2_34-.Ltmp7, $4  }
0x5d: {  	s16 =	sadd.s32 $0x1, s16;
	_ =	swait.ge [sflag:s17], $0x28  }
0x5e: {  	s18 =	sadd.s32 $0x118, s18;
	s10 =	sadd.s32 $0x23, s10;
	[sflag:s17] =	ssyncset.done $0x0  }
0x5f: {  	s22 =	sadd.s32 $0x118, s22;
	s13 =	sadd.s32 $0x23, s13;
	[sflag:s17] =	ssyncadd.s32 $0xFFFFFFD8  }
0x60: {  	[spmem:s3] =	stream.indirect.scatter.add.f32 [tilespmem:s26], [sflag:$0x10], $0x80, s25, s24, $0xb8;
	[tilespmem:$0x1F000] =	vst v63  }
.LBB2_6:
0x61: {  	p4 =	sgt.u32 s23, $0xF9  }
0x62: {  	s19 =	simm.s32 @!p4 $0xF  }
0x63: {  	_ =	swait.ge @!p4 [sflag:s19], $0x1400  }
0x64: {  	[sflag:s19] =	ssyncset.done @!p4 $0x0  }
0x65: {  	[sflag:s19] =	ssyncadd.s32 @!p4 $0xFFFFEC00;
	p4 =	seq.s32 s23, $0xF5  }
0x66: {  	s19 =	sadd.s32 @!p4 $0xFFFFFFD8, s22;
	s21 =	simm.s32 @!p4 $0x28;
	s8 =	simm.s32 @!p4 $0x2B80  }
0x67: {  	[tilespmem:s8], [sflag:$0x8] =	stream.indirect.gather @!p4 [hbm4b:s1+s21], $0x80, s19, s21, $0xb8;
	[tilespmem:$0x1F000] =	vst v63  }
0x68: {  	s8 =	simm.s32 @!p4 $0x0;
	s19 =	simm.s32 @!p4 $0x2780  }
0x69: {  	[tilespmem:s19], [sflag:$0x1] =	stream.linear.gather @!p4 [hbm4b:s13+s8], $0x28, $0x38;
	[tilespmem:$0x1F000] =	vst v63  }
0x6a: {  	s8 =	sadd.s32 @!p4 $0x2, s23  }
0x6b: {  	p5 =	sgt.u32 @!p4 s8, $0xF9  }
0x6c: {  	p5 =	por p4, !p5  }
.Ltmp8:
0x6d: {  	_ = 	snop;
	(pc) =	sbr.rel @!p5 .LBB2_7-.Ltmp8, $1  }
0x6e: {  	_ =	sdelay $0x3  }
0x6f: {  	s8 =	simm.s32 $0xA  }
0x70: {  	_ =	swait.ge [sflag:s8], $0x1400  }
0x71: {  	[sflag:s8] =	ssyncset.done $0x0  }
0x72: {  	s12 =	simm.s32 $0x3;
	s21 =	sadd.s32 $0x1, s23;
	[sflag:s8] =	ssyncadd.s32 $0xFFFFEC00  }
0x73: {  	p5 =	sgt.u32 s21, $0xF9;
	_ =	swait.ge [sflag:s12], $0x28  }
0x74: {  	s19 =	simm.s32 $0x2880;
	s8 =	simm.s32 @!p5 $0x10;
	[sflag:s12] =	ssyncset.done $0x0  }
.Ltmp9:
0x75: {  	[sflag:s12] =	ssyncadd.s32 $0xFFFFFFD8;
	s12 =	simm.s32 $0x5380;
	(pc) =	sbr.rel @!p4 .LBB2_9-.Ltmp9, $4  }
0x76: {  	[spmem:s3] =	stream.indirect.scatter.add.f32 [tilespmem:s12], [sflag:$0x11], $0x80, s19, s24, $0xb8;
	[tilespmem:$0x1F000] =	vst v63  }
0x77: {  	_ =	swait.ge @!p5 [sflag:s8], $0x1400  }
0x78: {  	[sflag:s8] =	ssyncset.done @!p5 $0x0  }
0x79: {  	[sflag:s8] =	ssyncadd.s32 @!p5 $0xFFFFEC00  }
0x7a: {  	_ =	swait.ge [sflag:s28], $0x1400  }
0x7b: {  	[sflag:s28] =	ssyncset.done $0x0  }
0x7c: {  	[sflag:s28] =	ssyncadd.s32 $0xFFFFEC00  }
0x7d: {  	_ =	swait.ge [sflag:s29], $0x28  }
0x7e: {  	[sflag:s29] =	ssyncset.done $0x0  }
0x7f: {  	[sflag:s29] =	ssyncadd.s32 $0xFFFFFFD8  }
0x80: {  	[spmem:s3] =	stream.indirect.scatter.add.f32 [tilespmem:s31], [sflag:$0x12], $0x80, s30, s24, $0xb8;
	[tilespmem:$0x1F000] =	vst v63  }
0x81: {  	_ =	swait.ge [sflag:s2], $0x1400  }
0x82: {  	[sflag:s2] =	ssyncset.done $0x0  }
0x83: {  	[sflag:s2] =	ssyncadd.s32 $0xFFFFEC00  }
0x84: {  	_ =	swait.ge [sflag:s0], $0x1400  }
0x85: {  	[sflag:s0] =	ssyncset.done $0x0  }
.Ltmp10:
0x86: {  	[sflag:s0] =	ssyncadd.s32 $0xFFFFEC00;
	(pc) =	sbr.rel .LBB2_20-.Ltmp10, $4  }
0x87: {  	_ =	swait.ge [sflag:s9], $0x28  }
0x88: {  	[sflag:s9] =	ssyncset.done $0x0  }
0x89: {  	[sflag:s9] =	ssyncadd.s32 $0xFFFFFFD8  }
0x8a: {  	[spmem:s3] =	stream.indirect.scatter.add.f32 [tilespmem:s7], [sflag:$0x13], $0x80, s11, s24, $0xb8;
	[tilespmem:$0x1F000] =	vst v63  }
.LBB2_7:
.Ltmp11:
0x8b: {  	(pc) =	sbr.rel .LBB2_10-.Ltmp11, $2  }
0x8c: {  	_ =	sdelay $0x2  }
0x8d: {  	s21 =	smul.u32 @!p4 $0x118, s16;
	p6 =	por @!p4 $0x0, $0x0  }
.LBB2_9:
0x8e: {  	s21 =	smul.u32 $0x118, s16;
	p6 =	por $0x1, $0x1  }
.LBB2_10:
0x8f: {  	s19 =	sadd.s32 $0x3, s23  }
0x90: {  	p5 =	sgt.u32 s19, $0xF9  }
.Ltmp12:
0x91: {  	_ = 	snop;
	(pc) =	sbr.rel @p5 .LBB2_12-.Ltmp12, $4  }
0x92: {  	_ = 	snop  }
0x93: {  	[tilespmem:s26], [sflag:$0x9] =	stream.indirect.gather [hbm4b:s1+s24], $0x80, s22, s24, $0xb8;
	[tilespmem:$0x1F000] =	vst v63  }
0x94: {  	_ = 	snop  }
0x95: {  	[tilespmem:s25], [sflag:$0x2] =	stream.linear.gather [hbm4b:s10+s5], $0x28, $0x38;
	[tilespmem:$0x1F000] =	vst v63  }
0x96: {  	_ =	swait.ge [sflag:s28], $0x1400  }
0x97: {  	[sflag:s28] =	ssyncset.done $0x0  }
.Ltmp13:
0x98: {  	[sflag:s28] =	ssyncadd.s32 $0xFFFFEC00;
	(pc) =	sbr.rel @p6 .LBB2_13-.Ltmp13, $4  }
.Ltmp14:
0x99: {  	_ =	swait.ge [sflag:s29], $0x28;
	(pc) =	sbr.rel @!p6 .LBB2_14-.Ltmp14, $4  }
0x9a: {  	[sflag:s29] =	ssyncset.done $0x0  }
0x9b: {  	p5 =	por $0x1, $0x1;
	s21 =	smov.u32 s18;
	[sflag:s29] =	ssyncadd.s32 $0xFFFFFFD8  }
0x9c: {  	[spmem:s3] =	stream.indirect.scatter.add.f32 [tilespmem:s31], [sflag:$0x12], $0x80, s30, s24, $0xb8;
	[tilespmem:$0x1F000] =	vst v63  }
0x9d: {  	_ = 	snop  }
.LBB2_12:
.Ltmp15:
0x9e: {  	(pc) =	sbr.rel @!p6 .LBB2_14-.Ltmp15, $2  }
0x9f: {  	_ =	sdelay $0x2  }
0xa0: {  	p5 =	por $0x0, $0x0  }
.LBB2_13:
0xa1: {  	_ =	swait.ge [sflag:s2], $0x1400  }
0xa2: {  	[sflag:s2] =	ssyncset.done $0x0  }
0xa3: {  	p5 =	slt.u32 s19, $0xFA;
	s21 =	smov.u32 s18;
	[sflag:s2] =	ssyncadd.s32 $0xFFFFEC00  }
.LBB2_14:
0xa4: {  	s8 =	sadd.s32 $0x50, s21;
	s12 =	simm.s32 $0x5380  }
0xa5: {  	[tilespmem:s12], [sflag:$0xA] =	stream.indirect.gather [hbm4b:s1+s24], $0x80, s8, s24, $0xb8;
	[tilespmem:$0x1F000] =	vst v63  }
0xa6: {  	s8 =	sadd.s32 s4, s8  }
0xa7: {  	s8 =	sshrl.u32 s8, $0x3  }
0xa8: {  	s19 =	simm.s32 $0x2880;
	s8 =	sadd.s32 s6, s8  }
0xa9: {  	[tilespmem:s19], [sflag:$0x3] =	stream.linear.gather [hbm4b:s8+s5], $0x28, $0x38;
	[tilespmem:$0x1F000] =	vst v63  }
0xaa: {  	s19 =	sadd.s32 $0x4, s23  }
0xab: {  	p6 =	sgt.u32 s19, $0xF9  }
.Ltmp16:
0xac: {  	_ = 	snop;
	(pc) =	sbr.rel @p6 .LBB2_18-.Ltmp16, $1  }
0xad: {  	_ =	sdelay $0x3  }
0xae: {  	_ =	swait.ge [sflag:s0], $0x1400  }
0xaf: {  	[sflag:s0] =	ssyncset.done $0x0  }
.Ltmp17:
0xb0: {  	[sflag:s0] =	ssyncadd.s32 $0xFFFFEC00;
	(pc) =	sbr.rel @!p5 .LBB2_16-.Ltmp17, $4  }
0xb1: {  	_ =	swait.ge [sflag:s9], $0x28  }
0xb2: {  	[sflag:s9] =	ssyncset.done $0x0  }
0xb3: {  	[sflag:s9] =	ssyncadd.s32 $0xFFFFFFD8  }
0xb4: {  	[spmem:s3] =	stream.indirect.scatter.add.f32 [tilespmem:s7], [sflag:$0x13], $0x80, s11, s24, $0xb8;
	[tilespmem:$0x1F000] =	vst v63  }
.LBB2_20:
.Ltmp18:
0xb5: {  	(pc) =	sbr.rel @!p4 .LBB2_21-.Ltmp18, $4  }
.Ltmp19:
0xb6: {  	s8 =	simm.s32 $0x12;
	(pc) =	sbr.rel @p4 .LBB2_17-.Ltmp19, $4  }
0xb7: {  	_ =	swait.ge [sflag:s8], $0x1400  }
0xb8: {  	[sflag:s8] =	ssyncset.done $0x0  }
0xb9: {  	p6 =	por $0x1, $0x1;
	s21 =	smov.u32 s18;
	[sflag:s8] =	ssyncadd.s32 $0xFFFFEC00  }
0xba: {  	_ = 	snop  }
.LBB2_18:
.Ltmp20:
0xbb: {  	(pc) =	sbr.rel .LBB2_21-.Ltmp20, $4  }
0xbc: {  	s8 =	simm.s32 @p5 $0x12  }
0xbd: {  	_ =	swait.ge @p5 [sflag:s8], $0x1400  }
0xbe: {  	p6 =	por @p5 $0x0, $0x0;
	[sflag:s8] =	ssyncset.done @p5 $0x0  }
0xbf: {  	s21 =	smov.u32 @p5 s18;
	p6 =	por @!p5 p3, p3;
	[sflag:s8] =	ssyncadd.s32 @p5 $0xFFFFEC00  }
.LBB2_16:
.Ltmp21:
0xc0: {  	(pc) =	sbr.rel @p4 .LBB2_17-.Ltmp21, $2  }
0xc1: {  	_ =	sdelay $0x2  }
0xc2: {  	p6 =	por $0x1, $0x1;
	s21 =	smov.u32 s18  }
.LBB2_21:
0xc3: {  	s8 =	sadd.s32 $0x78, s21;
	s19 =	sadd.s32 $0x5, s23  }
0xc4: {  	[tilespmem:s31], [sflag:$0xB] =	stream.indirect.gather [hbm4b:s1+s24], $0x80, s8, s24, $0xb8;
	[tilespmem:$0x1F000] =	vst v63  }
0xc5: {  	p5 =	sgt.u32 s19, $0xF9  }
.Ltmp22:
0xc6: {  	_ = 	snop;
	(pc) =	sbr.rel @p5 .LBB2_23-.Ltmp22, $4  }
0xc7: {  	s8 =	sadd.s32 s4, s8  }
0xc8: {  	s8 =	sshrl.u32 s8, $0x3  }
0xc9: {  	s8 =	sadd.s32 s6, s8  }
0xca: {  	[tilespmem:s30], [sflag:$0x4] =	stream.linear.gather [hbm4b:s8+s5], $0x28, $0x38;
	[tilespmem:$0x1F000] =	vst v63  }
0xcb: {  	s8 =	simm.s32 $0xD  }
0xcc: {  	_ =	swait.ge [sflag:s8], $0x1400  }
0xcd: {  	[sflag:s8] =	ssyncset.done $0x0  }
.Ltmp23:
0xce: {  	s12 =	simm.s32 $0x6;
	[sflag:s8] =	ssyncadd.s32 $0xFFFFEC00;
	(pc) =	sbr.rel @p6 .LBB2_24-.Ltmp23, $4  }
.Ltmp24:
0xcf: {  	_ =	swait.ge [sflag:s12], $0x28;
	(pc) =	sbr.rel @!p6 .LBB2_25-.Ltmp24, $4  }
0xd0: {  	[sflag:s12] =	ssyncset.done $0x0  }
0xd1: {  	s8 =	simm.s32 $0x2A00;
	[sflag:s12] =	ssyncadd.s32 $0xFFFFFFD8;
	s12 =	simm.s32 $0x8F80  }
0xd2: {  	[spmem:s3] =	stream.indirect.scatter.add.f32 [tilespmem:s12], [sflag:$0x14], $0x80, s8, s24, $0xb8;
	[tilespmem:$0x1F000] =	vst v63  }
0xd3: {  	_ = 	snop  }
.LBB2_23:
.Ltmp25:
0xd4: {  	(pc) =	sbr.rel @!p6 .LBB2_25-.Ltmp25, $1  }
0xd5: {  	_ =	sdelay $0x3  }
.LBB2_24:
0xd6: {  	s8 =	simm.s32 $0x13  }
0xd7: {  	_ =	swait.ge [sflag:s8], $0x1400  }
0xd8: {  	[sflag:s8] =	ssyncset.done $0x0  }
0xd9: {  	[sflag:s8] =	ssyncadd.s32 $0xFFFFEC00  }
.LBB2_25:
0xda: {  	s8 =	sadd.s32 $0xA0, s21;
	s12 =	sadd.s32 $0x6, s23  }
0xdb: {  	[tilespmem:s7], [sflag:$0xC] =	stream.indirect.gather [hbm4b:s1+s24], $0x80, s8, s24, $0xb8;
	[tilespmem:$0x1F000] =	vst v63  }
0xdc: {  	p4 =	sgt.u32 s12, $0xF9  }
.Ltmp26:
0xdd: {  	_ = 	snop;
	(pc) =	sbr.rel @p4 .LBB2_27-.Ltmp26, $4  }
0xde: {  	s8 =	sadd.s32 s4, s8  }
0xdf: {  	s8 =	sshrl.u32 s8, $0x3  }
0xe0: {  	s8 =	sadd.s32 s6, s8  }
0xe1: {  	[tilespmem:s11], [sflag:$0x5] =	stream.linear.gather [hbm4b:s8+s5], $0x28, $0x38;
	[tilespmem:$0x1F000] =	vst v63  }
0xe2: {  	s8 =	simm.s32 $0xE  }
0xe3: {  	_ =	swait.ge [sflag:s8], $0x1400  }
0xe4: {  	p5 =	slt.u32 s19, $0xFA;
	[sflag:s8] =	ssyncset.done $0x0  }
.Ltmp27:
0xe5: {  	s12 =	simm.s32 $0x7;
	[sflag:s8] =	ssyncadd.s32 $0xFFFFEC00;
	(pc) =	sbr.rel @p5 .LBB2_28-.Ltmp27, $4  }
.Ltmp28:
0xe6: {  	_ =	swait.ge [sflag:s12], $0x28;
	(pc) =	sbr.rel @!p5 .LBB2_29-.Ltmp28, $4  }
0xe7: {  	[sflag:s12] =	ssyncset.done $0x0  }
0xe8: {  	s8 =	simm.s32 $0x2A80;
	[sflag:s12] =	ssyncadd.s32 $0xFFFFFFD8;
	s12 =	simm.s32 $0xA380  }
0xe9: {  	[spmem:s3] =	stream.indirect.scatter.add.f32 [tilespmem:s12], [sflag:$0x15], $0x80, s8, s24, $0xb8;
	[tilespmem:$0x1F000] =	vst v63  }
0xea: {  	_ = 	snop  }
.LBB2_27:
.Ltmp29:
0xeb: {  	(pc) =	sbr.rel @p5 .LBB2_29-.Ltmp29, $1  }
0xec: {  	_ =	sdelay $0x3  }
.LBB2_28:
0xed: {  	s8 =	simm.s32 $0x14  }
0xee: {  	_ =	swait.ge [sflag:s8], $0x1400  }
0xef: {  	[sflag:s8] =	ssyncset.done $0x0  }
0xf0: {  	[sflag:s8] =	ssyncadd.s32 $0xFFFFEC00  }
.LBB2_29:
0xf1: {  	p5 =	sgt.u32 s16, $0x22  }
0xf2: {  	s8 =	sadd.s32 @!p5 $0xC8, s21;
	s19 =	simm.s32 @!p5 $0x28;
	s12 =	simm.s32 @!p5 $0x8F80  }
0xf3: {  	[tilespmem:s12], [sflag:$0xD] =	stream.indirect.gather @!p5 [hbm4b:s1+s19], $0x80, s8, s19, $0xb8;
	[tilespmem:$0x1F000] =	vst v63  }
0xf4: {  	s8 =	sadd.s32 @!p5 s4, s8  }
0xf5: {  	s8 =	sshrl.u32 @!p5 s8, $0x3  }
0xf6: {  	s12 =	simm.s32 @!p5 $0x0;
	s19 =	simm.s32 @!p5 $0x2A00;
	s8 =	sadd.s32 @!p5 s6, s8  }
0xf7: {  	[tilespmem:s19], [sflag:$0x6] =	stream.linear.gather @!p5 [hbm4b:s8+s12], $0x28, $0x38;
	[tilespmem:$0x1F000] =	vst v63  }
0xf8: {  	_ =	swait.ge [sflag:s20], $0x1400  }
0xf9: {  	[sflag:s20] =	ssyncset.done $0x0  }
.Ltmp30:
0xfa: {  	[sflag:s20] =	ssyncadd.s32 $0xFFFFEC00;
	(pc) =	sbr.rel @p4 .LBB2_31-.Ltmp30, $4  }
0xfb: {  	_ =	swait.ge [sflag:s14], $0x28  }
0xfc: {  	[sflag:s14] =	ssyncset.done $0x0  }
0xfd: {  	s12 =	simm.s32 $0x2780;
	s19 =	simm.s32 $0x2B80;
	[sflag:s14] =	ssyncadd.s32 $0xFFFFFFD8  }
0xfe: {  	[spmem:s3] =	stream.indirect.scatter.add.f32 [tilespmem:s19], [sflag:$0xF], $0x80, s12, s24, $0xb8;
	[tilespmem:$0x1F000] =	vst v63  }
0xff: {  	p4 =	slt.u32 s16, $0x23  }
.Ltmp31:
0x100: {  	_ = 	snop;
	(pc) =	sbr.rel @p4 .LBB2_32-.Ltmp31, $4  }
.Ltmp32:
0x101: {  	s8 =	simm.s32 $0x15;
	(pc) =	sbr.rel @!p4 .LBB2_33-.Ltmp32, $4  }
0x102: {  	_ =	swait.ge [sflag:s8], $0x1400  }
0x103: {  	[sflag:s8] =	ssyncset.done $0x0  }
0x104: {  	[sflag:s8] =	ssyncadd.s32 $0xFFFFEC00  }
0x105: {  	_ = 	snop  }
.LBB2_31:
.Ltmp33:
0x106: {  	(pc) =	sbr.rel @p5 .LBB2_33-.Ltmp33, $4  }
.Ltmp34:
0x107: {  	(pc) =	sbr.rel @!p5 .LBB2_32-.Ltmp34, $4  }
0x108: {  	_ = 	snop  }
0x109: {  	_ = 	snop  }
0x10a: {  	_ = 	snop  }
0x10b: {  	_ = 	snop  }
.LBB2_35:
0x10c: {  	_ =	sfence.sel $0x180000  }
0x10d: {  	[bflag:$0x0] =	sbarrier.arrive $0xFFFF  }
0x10e: {  	_ =	strace $0x90000047  }
0x10f: {  	s0 =	stileid.u32;
	[bflag:$0x2] =	sbarrier.arrive $0xFFFF  }
0x110: {  	p0 =	sne.s32 s0, $0x0;
	s0 =	rddreg [dreg:$0x3]  }
0x111: {  	s0 =	sadd.s32 @!p0 $0x100000, s0  }
0x112: {  	[sflag:s0] =	ssyncadd.tile.s32 @!p0 $0x1;
	_ =	shalt  }
.Lfunc_end2:
_tile_overlayer_lowered:
.L_overlay_start_2:
0x113: {  	(tag) =	ssettag $0x2  }
0x114: {  	s0 =	rddreg [dreg:$0x0];
	s2 =	stileid.u32  }
0x115: {  	s1 =	rddreg [dreg:$0x1];
	p0 =	sne.s32 s2, $0x0  }
0x116: {  	s3 =	rddreg [dreg:$0x2];
	[bflag:$0x3] =	sbarrier.arrive $0xFFFF;
	s2 =	simm.s32 @!p0 $0x1C17  }
0x117: {  	[timem:s3], [sflag:s2] =	dma.local @!p0 [hbm:s0], s1  }
0x118: {  	s0 =	simm.s32 @!p0 $0x17  }
0x119: {  	_ =	swait.ge @!p0 [sflag:s0], s1  }
0x11a: {  	s1 =	ssub.s32 @!p0 $0x0, s1;
	[sflag:s0] =	ssyncset.done @!p0 $0x0  }
0x11b: {  	[sflag:s0] =	ssyncadd.s32 @!p0 s1  }
0x11c: {  	[bflag:$0x3] =	sbarrier.arrive $0xFFFF  }
0x11d: {  	_ =	shalt  }

// kernel: kernel.9.cloned.1.call-start
scs
__scs_entry_jumppad:
0x0: {  	(pc) =	sbr.rel $0x88, $3  }
0x1: {  	(tag) =	ssettag $0x0;
	lr =	simm.s32 $0x1  }
0x2: {  	[smem:$0x3F90] =	sst lr;
	_ =	strace $0xD0000000  }
0x3: {  	_ = 	snop  }
0x4: {  	_ = 	snop  }
0x5: {  	_ = 	snop  }
0x6: {  	_ = 	snop  }
0x7: {  	_ = 	snop  }
__scs_overlays_trampoline_lowered:
0x8: {  	[smem:$0x3F9F] =	sst s0  }
0x9: {  	[smem:$0x3FA0] =	sst s1  }
0xa: {  	[smem:$0x3FA1] =	sst s2  }
0xb: {  	[smem:$0x3FA2] =	sst s3  }
0xc: {  	[smem:$0x3FA3] =	sst s4  }
0xd: {  	[smem:$0x3FA4] =	sst s5  }
0xe: {  	[smem:$0x3FA5] =	sst s6  }
0xf: {  	[smem:$0x3FA6] =	sst s7  }
0x10: {  	[smem:$0x3FA7] =	sst s8  }
0x11: {  	[smem:$0x3FA8] =	sst s9;
	s0 =	simm.s32 @!p0 $0x0  }
0x12: {  	s1 =	sld [smem:$0x3F8E];
	s0 =	simm.s32 @p0 $0x1  }
0x13: {  	[smem:$0x3FA9] =	sst s0;
	s0 =	simm.s32 @!p1 $0x0  }
0x14: {  	s2 =	sld [smem:$0x3F8D];
	s0 =	simm.s32 @p1 $0x1  }
0x15: {  	[smem:$0x3FAA] =	sst s0;
	s0 =	simm.s32 @!p2 $0x0  }
0x16: {  	s3 =	sld [smem:$0x3FDB];
	s0 =	simm.s32 @p2 $0x1  }
0x17: {  	s4 =	simm.s32 $0x1BF5;
	[smem:$0x3FAC] =	sst s0  }
0x18: {  	s0 =	sld [smem:$0x3F8F];
	_ =	swait.ge [sflag:s4], $0x0  }
0x19: {  	s7 =	sld [smem:$0x3F90]  }
0x1a: {  	s8 =	sadd.s32 $0xFFFFE003, lr  }
0x1b: {  	s9 =	sadd.s32 $0xFFFFFEF7, lr;
	s5 =	simm.s32 $0xFFFFFFFF;
	p2 =	slt.u32 s8, $0xFFFFF086  }
0x1c: {  	p1 =	slt.u32 s9, $0xF7A;
	s5 =	simm.s32 @!p2 $0x0  }
0x1d: {  	s5 =	simm.s32 @p1 $0x1;
	p0 =	seq.s32 s7, s2  }
0x1e: {  	s7 =	smul.u32 @!p0 $0xF7A, s2;
	p2 =	seq.s32 @!p0 s5, $0x0  }
0x1f: {  	s9 =	smul.u32 $0xF7A, s1;
	s8 =	simm.s32 @!p0 $0x1BF5;
	p2 =	por !p2, p0  }
0x20: {  	[sflag:s8] =	ssyncset.s32 @!p0 $0xFFFFF086;
	s6 =	sadd.s32 @!p0 s3, s7;
	s7 =	simm.s32 @!p0 $0x108  }
0x21: {  	s3 =	sadd.s32 s3, s9;
	s6 =	sadd.s32 @!p0 $0x88, s6;
	s7 =	simm.s32 @p2 $0x1082  }
0x22: {  	[simem:s7], [sflag:s8] =	dma.local @!p0 [hbm:s6], $0xF7A  }
0x23: {  	s9 =	sor.u32 $0xD0000000, s2;
	s6 =	simm.s32 $0x108;
	_ =	swait.ge @!p0 [sflag:s8], $0x0  }
0x24: {  	s3 =	sadd.s32 $0x88, s3;
	s6 =	simm.s32 @!p1 $0x1082;
	[sflag:s4] =	ssyncset.s32 $0xFFFFF086  }
0x25: {  	[simem:s6], [sflag:s4] =	dma.local [hbm:s3], $0xF7A  }
0x26: {  	[smem:$0x3F90] =	sst s1;
	(tag) =	ssettag s2;
	_ =	strace s9  }
0x27: {  	s1 =	sld [smem:$0x3FA0]  }
0x28: {  	s2 =	sld [smem:$0x3FA1]  }
0x29: {  	s4 =	sld [smem:$0x3FA3]  }
0x2a: {  	p0 =	seq.s32 s5, $0x0;
	s5 =	sld [smem:$0x3FA4]  }
0x2b: {  	s6 =	sld [smem:$0x3FA5]  }
0x2c: {  	s7 =	sld [smem:$0x3FA6]  }
0x2d: {  	s3 =	simm.s32 $0x108;
	s8 =	sld [smem:$0x3FA7]  }
0x2e: {  	s3 =	simm.s32 @!p0 $0x1082;
	s9 =	sld [smem:$0x3FA8]  }
0x2f: {  	lr =	sadd.s32 s0, s3;
	s0 =	sld [smem:$0x3F9F]  }
0x30: {  	s3 =	sld [smem:$0x3FA2]  }
0x31: {  	[smem:$0x3FAB] =	sst s10  }
0x32: {  	s10 =	sld [smem:$0x3FA9];
	_ =	sdelay $0x3  }
0x33: {  	p0 =	seq.s32 s10, $0x1;
	s10 =	sld [smem:$0x3FAB];
	_ =	sdelay $0x3  }
0x34: {  	[smem:$0x3FAB] =	sst s10  }
0x35: {  	s10 =	sld [smem:$0x3FAA];
	_ =	sdelay $0x3  }
0x36: {  	p1 =	seq.s32 s10, $0x1;
	s10 =	sld [smem:$0x3FAB];
	_ =	sdelay $0x3  }
0x37: {  	[smem:$0x3FAB] =	sst s10  }
0x38: {  	s10 =	sld [smem:$0x3FAC]  }
0x39: {  	_ = 	snop;
	(pc) =	sbr.ind lr, $3  }
0x3a: {  	_ = 	snop  }
0x3b: {  	_ = 	snop  }
0x3c: {  	p2 =	seq.s32 s10, $0x1;
	s10 =	sld [smem:$0x3FAB]  }
0x3d: {  	_ =	shalt  }
0x3e: {  	_ =	shalt  }
0x3f: {  	_ =	shalt  }
0x40: {  	_ =	shalt  }
0x41: {  	_ =	shalt  }
0x42: {  	_ =	shalt  }
0x43: {  	_ =	shalt  }
0x44: {  	_ =	shalt  }
0x45: {  	_ =	shalt  }
0x46: {  	_ =	shalt  }
0x47: {  	_ =	shalt  }
0x48: {  	_ =	shalt  }
0x49: {  	_ =	shalt  }
0x4a: {  	_ =	shalt  }
0x4b: {  	_ =	shalt  }
0x4c: {  	_ =	shalt  }
0x4d: {  	_ =	shalt  }
0x4e: {  	_ =	shalt  }
0x4f: {  	_ =	shalt  }
0x50: {  	_ =	shalt  }
0x51: {  	_ =	shalt  }
0x52: {  	_ =	shalt  }
0x53: {  	_ =	shalt  }
0x54: {  	_ =	shalt  }
0x55: {  	_ =	shalt  }
0x56: {  	_ =	shalt  }
0x57: {  	_ =	shalt  }
0x58: {  	_ =	shalt  }
0x59: {  	_ =	shalt  }
0x5a: {  	_ =	shalt  }
0x5b: {  	_ =	shalt  }
0x5c: {  	_ =	shalt  }
0x5d: {  	_ =	shalt  }
0x5e: {  	_ =	shalt  }
0x5f: {  	_ =	shalt  }
0x60: {  	_ =	shalt  }
0x61: {  	_ =	shalt  }
0x62: {  	_ =	shalt  }
0x63: {  	_ =	shalt  }
0x64: {  	_ =	shalt  }
0x65: {  	_ =	shalt  }
0x66: {  	_ =	shalt  }
0x67: {  	_ =	shalt  }
0x68: {  	_ =	shalt  }
0x69: {  	_ =	shalt  }
0x6a: {  	_ =	shalt  }
0x6b: {  	_ =	shalt  }
0x6c: {  	_ =	shalt  }
0x6d: {  	_ =	shalt  }
0x6e: {  	_ =	shalt  }
0x6f: {  	_ =	shalt  }
0x70: {  	_ =	shalt  }
0x71: {  	_ =	shalt  }
0x72: {  	_ =	shalt  }
0x73: {  	_ =	shalt  }
0x74: {  	_ =	shalt  }
0x75: {  	_ =	shalt  }
0x76: {  	_ =	shalt  }
0x77: {  	_ =	shalt  }
0x78: {  	_ =	shalt  }
0x79: {  	_ =	shalt  }
0x7a: {  	_ =	shalt  }
0x7b: {  	_ =	shalt  }
0x7c: {  	_ =	shalt  }
0x7d: {  	_ =	shalt  }
0x7e: {  	_ =	shalt  }
0x7f: {  	_ =	shalt  }
0x80: {  	_ =	shalt  }
0x81: {  	_ =	shalt  }
0x82: {  	_ =	shalt  }
0x83: {  	_ =	shalt  }
0x84: {  	_ =	shalt  }
0x85: {  	_ =	shalt  }
0x86: {  	_ =	shalt  }
0x87: {  	_ =	shalt  }
.Lfunc_end0:
.L_simem_size_0:
called_computation.1_lowered:
.L_overlay_start_0:
0x88: {  	s2 =	sld [smem:$0x3FD9]  }
0x89: {  	s3 =	sld [smem:$0x3FFE];
	_ =	sdelay $0x1  }
0x8a: {  	s1 =	srdreg.scid  }
0x8b: {  	s0 =	sand.u32 $0x1, s1  }
0x8c: {  	s16 =	sshll.u32 s0, $0xA;
	s2 =	sadd.s32 s3, s2  }
0x8d: {  	s2 =	sadd.s32 s2, s16  }
0x8e: {  	[smem:$0x3FB7] =	sst s2  }
0x8f: {  	_ = 	snop  }
0x90: {  	(tm) =	ssettm $0x1  }
0x91: {  	s17 =	sld [smem:$0x3FFB];
	_ =	sdelay $0x3  }
0x92: {  	_ =	strace s17  }
0x93: {  	s2 =	sld [smem:$0x3FFC];
	_ =	sdelay $0x3  }
0x94: {  	_ =	strace s2  }
0x95: {  	s2 =	sld [smem:$0x3FFD];
	_ =	sdelay $0x3  }
0x96: {  	_ =	strace s2  }
0x97: {  	_ =	strace $0x8FFFFFFF  }
0x98: {  	s18 =	sld [smem:$0x3FDB];
	_ =	sdelay $0x1  }
0x99: {  	s19 =	simm.s32 $_scs_section_size  }
0x9a: {  	s4 =	simm.s32 $_size__tile_overlayer_lowered;
	s5 =	simm.s32 $_tile_overlayer_lowered  }
0x9b: {  	s22 =	simm.s32 $0x1BFF;
	s21 =	sshll.u32 s5, $0x1;
	s2 =	sadd.s32 s19, s18  }
0x9c: {  	s6 =	simm.s32 $0x0;
	s20 =	sshll.u32 s4, $0x1;
	s4 =	sadd.s32 s21, s2  }
0x9d: {  	[timem:s6], [sflag:s22] =	dma.local [hbm:s4], s20  }
0x9e: {  	_ =	swait.ge [sflag:s22], s20  }
0x9f: {  	s3 =	ssub.s32 $0x0, s20;
	[sflag:s22] =	ssyncset.done $0x0  }
0xa0: {  	[sflag:s22] =	ssyncadd.s32 s3;
	_ =	sdelay $0x1  }
0xa1: {  	s23 =	simm.s32 $0x1B8B  }
0xa2: {  	_ =	swait.ge [sflag:s23], $0x1  }
0xa3: {  	[sflag:s23] =	ssyncset.done $0x0  }
0xa4: {  	s25 =	simm.s32 $0x1B8E;
	s24 =	sld [smem:$0x3FFE];
	[sflag:s23] =	ssyncadd.s32 $0xFFFFFFFF  }
0xa5: {  	s26 =	simm.s32 $execute0_lowered;
	[smem:$0x3FD2] =	sst s25  }
0xa6: {  	s4 =	sshll.u32 s26, $0x1;
	_ =	strace $0x80000049;
	[dreg:$0x1] =	wrdreg $0xFFFFFFFF  }
0xa7: {  	s28 =	simm.s32 $_size_execute0_lowered;
	s2 =	sadd.s32 s2, s4;
	[dreg:$0x0] =	wrdreg $0x0  }
0xa8: {  	s4 =	sshll.u32 s28, $0x1;
	[dreg:$0x2] =	wrdreg s2  }
0xa9: {  	[dreg:$0x3] =	wrdreg s4  }
0xaa: {  	[dreg:$0x4] =	wrdreg $0xC0  }
0xab: {  	_ =	task [dreg:s6], $0x5FFFF  }
0xac: {  	[dreg:$0x1] =	wrdreg $0xFFFFFFFF  }
0xad: {  	[dreg:$0x0] =	wrdreg $0x60  }
0xae: {  	[dreg:$0x2] =	wrdreg s24  }
0xaf: {  	[dreg:$0x3] =	wrdreg $0xB7800  }
0xb0: {  	[dreg:$0x4] =	wrdreg $0x9  }
0xb1: {  	_ =	task.clear_ibuf [dreg:s6], $0x5FFFF;
	_ =	strace $0x90000049  }
0xb2: {  	s29 =	simm.s32 $0x9;
	_ =	strace $0x8000004B  }
0xb3: {  	_ =	swait.ge [sflag:s29], $0x1  }
0xb4: {  	[sflag:s29] =	ssyncadd.s32 $0xFFFFFFFF  }
0xb5: {  	_ =	strace $0x9000004B  }
0xb6: {  	_ =	sfence  }
0xb7: {  	s30 =	sld [smem:$0x0];
	_ =	sdelay $0x2  }
0xb8: {  	s31 =	sshll.u32 s1, $0xD;
	s1 =	sshrl.u32 s1, $0x2  }
0xb9: {  	s3 =	sand.u32 $0x4000, s31;
	s1 =	sadd.s32 s1, s30  }
0xba: {  	s0 =	sor.u32 s3, s0;
	s1 =	sshll.u32 s1, $0x11  }
0xbb: {  	s0 =	sor.u32 s1, s0  }
0xbc: {  	s0 =	sadd.s32 $0x8F2B, s0  }
0xbd: {  	[sflag:s0] =	ssyncadd.remote.s32 $0x1  }
0xbe: {  	_ =	sfence.sel $0xFFFF  }
0xbf: {  	[dreg:$0x0] =	wrdreg $0xFFFFFFFF;
	(pc) =	sbr.abs _section_cstart, $3  }
0xc0: {  	[dreg:$0x1] =	wrdreg $0xFFFFFFFF  }
0xc1: {  	_ =	task.clear_ibuf [dreg:s6], $0x2FFFF;
	_ =	strace $0x9FFFFFFF  }
0xc2: {  	(tm) =	ssettm $0x7FFFFFFF  }
0xc3: {  	_ =	shalt  }
tec
execute0_lowered:
.L_overlay_start_1:
0x0: {  	(tag) =	ssettag $0x1  }
0x1: {  	s0 =	srdreg.scid;
	s1 =	rddreg [dreg:$0x0]  }
0x2: {  	s14 =	stileid.u32;
	s2 =	rddreg [dreg:$0x1];
	p3 =	por $0x0, $0x0  }
0x3: {  	s28 =	simm.s32 $0xB;
	s29 =	simm.s32 $0x4;
	s8 =	smul.u32 $0x4E000, s14  }
0x4: {  	s30 =	simm.s32 $0x2900;
	s31 =	simm.s32 $0x6780;
	s10 =	smul.u32 $0x2700, s14  }
0x5: {  	s0 =	sand.u32 $0x1, s0;
	s3 =	sshll.u32 s14, $0x1;
	s16 =	smul.u32 $0x13800, s14  }
0x6: {  	s5 =	sadd.s32 $0x3D200, s1;
	s13 =	sadd.s32 $0x16000, s1;
	s18 =	smul.u32 $0x4E20, s14  }
0x7: {  	s15 =	sadd.s32 $0x138000, s2;
	p1 =	seq.s32 s14, $0xF;
	s25 =	sshll.u32 s14, $0x6  }
0x8: {  	p2 =	sne.s32 s14, $0xF;
	s14 =	simm.s32 $0x1;
	s4 =	sor.u32 s0, s3  }
0x9: {  	s3 =	simm.s32 $0x0;
	s9 =	ssub.s32 $0x2, s0;
	s12 =	smul.u32 $0x138800, s0  }
0xa: {  	s19 =	smul.u32 $0x2710, s0;
	p0 =	sne.s32 s0, $0x0;
	s0 =	sor.u32 $0x1C16, s25  }
0xb: {  	s26 =	sshrl.u32 s15, $0x3;
	s4 =	smul.u32 $0x2710, s4;
	[smem:$0x7FF] =	sst s3  }
0xc: {  	s11 =	sshrl.u32 s9, $0x1;
	_ =	strace $0x8000004A;
	[dreg:$0x3] =	wrdreg s13  }
0xd: {  	s17 =	sshrl.u32 s8, $0x2;
	s9 =	ssub.s32 s9, s11;
	[dreg:$0xd] =	wrdreg s25  }
0xe: {  	s13 =	sadd.s32 s13, s10;
	s10 =	sadd.s32 s5, s10;
	[dreg:$0xe] =	wrdreg s0  }
0xf: {  	s20 =	sadd.s32 s16, s12;
	s21 =	sshrl.u32 s12, $0x3;
	[dreg:$0x6] =	wrdreg s15  }
0x10: {  	s8 =	sadd.s32 s19, s18;
	s12 =	simm.s32 $0x16;
	[dreg:$0x10] =	wrdreg s26  }
0x11: {  	s0 =	simm.s32 $0xC;
	s11 =	simm.s32 $0x2980;
	s15 =	simm.s32 $0x9  }
0x12: {  	s25 =	simm.s32 $0x2800;
	s26 =	simm.s32 $0x3F80;
	[dreg:$0x5] =	wrdreg s13  }
0x13: {  	s16 =	simm.s32 $0x0;
	s6 =	sshrl.u32 s4, $0x3;
	[dreg:$0x7] =	wrdreg s10  }
0x14: {  	s10 =	sshrl.u32 s20, $0x3;
	s22 =	sadd.s32 $0x28, s8;
	s8 =	sshrl.u32 s8, $0x3  }
0x15: {  	s9 =	smax.u32 s9, $0x1;
	s20 =	simm.s32 $0x8;
	s7 =	sadd.s32 s6, s1  }
0x16: {  	s6 =	sadd.s32 $0x2400, s1;
	s1 =	sadd.s32 $0x64400, s1;
	s23 =	sshrl.u32 s22, $0x3  }
0x17: {  	[dreg:$0xa] =	wrdreg s9;
	s9 =	simm.s32 $0x5;
	s7 =	sadd.s32 $0xC200, s7  }
0x18: {  	s10 =	sadd.s32 s1, s10;
	s1 =	sadd.s32 s1, s21;
	[dreg:$0x4] =	wrdreg s7  }
.Ltmp0:
0x19: {  	s24 =	sadd.s32 s8, s6;
	[dreg:$0x8] =	wrdreg s10;
	(pc) =	sbr.rel .LBB2_1-.Ltmp0, $4  }
0x1a: {  	s7 =	sadd.s32 s17, s2;
	s1 =	sadd.s32 $0x27000, s1;
	[dreg:$0xc] =	wrdreg s24  }
0x1b: {  	s24 =	simm.s32 $0x28;
	[dreg:$0x9] =	wrdreg s1;
	s1 =	sadd.s32 s23, s6  }
0x1c: {  	s17 =	simm.s32 $0x2;
	s13 =	sshrl.u32 s7, $0x3;
	[dreg:$0xb] =	wrdreg s1  }
0x1d: {  	s7 =	simm.s32 $0x7B80;
	s1 =	simm.s32 $0x11;
	[dreg:$0xf] =	wrdreg s13  }
.LBB2_17:
0x1e: {  	s8 =	simm.s32 $0x13  }
0x1f: {  	_ =	swait.ge [sflag:s8], $0x1400  }
0x20: {  	[sflag:s8] =	ssyncset.done $0x0  }
0x21: {  	[sflag:s8] =	ssyncadd.s32 $0xFFFFEC00  }
.LBB2_34:
0x22: {  	[bflag:$0x0] =	sbarrier.arrive $0xFFFF  }
0x23: {  	s8 =	rddreg [dreg:$0xd]  }
0x24: {  	s10 =	rddreg [dreg:$0x8]  }
0x25: {  	s22 =	simm.s32 $0x17;
	s13 =	rddreg [dreg:$0xf];
	s8 =	sor.u32 $0x1C17, s8  }
0x26: {  	[hbm:s10], [sflag:s8] =	dma.local [spmem:s13], $0x2700  }
0x27: {  	_ =	swait.ge [sflag:s22], $0x2700  }
0x28: {  	[sflag:s22] =	ssyncset.done $0x0;
	s10 =	rddreg [dreg:$0x6]  }
0x29: {  	s12 =	rddreg [dreg:$0x9];
	[sflag:s22] =	ssyncadd.s32 $0xFFFFD900;
	s10 =	sshrl.u32 @!p2 s10, $0x3  }
0x2a: {  	[hbm:s12], [sflag:s8] =	dma.local @!p2 [spmem:s10], $0x100  }
0x2b: {  	s8 =	simm.s32 @!p2 $0x17  }
0x2c: {  	_ =	swait.ge @!p2 [sflag:s8], $0x100  }
0x2d: {  	s16 =	rddreg [dreg:$0x11]  }
0x2e: {  	s23 =	rddreg [dreg:$0xa];
	s16 =	sadd.s32 $0x1, s16  }
0x2f: {  	p4 =	sne.s32 s16, s23  }
.Ltmp1:
0x30: {  	_ = 	snop;
	(pc) =	sbr.rel @!p4 .LBB2_35-.Ltmp1, $3  }
0x31: {  	_ =	sdelay $0x1  }
0x32: {  	[sflag:s8] =	ssyncset.done @!p2 $0x0  }
0x33: {  	s12 =	simm.s32 $0x16;
	[sflag:s8] =	ssyncadd.s32 @!p2 $0xFFFFFF00  }
.LBB2_1:
.Ltmp2:
0x34: {  	(pc) =	sbr.rel @p0 .LBB2_3-.Ltmp2, $4  }
0x35: {  	_ = 	snop  }
0x36: {  	s8 =	rddreg [dreg:$0x4]  }
0x37: {  	[dreg:$0x11] =	wrdreg s16  }
0x38: {  	[tilespmem:s3], [sflag:$0x16] =	stream.linear.gather [hbm4b:s8+s3], $0x2710, $0x38;
	[tilespmem:$0x1F000] =	vst v63  }
0x39: {  	s8 =	rddreg [dreg:$0x7]  }
0x3a: {  	s10 =	rddreg [dreg:$0xe]  }
0x3b: {  	[spmem:s13], [sflag:s10] =	dma.local [hbm:s8], $0x2700  }
.Ltmp3:
0x3c: {  	_ = 	snop;
	(pc) =	sbr.rel @p1 .LBB2_4-.Ltmp3, $4  }
.Ltmp4:
0x3d: {  	_ = 	snop;
	(pc) =	sbr.rel @!p1 .LBB2_5-.Ltmp4, $4  }
0x3e: {  	_ =	swait.ge [sflag:s12], $0x2700  }
0x3f: {  	[sflag:s12] =	ssyncset.done $0x0  }
0x40: {  	s13 =	smov.u32 s5;
	[sflag:s12] =	ssyncadd.s32 $0xFFFFD900  }
0x41: {  	_ = 	snop  }
.LBB2_3:
0x42: {  	s8 =	rddreg [dreg:$0xd]  }
.Ltmp5:
0x43: {  	s23 =	rddreg [dreg:$0x5];
	s10 =	sor.u32 $0x1C16, s8;
	(pc) =	sbr.rel @p2 .LBB2_5-.Ltmp5, $4  }
0x44: {  	[spmem:s13], [sflag:s10] =	dma.local [hbm:s23], $0x2700  }
0x45: {  	_ =	swait.ge [sflag:s12], $0x2700  }
0x46: {  	[sflag:s12] =	ssyncset.done $0x0  }
0x47: {  	s13 =	rddreg [dreg:$0x3];
	[sflag:s12] =	ssyncadd.s32 $0xFFFFD900  }
.LBB2_4:
0x48: {  	s13 =	sadd.s32 $0x27000, s13;
	s8 =	rddreg [dreg:$0x10]  }
0x49: {  	[spmem:s8], [sflag:s10] =	dma.local [hbm:s13], $0x100  }
0x4a: {  	_ =	swait.ge [sflag:s12], $0x100  }
0x4b: {  	[sflag:s12] =	ssyncset.done $0x0  }
0x4c: {  	[sflag:s12] =	ssyncadd.s32 $0xFFFFFF00  }
.LBB2_5:
0x4d: {  	_ =	swait.ge [sflag:s12], $0x2710  }
.Ltmp6:
0x4e: {  	[sflag:s12] =	ssyncset.done $0x0;
	(pc) =	sbr.rel .LBB2_6-.Ltmp6, $4  }
0x4f: {  	[sflag:s12] =	ssyncadd.s32 $0xFFFFD8F0  }
0x50: {  	[bflag:$0x0] =	sbarrier.arrive $0xFFFF  }
0x51: {  	s18 =	simm.s32 $0x0;
	s22 =	simm.s32 $0x28;
	s13 =	rddreg [dreg:$0xc]  }
0x52: {  	s23 =	simm.s32 $0xFFFFFFF9;
	s16 =	simm.s32 $0x0;
	s10 =	rddreg [dreg:$0xb]  }
.LBB2_32:
0x53: {  	s8 =	sadd.s32 $0xF0, s21;
	s12 =	simm.s32 $0xA380  }
0x54: {  	[tilespmem:s12], [sflag:$0xE] =	stream.indirect.gather [hbm4b:s5+s24], $0x80, s8, s24, $0xb8;
	[tilespmem:$0x1F000] =	vst v63  }
0x55: {  	s8 =	sadd.s32 s4, s8  }
0x56: {  	s8 =	sshrl.u32 s8, $0x3  }
0x57: {  	s21 =	simm.s32 $0x2A80;
	s8 =	sadd.s32 s6, s8  }
0x58: {  	[tilespmem:s21], [sflag:$0x7] =	stream.linear.gather [hbm4b:s8+s3], $0x28, $0x38;
	[tilespmem:$0x1F000] =	vst v63  }
.LBB2_33:
0x59: {  	_ =	swait.ge [sflag:s15], $0x1400;
	s23 =	sadd.s32 $0x7, s23  }
0x5a: {  	[sflag:s15] =	ssyncset.done $0x0;
	p4 =	sne.s32 s23, $0xFC  }
.Ltmp7:
0x5b: {  	[sflag:s15] =	ssyncadd.s32 $0xFFFFEC00;
	(pc) =	sbr.rel @!p4 .LBB2_34-.Ltmp7, $4  }
0x5c: {  	s16 =	sadd.s32 $0x1, s16;
	_ =	swait.ge [sflag:s17], $0x28  }
0x5d: {  	s18 =	sadd.s32 $0x118, s18;
	s10 =	sadd.s32 $0x23, s10;
	[sflag:s17] =	ssyncset.done $0x0  }
0x5e: {  	s22 =	sadd.s32 $0x118, s22;
	s13 =	sadd.s32 $0x23, s13;
	[sflag:s17] =	ssyncadd.s32 $0xFFFFFFD8  }
0x5f: {  	[spmem:s2] =	stream.indirect.scatter.add.f32 [tilespmem:s26], [sflag:$0x10], $0x80, s25, s24, $0xb8;
	[tilespmem:$0x1F000] =	vst v63  }
.LBB2_6:
0x60: {  	p4 =	sgt.u32 s23, $0xF9  }
0x61: {  	s19 =	simm.s32 @!p4 $0xF  }
0x62: {  	_ =	swait.ge @!p4 [sflag:s19], $0x1400  }
0x63: {  	[sflag:s19] =	ssyncset.done @!p4 $0x0  }
0x64: {  	[sflag:s19] =	ssyncadd.s32 @!p4 $0xFFFFEC00;
	p4 =	seq.s32 s23, $0xF5  }
0x65: {  	s19 =	sadd.s32 @!p4 $0xFFFFFFD8, s22;
	s21 =	simm.s32 @!p4 $0x28;
	s8 =	simm.s32 @!p4 $0x2B80  }
0x66: {  	[tilespmem:s8], [sflag:$0x8] =	stream.indirect.gather @!p4 [hbm4b:s5+s21], $0x80, s19, s21, $0xb8;
	[tilespmem:$0x1F000] =	vst v63  }
0x67: {  	s8 =	simm.s32 @!p4 $0x0;
	s19 =	simm.s32 @!p4 $0x2780  }
0x68: {  	[tilespmem:s19], [sflag:$0x1] =	stream.linear.gather @!p4 [hbm4b:s13+s8], $0x28, $0x38;
	[tilespmem:$0x1F000] =	vst v63  }
0x69: {  	s8 =	sadd.s32 @!p4 $0x2, s23  }
0x6a: {  	p5 =	sgt.u32 @!p4 s8, $0xF9  }
0x6b: {  	p5 =	por p4, !p5  }
.Ltmp8:
0x6c: {  	_ = 	snop;
	(pc) =	sbr.rel @!p5 .LBB2_7-.Ltmp8, $1  }
0x6d: {  	_ =	sdelay $0x3  }
0x6e: {  	s8 =	simm.s32 $0xA  }
0x6f: {  	_ =	swait.ge [sflag:s8], $0x1400  }
0x70: {  	[sflag:s8] =	ssyncset.done $0x0  }
0x71: {  	s12 =	simm.s32 $0x3;
	s21 =	sadd.s32 $0x1, s23;
	[sflag:s8] =	ssyncadd.s32 $0xFFFFEC00  }
0x72: {  	p5 =	sgt.u32 s21, $0xF9;
	_ =	swait.ge [sflag:s12], $0x28  }
0x73: {  	s19 =	simm.s32 $0x2880;
	s8 =	simm.s32 @!p5 $0x10;
	[sflag:s12] =	ssyncset.done $0x0  }
.Ltmp9:
0x74: {  	[sflag:s12] =	ssyncadd.s32 $0xFFFFFFD8;
	s12 =	simm.s32 $0x5380;
	(pc) =	sbr.rel @!p4 .LBB2_9-.Ltmp9, $4  }
0x75: {  	[spmem:s2] =	stream.indirect.scatter.add.f32 [tilespmem:s12], [sflag:$0x11], $0x80, s19, s24, $0xb8;
	[tilespmem:$0x1F000] =	vst v63  }
0x76: {  	_ =	swait.ge @!p5 [sflag:s8], $0x1400  }
0x77: {  	[sflag:s8] =	ssyncset.done @!p5 $0x0  }
0x78: {  	[sflag:s8] =	ssyncadd.s32 @!p5 $0xFFFFEC00  }
0x79: {  	_ =	swait.ge [sflag:s28], $0x1400  }
0x7a: {  	[sflag:s28] =	ssyncset.done $0x0  }
0x7b: {  	[sflag:s28] =	ssyncadd.s32 $0xFFFFEC00  }
0x7c: {  	_ =	swait.ge [sflag:s29], $0x28  }
0x7d: {  	[sflag:s29] =	ssyncset.done $0x0  }
0x7e: {  	[sflag:s29] =	ssyncadd.s32 $0xFFFFFFD8  }
0x7f: {  	[spmem:s2] =	stream.indirect.scatter.add.f32 [tilespmem:s31], [sflag:$0x12], $0x80, s30, s24, $0xb8;
	[tilespmem:$0x1F000] =	vst v63  }
0x80: {  	_ =	swait.ge [sflag:s1], $0x1400  }
0x81: {  	[sflag:s1] =	ssyncset.done $0x0  }
0x82: {  	[sflag:s1] =	ssyncadd.s32 $0xFFFFEC00  }
0x83: {  	_ =	swait.ge [sflag:s0], $0x1400  }
0x84: {  	[sflag:s0] =	ssyncset.done $0x0  }
.Ltmp10:
0x85: {  	[sflag:s0] =	ssyncadd.s32 $0xFFFFEC00;
	(pc) =	sbr.rel .LBB2_20-.Ltmp10, $4  }
0x86: {  	_ =	swait.ge [sflag:s9], $0x28  }
0x87: {  	[sflag:s9] =	ssyncset.done $0x0  }
0x88: {  	[sflag:s9] =	ssyncadd.s32 $0xFFFFFFD8  }
0x89: {  	[spmem:s2] =	stream.indirect.scatter.add.f32 [tilespmem:s7], [sflag:$0x13], $0x80, s11, s24, $0xb8;
	[tilespmem:$0x1F000] =	vst v63  }
.LBB2_7:
.Ltmp11:
0x8a: {  	(pc) =	sbr.rel .LBB2_10-.Ltmp11, $2  }
0x8b: {  	_ =	sdelay $0x2  }
0x8c: {  	s21 =	smul.u32 @!p4 $0x118, s16;
	p6 =	por @!p4 $0x0, $0x0  }
.LBB2_9:
0x8d: {  	s21 =	smul.u32 $0x118, s16;
	p6 =	por $0x1, $0x1  }
.LBB2_10:
0x8e: {  	s19 =	sadd.s32 $0x3, s23  }
0x8f: {  	p5 =	sgt.u32 s19, $0xF9  }
.Ltmp12:
0x90: {  	_ = 	snop;
	(pc) =	sbr.rel @p5 .LBB2_12-.Ltmp12, $4  }
0x91: {  	_ = 	snop  }
0x92: {  	[tilespmem:s26], [sflag:$0x9] =	stream.indirect.gather [hbm4b:s5+s24], $0x80, s22, s24, $0xb8;
	[tilespmem:$0x1F000] =	vst v63  }
0x93: {  	_ = 	snop  }
0x94: {  	[tilespmem:s25], [sflag:$0x2] =	stream.linear.gather [hbm4b:s10+s3], $0x28, $0x38;
	[tilespmem:$0x1F000] =	vst v63  }
0x95: {  	_ =	swait.ge [sflag:s28], $0x1400  }
0x96: {  	[sflag:s28] =	ssyncset.done $0x0  }
.Ltmp13:
0x97: {  	[sflag:s28] =	ssyncadd.s32 $0xFFFFEC00;
	(pc) =	sbr.rel @p6 .LBB2_13-.Ltmp13, $4  }
.Ltmp14:
0x98: {  	_ =	swait.ge [sflag:s29], $0x28;
	(pc) =	sbr.rel @!p6 .LBB2_14-.Ltmp14, $4  }
0x99: {  	[sflag:s29] =	ssyncset.done $0x0  }
0x9a: {  	p5 =	por $0x1, $0x1;
	s21 =	smov.u32 s18;
	[sflag:s29] =	ssyncadd.s32 $0xFFFFFFD8  }
0x9b: {  	[spmem:s2] =	stream.indirect.scatter.add.f32 [tilespmem:s31], [sflag:$0x12], $0x80, s30, s24, $0xb8;
	[tilespmem:$0x1F000] =	vst v63  }
0x9c: {  	_ = 	snop  }
.LBB2_12:
.Ltmp15:
0x9d: {  	(pc) =	sbr.rel @!p6 .LBB2_14-.Ltmp15, $2  }
0x9e: {  	_ =	sdelay $0x2  }
0x9f: {  	p5 =	por $0x0, $0x0  }
.LBB2_13:
0xa0: {  	_ =	swait.ge [sflag:s1], $0x1400  }
0xa1: {  	[sflag:s1] =	ssyncset.done $0x0  }
0xa2: {  	p5 =	slt.u32 s19, $0xFA;
	s21 =	smov.u32 s18;
	[sflag:s1] =	ssyncadd.s32 $0xFFFFEC00  }
.LBB2_14:
0xa3: {  	s8 =	sadd.s32 $0x50, s21;
	s12 =	simm.s32 $0x5380  }
0xa4: {  	[tilespmem:s12], [sflag:$0xA] =	stream.indirect.gather [hbm4b:s5+s24], $0x80, s8, s24, $0xb8;
	[tilespmem:$0x1F000] =	vst v63  }
0xa5: {  	s8 =	sadd.s32 s4, s8  }
0xa6: {  	s8 =	sshrl.u32 s8, $0x3  }
0xa7: {  	s19 =	simm.s32 $0x2880;
	s8 =	sadd.s32 s6, s8  }
0xa8: {  	[tilespmem:s19], [sflag:$0x3] =	stream.linear.gather [hbm4b:s8+s3], $0x28, $0x38;
	[tilespmem:$0x1F000] =	vst v63  }
0xa9: {  	s19 =	sadd.s32 $0x4, s23  }
0xaa: {  	p6 =	sgt.u32 s19, $0xF9  }
.Ltmp16:
0xab: {  	_ = 	snop;
	(pc) =	sbr.rel @p6 .LBB2_18-.Ltmp16, $1  }
0xac: {  	_ =	sdelay $0x3  }
0xad: {  	_ =	swait.ge [sflag:s0], $0x1400  }
0xae: {  	[sflag:s0] =	ssyncset.done $0x0  }
.Ltmp17:
0xaf: {  	[sflag:s0] =	ssyncadd.s32 $0xFFFFEC00;
	(pc) =	sbr.rel @!p5 .LBB2_16-.Ltmp17, $4  }
0xb0: {  	_ =	swait.ge [sflag:s9], $0x28  }
0xb1: {  	[sflag:s9] =	ssyncset.done $0x0  }
0xb2: {  	[sflag:s9] =	ssyncadd.s32 $0xFFFFFFD8  }
0xb3: {  	[spmem:s2] =	stream.indirect.scatter.add.f32 [tilespmem:s7], [sflag:$0x13], $0x80, s11, s24, $0xb8;
	[tilespmem:$0x1F000] =	vst v63  }
.LBB2_20:
.Ltmp18:
0xb4: {  	(pc) =	sbr.rel @!p4 .LBB2_21-.Ltmp18, $4  }
.Ltmp19:
0xb5: {  	s8 =	simm.s32 $0x12;
	(pc) =	sbr.rel @p4 .LBB2_17-.Ltmp19, $4  }
0xb6: {  	_ =	swait.ge [sflag:s8], $0x1400  }
0xb7: {  	[sflag:s8] =	ssyncset.done $0x0  }
0xb8: {  	p6 =	por $0x1, $0x1;
	s21 =	smov.u32 s18;
	[sflag:s8] =	ssyncadd.s32 $0xFFFFEC00  }
0xb9: {  	_ = 	snop  }
.LBB2_18:
.Ltmp20:
0xba: {  	(pc) =	sbr.rel .LBB2_21-.Ltmp20, $4  }
0xbb: {  	s8 =	simm.s32 @p5 $0x12  }
0xbc: {  	_ =	swait.ge @p5 [sflag:s8], $0x1400  }
0xbd: {  	p6 =	por @p5 $0x0, $0x0;
	[sflag:s8] =	ssyncset.done @p5 $0x0  }
0xbe: {  	s21 =	smov.u32 @p5 s18;
	p6 =	por @!p5 p3, p3;
	[sflag:s8] =	ssyncadd.s32 @p5 $0xFFFFEC00  }
.LBB2_16:
.Ltmp21:
0xbf: {  	(pc) =	sbr.rel @p4 .LBB2_17-.Ltmp21, $2  }
0xc0: {  	_ =	sdelay $0x2  }
0xc1: {  	p6 =	por $0x1, $0x1;
	s21 =	smov.u32 s18  }
.LBB2_21:
0xc2: {  	s8 =	sadd.s32 $0x78, s21;
	s19 =	sadd.s32 $0x5, s23  }
0xc3: {  	[tilespmem:s31], [sflag:$0xB] =	stream.indirect.gather [hbm4b:s5+s24], $0x80, s8, s24, $0xb8;
	[tilespmem:$0x1F000] =	vst v63  }
0xc4: {  	p5 =	sgt.u32 s19, $0xF9  }
.Ltmp22:
0xc5: {  	_ = 	snop;
	(pc) =	sbr.rel @p5 .LBB2_23-.Ltmp22, $4  }
0xc6: {  	s8 =	sadd.s32 s4, s8  }
0xc7: {  	s8 =	sshrl.u32 s8, $0x3  }
0xc8: {  	s8 =	sadd.s32 s6, s8  }
0xc9: {  	[tilespmem:s30], [sflag:$0x4] =	stream.linear.gather [hbm4b:s8+s3], $0x28, $0x38;
	[tilespmem:$0x1F000] =	vst v63  }
0xca: {  	s8 =	simm.s32 $0xD  }
0xcb: {  	_ =	swait.ge [sflag:s8], $0x1400  }
0xcc: {  	[sflag:s8] =	ssyncset.done $0x0  }
.Ltmp23:
0xcd: {  	s12 =	simm.s32 $0x6;
	[sflag:s8] =	ssyncadd.s32 $0xFFFFEC00;
	(pc) =	sbr.rel @p6 .LBB2_24-.Ltmp23, $4  }
.Ltmp24:
0xce: {  	_ =	swait.ge [sflag:s12], $0x28;
	(pc) =	sbr.rel @!p6 .LBB2_25-.Ltmp24, $4  }
0xcf: {  	[sflag:s12] =	ssyncset.done $0x0  }
0xd0: {  	s8 =	simm.s32 $0x2A00;
	[sflag:s12] =	ssyncadd.s32 $0xFFFFFFD8;
	s12 =	simm.s32 $0x8F80  }
0xd1: {  	[spmem:s2] =	stream.indirect.scatter.add.f32 [tilespmem:s12], [sflag:$0x14], $0x80, s8, s24, $0xb8;
	[tilespmem:$0x1F000] =	vst v63  }
0xd2: {  	_ = 	snop  }
.LBB2_23:
.Ltmp25:
0xd3: {  	(pc) =	sbr.rel @!p6 .LBB2_25-.Ltmp25, $1  }
0xd4: {  	_ =	sdelay $0x3  }
.LBB2_24:
0xd5: {  	s8 =	simm.s32 $0x13  }
0xd6: {  	_ =	swait.ge [sflag:s8], $0x1400  }
0xd7: {  	[sflag:s8] =	ssyncset.done $0x0  }
0xd8: {  	[sflag:s8] =	ssyncadd.s32 $0xFFFFEC00  }
.LBB2_25:
0xd9: {  	s8 =	sadd.s32 $0xA0, s21;
	s12 =	sadd.s32 $0x6, s23  }
0xda: {  	[tilespmem:s7], [sflag:$0xC] =	stream.indirect.gather [hbm4b:s5+s24], $0x80, s8, s24, $0xb8;
	[tilespmem:$0x1F000] =	vst v63  }
0xdb: {  	p4 =	sgt.u32 s12, $0xF9  }
.Ltmp26:
0xdc: {  	_ = 	snop;
	(pc) =	sbr.rel @p4 .LBB2_27-.Ltmp26, $4  }
0xdd: {  	s8 =	sadd.s32 s4, s8  }
0xde: {  	s8 =	sshrl.u32 s8, $0x3  }
0xdf: {  	s8 =	sadd.s32 s6, s8  }
0xe0: {  	[tilespmem:s11], [sflag:$0x5] =	stream.linear.gather [hbm4b:s8+s3], $0x28, $0x38;
	[tilespmem:$0x1F000] =	vst v63  }
0xe1: {  	s8 =	simm.s32 $0xE  }
0xe2: {  	_ =	swait.ge [sflag:s8], $0x1400  }
0xe3: {  	p5 =	slt.u32 s19, $0xFA;
	[sflag:s8] =	ssyncset.done $0x0  }
.Ltmp27:
0xe4: {  	s12 =	simm.s32 $0x7;
	[sflag:s8] =	ssyncadd.s32 $0xFFFFEC00;
	(pc) =	sbr.rel @p5 .LBB2_28-.Ltmp27, $4  }
.Ltmp28:
0xe5: {  	_ =	swait.ge [sflag:s12], $0x28;
	(pc) =	sbr.rel @!p5 .LBB2_29-.Ltmp28, $4  }
0xe6: {  	[sflag:s12] =	ssyncset.done $0x0  }
0xe7: {  	s8 =	simm.s32 $0x2A80;
	[sflag:s12] =	ssyncadd.s32 $0xFFFFFFD8;
	s12 =	simm.s32 $0xA380  }
0xe8: {  	[spmem:s2] =	stream.indirect.scatter.add.f32 [tilespmem:s12], [sflag:$0x15], $0x80, s8, s24, $0xb8;
	[tilespmem:$0x1F000] =	vst v63  }
0xe9: {  	_ = 	snop  }
.LBB2_27:
.Ltmp29:
0xea: {  	(pc) =	sbr.rel @p5 .LBB2_29-.Ltmp29, $1  }
0xeb: {  	_ =	sdelay $0x3  }
.LBB2_28:
0xec: {  	s8 =	simm.s32 $0x14  }
0xed: {  	_ =	swait.ge [sflag:s8], $0x1400  }
0xee: {  	[sflag:s8] =	ssyncset.done $0x0  }
0xef: {  	[sflag:s8] =	ssyncadd.s32 $0xFFFFEC00  }
.LBB2_29:
0xf0: {  	p5 =	sgt.u32 s16, $0x22  }
0xf1: {  	s8 =	sadd.s32 @!p5 $0xC8, s21;
	s19 =	simm.s32 @!p5 $0x28;
	s12 =	simm.s32 @!p5 $0x8F80  }
0xf2: {  	[tilespmem:s12], [sflag:$0xD] =	stream.indirect.gather @!p5 [hbm4b:s5+s19], $0x80, s8, s19, $0xb8;
	[tilespmem:$0x1F000] =	vst v63  }
0xf3: {  	s8 =	sadd.s32 @!p5 s4, s8  }
0xf4: {  	s8 =	sshrl.u32 @!p5 s8, $0x3  }
0xf5: {  	s12 =	simm.s32 @!p5 $0x0;
	s19 =	simm.s32 @!p5 $0x2A00;
	s8 =	sadd.s32 @!p5 s6, s8  }
0xf6: {  	[tilespmem:s19], [sflag:$0x6] =	stream.linear.gather @!p5 [hbm4b:s8+s12], $0x28, $0x38;
	[tilespmem:$0x1F000] =	vst v63  }
0xf7: {  	_ =	swait.ge [sflag:s20], $0x1400  }
0xf8: {  	[sflag:s20] =	ssyncset.done $0x0  }
.Ltmp30:
0xf9: {  	[sflag:s20] =	ssyncadd.s32 $0xFFFFEC00;
	(pc) =	sbr.rel @p4 .LBB2_31-.Ltmp30, $4  }
0xfa: {  	_ =	swait.ge [sflag:s14], $0x28  }
0xfb: {  	[sflag:s14] =	ssyncset.done $0x0  }
0xfc: {  	s12 =	simm.s32 $0x2780;
	s19 =	simm.s32 $0x2B80;
	[sflag:s14] =	ssyncadd.s32 $0xFFFFFFD8  }
0xfd: {  	[spmem:s2] =	stream.indirect.scatter.add.f32 [tilespmem:s19], [sflag:$0xF], $0x80, s12, s24, $0xb8;
	[tilespmem:$0x1F000] =	vst v63  }
0xfe: {  	p4 =	slt.u32 s16, $0x23  }
.Ltmp31:
0xff: {  	_ = 	snop;
	(pc) =	sbr.rel @p4 .LBB2_32-.Ltmp31, $4  }
.Ltmp32:
0x100: {  	s8 =	simm.s32 $0x15;
	(pc) =	sbr.rel @!p4 .LBB2_33-.Ltmp32, $4  }
0x101: {  	_ =	swait.ge [sflag:s8], $0x1400  }
0x102: {  	[sflag:s8] =	ssyncset.done $0x0  }
0x103: {  	[sflag:s8] =	ssyncadd.s32 $0xFFFFEC00  }
0x104: {  	_ = 	snop  }
.LBB2_31:
.Ltmp33:
0x105: {  	(pc) =	sbr.rel @p5 .LBB2_33-.Ltmp33, $4  }
.Ltmp34:
0x106: {  	(pc) =	sbr.rel @!p5 .LBB2_32-.Ltmp34, $4  }
0x107: {  	_ = 	snop  }
0x108: {  	_ = 	snop  }
0x109: {  	_ = 	snop  }
0x10a: {  	_ = 	snop  }
.LBB2_35:
0x10b: {  	_ =	sfence.sel $0x180000  }
0x10c: {  	[bflag:$0x0] =	sbarrier.arrive $0xFFFF  }
0x10d: {  	_ =	strace $0x9000004A  }
0x10e: {  	s0 =	stileid.u32;
	[bflag:$0x2] =	sbarrier.arrive $0xFFFF  }
0x10f: {  	p0 =	sne.s32 s0, $0x0;
	s0 =	rddreg [dreg:$0x2]  }
0x110: {  	s0 =	sadd.s32 @!p0 $0x100000, s0  }
0x111: {  	[sflag:s0] =	ssyncadd.tile.s32 @!p0 $0x1;
	_ =	shalt  }
.Lfunc_end2:
_tile_overlayer_lowered:
.L_overlay_start_2:
0x112: {  	(tag) =	ssettag $0x2  }
0x113: {  	s0 =	rddreg [dreg:$0x0];
	s2 =	stileid.u32  }
0x114: {  	s1 =	rddreg [dreg:$0x1];
	p0 =	sne.s32 s2, $0x0  }
0x115: {  	s3 =	rddreg [dreg:$0x2];
	[bflag:$0x3] =	sbarrier.arrive $0xFFFF;
	s2 =	simm.s32 @!p0 $0x1C17  }
0x116: {  	[timem:s3], [sflag:s2] =	dma.local @!p0 [hbm:s0], s1  }
0x117: {  	s0 =	simm.s32 @!p0 $0x17  }
0x118: {  	_ =	swait.ge @!p0 [sflag:s0], s1  }
0x119: {  	s1 =	ssub.s32 @!p0 $0x0, s1;
	[sflag:s0] =	ssyncset.done @!p0 $0x0  }
0x11a: {  	[sflag:s0] =	ssyncadd.s32 @!p0 s1  }
0x11b: {  	[bflag:$0x3] =	sbarrier.arrive $0xFFFF  }
0x11c: {  	_ =	shalt  }

</sc_bundles>
